<compile_context>
chip_gen: v7x
topology: tpu7x:2x2x1
jax: 0.10.2.dev20260603
libtpu: 0.0.44.dev20260713+nightly
codegen_flags: <defaults>
</compile_context>

<pallas_src>
import jax
import jax.numpy as jnp
from jax import lax
from jax.experimental import pallas as pl
from jax.experimental.pallas import tpu as pltpu
from jax.experimental.pallas import tpu_sc as plsc

NC = 2
NS = 16
NW = NC * NS
LANES = 16
CHUNK = 128
SCK = 1
DEGW = 16
MB = 128


def _sc_degree(dst3, np_):
    cpw = dst3.shape[1]
    rpt = np_ // NS
    wb = rpt // 2
    mesh = plsc.VectorSubcoreMesh(
        core_axis_name="c", subcore_axis_name="s",
        num_cores=NC, num_subcores=NS)

    def body(dst_hbm, out_hbm, dstv, rows, stage, acc):
        c = lax.axis_index("c")
        s = lax.axis_index("s")
        w = s * NC + c
        pltpu.sync_copy(dst_hbm.at[w], dstv)
        onev = jnp.ones((LANES,), jnp.float32)
        zvec = jnp.zeros((LANES,), jnp.float32)

        def fill(r, carry):
            rows[r, pl.ds(0, LANES)] = onev
            return carry

        lax.fori_loop(0, CHUNK, fill, 0)

        def zrow(r, carry):
            stage[r, pl.ds(0, LANES)] = zvec
            return carry

        lax.fori_loop(0, wb, zrow, 0)
        base = s * rpt
        pltpu.sync_copy(stage, acc.at[pl.ds(base, wb)])
        pltpu.sync_copy(stage, acc.at[pl.ds(base + wb, wb)])
        plsc.subcore_barrier()

        def step(j, carry):
            pltpu.sync_copy(rows, acc.at[dstv.at[j]], add=True)
            return carry

        lax.fori_loop(0, cpw, step, 0)
        plsc.subcore_barrier()
        for h in range(2):
            pltpu.sync_copy(acc.at[pl.ds(base + h * wb, wb)], stage)
            pltpu.sync_copy(stage, out_hbm.at[c, pl.ds(base + h * wb, wb)])

    f = pl.kernel(
        body,
        out_type=jax.ShapeDtypeStruct((NC, np_, DEGW), jnp.float32),
        mesh=mesh,
        scratch_types=[
            pltpu.VMEM((cpw, CHUNK), jnp.int32),
            pltpu.VMEM((CHUNK, DEGW), jnp.float32),
            pltpu.VMEM((wb, DEGW), jnp.float32),
            pltpu.VMEM_SHARED((np_, DEGW), jnp.float32),
        ],
        compiler_params=pltpu.CompilerParams(use_tc_tiling_on_sc=False),
    )
    return f(dst3)


def _sc_agg(zsplit, src3, dst3, np_, half):
    nq = src3.shape[1]
    assert nq % 2 == 0
    rpt = np_ // NS
    wbr = rpt // 4
    mesh = plsc.VectorSubcoreMesh(
        core_axis_name="c", subcore_axis_name="s",
        num_cores=NC, num_subcores=NS)

    def body(z_hbm, src_hbm, dst_hbm, out_hbm, srcv, dstv, rows_a, rows_b,
             stage, acc, sem_a, sem_b):
        c = lax.axis_index("c")
        s = lax.axis_index("s")
        pltpu.sync_copy(src_hbm.at[s], srcv)
        pltpu.sync_copy(dst_hbm.at[s], dstv)
        zvec = jnp.zeros((LANES,), jnp.float32)

        def zrow(r, carry):
            for k in range(half // LANES):
                stage[r, pl.ds(k * LANES, LANES)] = zvec
            return carry

        lax.fori_loop(0, wbr, zrow, 0)
        base = s * rpt
        for h in range(4):
            pltpu.sync_copy(stage, acc.at[pl.ds(base + h * wbr, wbr)])
        plsc.subcore_barrier()

        def gstart(q, buf, sem):
            pltpu.async_copy(z_hbm.at[c].at[srcv.at[q]], buf, sem)

        def gwait(buf, sem):
            pltpu.make_async_copy(z_hbm.at[c].at[srcv.at[0]], buf, sem).wait()

        gstart(0, rows_a, sem_a)
        gstart(1, rows_b, sem_b)

        def step(t, carry):
            q = 2 * t
            gwait(rows_a, sem_a)
            pltpu.sync_copy(rows_a, acc.at[dstv.at[q]], add=True)
            gstart(q + 2, rows_a, sem_a)
            gwait(rows_b, sem_b)
            pltpu.sync_copy(rows_b, acc.at[dstv.at[q + 1]], add=True)
            gstart(q + 3, rows_b, sem_b)
            return carry

        lax.fori_loop(0, nq // 2 - 1, step, 0)
        qt = nq - 2
        gwait(rows_a, sem_a)
        pltpu.sync_copy(rows_a, acc.at[dstv.at[qt]], add=True)
        gwait(rows_b, sem_b)
        pltpu.sync_copy(rows_b, acc.at[dstv.at[qt + 1]], add=True)
        plsc.subcore_barrier()
        for h in range(4):
            pltpu.sync_copy(acc.at[pl.ds(base + h * wbr, wbr)], stage)
            pltpu.sync_copy(stage, out_hbm.at[c, pl.ds(base + h * wbr, wbr)])

    f = pl.kernel(
        body,
        out_type=jax.ShapeDtypeStruct((NC, np_, half), jnp.float32),
        mesh=mesh,
        scratch_types=[
            pltpu.VMEM((nq, SCK * CHUNK), jnp.int32),
            pltpu.VMEM((nq, SCK * CHUNK), jnp.int32),
            pltpu.VMEM((SCK * CHUNK, half), jnp.float32),
            pltpu.VMEM((SCK * CHUNK, half), jnp.float32),
            pltpu.VMEM((wbr, half), jnp.float32),
            pltpu.VMEM_SHARED((np_, half), jnp.float32),
            pltpu.SemaphoreType.DMA,
            pltpu.SemaphoreType.DMA,
        ],
        compiler_params=pltpu.CompilerParams(use_tc_tiling_on_sc=False),
    )
    return f(zsplit, src3, dst3)


def _dinv_block(d0_ref, d1_ref, i, n):
    deg = d0_ref[:, :1] + d1_ref[:, :1] + 1.0
    dinv = lax.rsqrt(deg)
    row = i * MB + lax.broadcasted_iota(jnp.int32, (MB, 1), 0)
    return dinv, jnp.where(row < n, dinv, 0.0)


def _split_store(o_ref, v, half):
    o_ref[0] = v[:, :half]
    o_ref[1] = v[:, half:]


def _tc_matmul(xp, W):
    din, dh = W.shape
    np_ = xp.shape[0]

    def body(x_ref, w_ref, o_ref):
        o_ref[...] = jnp.dot(x_ref[...], w_ref[...],
                             preferred_element_type=jnp.float32)

    return pl.pallas_call(
        body,
        grid=(np_ // MB,),
        in_specs=[
            pl.BlockSpec((MB, din), lambda i: (i, 0)),
            pl.BlockSpec((din, dh), lambda i: (0, 0)),
        ],
        out_specs=pl.BlockSpec((MB, dh), lambda i: (i, 0)),
        out_shape=jax.ShapeDtypeStruct((np_, dh), jnp.float32),
    )(xp, W)


def _tc_scale_split(xw, d0, d1, n, np_):
    dh = xw.shape[1]
    half = dh // 2

    def body(x_ref, d0_ref, d1_ref, o_ref):
        _, dinv_m = _dinv_block(d0_ref, d1_ref, pl.program_id(0), n)
        _split_store(o_ref, x_ref[...] * dinv_m, half)

    return pl.pallas_call(
        body,
        grid=(np_ // MB,),
        in_specs=[
            pl.BlockSpec((MB, dh), lambda i: (i, 0)),
            pl.BlockSpec((MB, DEGW), lambda i: (i, 0)),
            pl.BlockSpec((MB, DEGW), lambda i: (i, 0)),
        ],
        out_specs=pl.BlockSpec((NC, MB, half), lambda i: (0, i, 0)),
        out_shape=jax.ShapeDtypeStruct((NC, np_, half), jnp.float32),
    )(xw, d0, d1)


def _tc_layer(a, z, d0, d1, b, W, n, np_):
    dh = W.shape[1]
    half = dh // 2

    def body(a_ref, z_ref, d0_ref, d1_ref, b_ref, w_ref, o_ref):
        dinv, dinv_m = _dinv_block(d0_ref, d1_ref, pl.program_id(0), n)
        agg = jnp.concatenate([a_ref[0], a_ref[1]], axis=1)
        zf = jnp.concatenate([z_ref[0], z_ref[1]], axis=1)
        h = jnp.maximum(dinv * (agg + zf) + b_ref[...], 0.0)
        z2 = jnp.dot(h, w_ref[...], preferred_element_type=jnp.float32) * dinv_m
        _split_store(o_ref, z2, half)

    return pl.pallas_call(
        body,
        grid=(np_ // MB,),
        in_specs=[
            pl.BlockSpec((NC, MB, half), lambda i: (0, i, 0)),
            pl.BlockSpec((NC, MB, half), lambda i: (0, i, 0)),
            pl.BlockSpec((MB, DEGW), lambda i: (i, 0)),
            pl.BlockSpec((MB, DEGW), lambda i: (i, 0)),
            pl.BlockSpec((1, dh), lambda i: (0, 0)),
            pl.BlockSpec((dh, dh), lambda i: (0, 0)),
        ],
        out_specs=pl.BlockSpec((NC, MB, half), lambda i: (0, i, 0)),
        out_shape=jax.ShapeDtypeStruct((NC, np_, half), jnp.float32),
    )(a, z, d0, d1, b, W)


def _tc_final(a, z, d0, d1, b, wtile, gmat, brow, n, np_, dh, sub):
    NB = wtile.shape[0]
    half = dh // 2
    ng = NB // sub

    def body(a_ref, z_ref, d0_ref, d1_ref, b_ref, w_ref, g_ref, bo_ref, o_ref):
        i = pl.program_id(0)
        deg = d0_ref[:, :1] + d1_ref[:, :1] + 1.0
        dinv = lax.rsqrt(deg)
        agg = jnp.concatenate([a_ref[0], a_ref[1]], axis=1)
        zf = jnp.concatenate([z_ref[0], z_ref[1]], axis=1)
        h = jnp.maximum(dinv * (agg + zf) + b_ref[...], 0.0)
        row = i * NB + lax.broadcasted_iota(jnp.int32, (NB, 1), 0)
        h = jnp.where(row < n, h, 0.0)
        s = jnp.sum(h * w_ref[...], axis=1, keepdims=True)
        o_ref[...] = jnp.dot(g_ref[...], s,
                             preferred_element_type=jnp.float32) + bo_ref[...]

    return pl.pallas_call(
        body,
        grid=(np_ // NB,),
        in_specs=[
            pl.BlockSpec((NC, NB, half), lambda i: (0, i, 0)),
            pl.BlockSpec((NC, NB, half), lambda i: (0, i, 0)),
            pl.BlockSpec((NB, DEGW), lambda i: (i, 0)),
            pl.BlockSpec((NB, DEGW), lambda i: (i, 0)),
            pl.BlockSpec((1, dh), lambda i: (0, 0)),
            pl.BlockSpec((NB, dh), lambda i: (0, 0)),
            pl.BlockSpec((ng, NB), lambda i: (0, 0)),
            pl.BlockSpec((1, 1), lambda i: (0, 0)),
        ],
        out_specs=pl.BlockSpec((ng, 1), lambda i: (i, 0)),
        out_shape=jax.ShapeDtypeStruct((np_ // sub, 1), jnp.float32),
    )(a, z, d0, d1, b, wtile, gmat, brow)


def kernel(x, edge_index, W1, b1, W2, b2, Wout, bout):
    n, din = x.shape
    dh = W1.shape[1]
    half = dh // 2
    sub = Wout.shape[0] // dh
    e = edge_index.shape[1]
    ei = edge_index.astype(jnp.int32)

    align = MB * sub
    np_ = -(-(n + 1) // align) * align
    ealign = NS * CHUNK * SCK * 2
    ep = -(-e // ealign) * ealign
    padi = jnp.full((ep - e,), n, jnp.int32)
    src = jnp.concatenate([ei[0], padi])
    dst = jnp.concatenate([ei[1], padi])
    src16 = src.reshape(NS, -1, SCK * CHUNK)
    dst16 = dst.reshape(NS, -1, SCK * CHUNK)
    dst32 = dst.reshape(NW, -1, CHUNK)

    xp = jnp.pad(x, ((0, np_ - n), (0, 0)))

    degp = _sc_degree(dst32, np_)
    xw1 = _tc_matmul(xp, W1)
    d0, d1 = degp[0], degp[1]

    z1 = _tc_scale_split(xw1, d0, d1, n, np_)
    a1 = _sc_agg(z1, src16, dst16, np_, half)
    z2 = _tc_layer(a1, z1, d0, d1, b1.reshape(1, dh), W2, n, np_)
    a2 = _sc_agg(z2, src16, dst16, np_, half)

    NB = MB * sub // 2
    wtile = jnp.tile(Wout.reshape(sub, dh), (NB // sub, 1))
    gids = jnp.arange(NB, dtype=jnp.int32) // sub
    gmat = (gids[None, :] == jnp.arange(NB // sub, dtype=jnp.int32)[:, None])
    o = _tc_final(a2, z2, d0, d1, b2.reshape(1, dh), wtile,
                  gmat.astype(jnp.float32), bout.reshape(1, 1),
                  n, np_, dh, sub)
    return o[:n // sub]

# --- scband reference (transcript-rebuilt; emitter-appended) ---
"""Pipeline reference for scband-adams-gcn-22574348108378 (READ-ONLY COPY).

The authoritative reference and input builder live on the scoring server;
editing this copy changes nothing except your own understanding.
"""

import jax, jax.numpy as jnp
import numpy as np

N_NODES = 10000
D_IN = 128
D_HID = 128
SUBGRAPH = 10
N_EDGES = 320000


def gcn_conv(x, edge_index, W, b):
    n = x.shape[0]
    src = edge_index[0]
    dst = edge_index[1]
    loops = jnp.arange(n, dtype=src.dtype)
    src = jnp.concatenate([src, loops])
    dst = jnp.concatenate([dst, loops])
    xw = x @ W
    deg = jnp.zeros((n,), dtype=x.dtype).at[dst].add(1.0)
    dinv = jax.lax.rsqrt(deg)
    norm = dinv[src] * dinv[dst]
    msg = jnp.take(xw, src, axis=0) * norm[:, None]
    out = jnp.zeros((n, xw.shape[1]), dtype=x.dtype).at[dst].add(msg)
    return out + b


def setup_inputs(seed: int = 0) -> dict:
    key = jax.random.key(seed)
    ks = jax.random.split(key, 8)
    x = jax.random.normal(ks[0], (N_NODES, D_IN), dtype=jnp.float32)
    edge_index = jax.random.randint(ks[1], (2, N_EDGES), 0, N_NODES, dtype=jnp.int64 if jax.config.jax_enable_x64 else jnp.int32)
    s1 = 1.0 / np.sqrt(D_IN)
    s2 = 1.0 / np.sqrt(D_HID)
    s3 = 1.0 / np.sqrt(D_HID * SUBGRAPH)
    W1 = jax.random.uniform(ks[2], (D_IN, D_HID), minval=-s1, maxval=s1, dtype=jnp.float32)
    b1 = jnp.zeros((D_HID,), dtype=jnp.float32)
    W2 = jax.random.uniform(ks[3], (D_HID, D_HID), minval=-s2, maxval=s2, dtype=jnp.float32)
    b2 = jnp.zeros((D_HID,), dtype=jnp.float32)
    Wout = jax.random.uniform(ks[4], (D_HID * SUBGRAPH, 1), minval=-s3, maxval=s3, dtype=jnp.float32)
    bout = jax.random.uniform(ks[5], (1,), minval=-s3, maxval=s3, dtype=jnp.float32)
    return {"x": x, "edge_index": edge_index, "W1": W1, "b1": b1, "W2": W2, "b2": b2, "Wout": Wout, "bout": bout}


def reference(x, edge_index, W1, b1, W2, b2, Wout, bout):
    h = gcn_conv(x, edge_index, W1, b1)
    h = jax.nn.relu(h)
    h = gcn_conv(h, edge_index, W2, b2)
    h = jax.nn.relu(h)
    n = h.shape[0]
    h = jnp.reshape(h, (n // SUBGRAPH, SUBGRAPH * h.shape[1]))
    out = h @ Wout + bout
    return out

if __name__ == "__main__":
    import jax
    _d = setup_inputs()
    print(jax.jit(kernel)(*tuple(_d.values())))

</pallas_src>

<mosaic_0001>
#map = affine_map<(d0, d1) -> (0, 0, 0)>
module attributes {stable_mosaic.version = 14 : i64} {
  func.func @body(%arg0: i32, %arg1: i32, %arg2: memref<2x10240x64xf32, #tpu.memory_space<hbm>>, %arg3: memref<16x158x128xi32, #tpu.memory_space<hbm>>, %arg4: memref<16x158x128xi32, #tpu.memory_space<hbm>>, %arg5: memref<2x10240x64xf32, #tpu.memory_space<hbm>>, %arg6: memref<158x128xi32, #tpu.memory_space<vmem>>, %arg7: memref<158x128xi32, #tpu.memory_space<vmem>>, %arg8: memref<128x64xf32, #tpu.memory_space<vmem>>, %arg9: memref<128x64xf32, #tpu.memory_space<vmem>>, %arg10: memref<160x64xf32, #tpu.memory_space<vmem>>, %arg11: memref<10240x64xf32, #tpu.memory_space<vmem_shared>>, %arg12: memref<!tpu.dma_semaphore, #tpu.memory_space<semaphore_mem>>, %arg13: memref<!tpu.dma_semaphore, #tpu.memory_space<semaphore_mem>>) attributes {dimension_semantics = [#tpu.dimension_semantics<core_parallel>, #tpu.dimension_semantics<subcore_parallel>], iteration_bounds = array<i64: 2, 16>, scalar_prefetch = 0 : i64, scratch_operands = 8 : i64, tpu.core_type = #tpu.core_type<sc_vector_subcore>, window_params = [{transform_indices = #map}, {transform_indices = #map}, {transform_indices = #map}, {transform_indices = #map}]} {
    "tpu.region"() ({
      %run_scoped3A_80 = tpu.sem_alloc : memref<!tpu.dma_semaphore, #tpu.memory_space<semaphore_mem>>
      %dma_start3A_81 = arith.constant 0 : i32
      %dma_start3A_82 = arith.constant 0 : i32
      %dma_start3A_83 = tpu.memref_slice %arg3[%arg1, %dma_start3A_81, %dma_start3A_82] : memref<16x158x128xi32, #tpu.memory_space<hbm>> -> memref<1x158x128xi32, #tpu.memory_space<hbm>>
      %dma_start3A_84 = tpu.memref_squeeze %dma_start3A_83 : memref<1x158x128xi32, #tpu.memory_space<hbm>> -> memref<158x128xi32, #tpu.memory_space<hbm>>
      %dma_start3A_85 = arith.constant 0 : i32
      %dma_start3A_86 = arith.constant 0 : i32
      %dma_start3A_87 = tpu.memref_slice %arg3[%arg1, %dma_start3A_85, %dma_start3A_86] : memref<16x158x128xi32, #tpu.memory_space<hbm>> -> memref<1x158x128xi32, #tpu.memory_space<hbm>>
      %dma_start3A_88 = tpu.memref_squeeze %dma_start3A_87 : memref<1x158x128xi32, #tpu.memory_space<hbm>> -> memref<158x128xi32, #tpu.memory_space<hbm>>
      tpu.enqueue_dma source(%dma_start3A_88 : memref<158x128xi32, #tpu.memory_space<hbm>>) target(%arg6 : memref<158x128xi32, #tpu.memory_space<vmem>>) target_semaphore(%run_scoped3A_80 : memref<!tpu.dma_semaphore, #tpu.memory_space<semaphore_mem>>)
      %dma_wait3A_89 = arith.constant 0 : i32
      %dma_wait3A_90 = arith.constant 0 : i32
      %dma_wait3A_91 = tpu.memref_slice %arg3[%arg1, %dma_wait3A_89, %dma_wait3A_90] : memref<16x158x128xi32, #tpu.memory_space<hbm>> -> memref<1x158x128xi32, #tpu.memory_space<hbm>>
      %dma_wait3A_92 = tpu.memref_squeeze %dma_wait3A_91 : memref<1x158x128xi32, #tpu.memory_space<hbm>> -> memref<158x128xi32, #tpu.memory_space<hbm>>
      %dma_wait3A_93 = arith.constant 0 : i32
      %dma_wait3A_94 = arith.constant 0 : i32
      %dma_wait3A_95 = tpu.memref_slice %arg3[%arg1, %dma_wait3A_93, %dma_wait3A_94] : memref<16x158x128xi32, #tpu.memory_space<hbm>> -> memref<1x158x128xi32, #tpu.memory_space<hbm>>
      %dma_wait3A_96 = tpu.memref_squeeze %dma_wait3A_95 : memref<1x158x128xi32, #tpu.memory_space<hbm>> -> memref<158x128xi32, #tpu.memory_space<hbm>>
      tpu.wait_dma2 semaphore(%run_scoped3A_80 : memref<!tpu.dma_semaphore, #tpu.memory_space<semaphore_mem>>) src(%dma_wait3A_96 : memref<158x128xi32, #tpu.memory_space<hbm>>) dst(%arg6 : memref<158x128xi32, #tpu.memory_space<vmem>>)
      tpu.yield
    }) : () -> ()
    "tpu.region"() ({
      %run_scoped3A_80 = tpu.sem_alloc : memref<!tpu.dma_semaphore, #tpu.memory_space<semaphore_mem>>
      %dma_start3A_81 = arith.constant 0 : i32
      %dma_start3A_82 = arith.constant 0 : i32
      %dma_start3A_83 = tpu.memref_slice %arg4[%arg1, %dma_start3A_81, %dma_start3A_82] : memref<16x158x128xi32, #tpu.memory_space<hbm>> -> memref<1x158x128xi32, #tpu.memory_space<hbm>>
      %dma_start3A_84 = tpu.memref_squeeze %dma_start3A_83 : memref<1x158x128xi32, #tpu.memory_space<hbm>> -> memref<158x128xi32, #tpu.memory_space<hbm>>
      %dma_start3A_85 = arith.constant 0 : i32
      %dma_start3A_86 = arith.constant 0 : i32
      %dma_start3A_87 = tpu.memref_slice %arg4[%arg1, %dma_start3A_85, %dma_start3A_86] : memref<16x158x128xi32, #tpu.memory_space<hbm>> -> memref<1x158x128xi32, #tpu.memory_space<hbm>>
      %dma_start3A_88 = tpu.memref_squeeze %dma_start3A_87 : memref<1x158x128xi32, #tpu.memory_space<hbm>> -> memref<158x128xi32, #tpu.memory_space<hbm>>
      tpu.enqueue_dma source(%dma_start3A_88 : memref<158x128xi32, #tpu.memory_space<hbm>>) target(%arg7 : memref<158x128xi32, #tpu.memory_space<vmem>>) target_semaphore(%run_scoped3A_80 : memref<!tpu.dma_semaphore, #tpu.memory_space<semaphore_mem>>)
      %dma_wait3A_89 = arith.constant 0 : i32
      %dma_wait3A_90 = arith.constant 0 : i32
      %dma_wait3A_91 = tpu.memref_slice %arg4[%arg1, %dma_wait3A_89, %dma_wait3A_90] : memref<16x158x128xi32, #tpu.memory_space<hbm>> -> memref<1x158x128xi32, #tpu.memory_space<hbm>>
      %dma_wait3A_92 = tpu.memref_squeeze %dma_wait3A_91 : memref<1x158x128xi32, #tpu.memory_space<hbm>> -> memref<158x128xi32, #tpu.memory_space<hbm>>
      %dma_wait3A_93 = arith.constant 0 : i32
      %dma_wait3A_94 = arith.constant 0 : i32
      %dma_wait3A_95 = tpu.memref_slice %arg4[%arg1, %dma_wait3A_93, %dma_wait3A_94] : memref<16x158x128xi32, #tpu.memory_space<hbm>> -> memref<1x158x128xi32, #tpu.memory_space<hbm>>
      %dma_wait3A_96 = tpu.memref_squeeze %dma_wait3A_95 : memref<1x158x128xi32, #tpu.memory_space<hbm>> -> memref<158x128xi32, #tpu.memory_space<hbm>>
      tpu.wait_dma2 semaphore(%run_scoped3A_80 : memref<!tpu.dma_semaphore, #tpu.memory_space<semaphore_mem>>) src(%dma_wait3A_96 : memref<158x128xi32, #tpu.memory_space<hbm>>) dst(%arg7 : memref<158x128xi32, #tpu.memory_space<vmem>>)
      tpu.yield
    }) : () -> ()
    %broadcast_in_dim3A = arith.constant 0.000000e+00 : f32
    %broadcast_in_dim3A_0 = vector.broadcast %broadcast_in_dim3A : f32 to vector<16xf32>
    %scan3A = arith.constant 0 : i32
    %scan3A_1 = arith.constant 0 : i32
    %scan3A_2 = arith.constant 160 : i32
    %scan3A_3 = arith.addi %scan3A_1, %scan3A_2 : i32
    %scan3A_4 = arith.constant 1 : i32
    scf.for %scan3A_80 = %scan3A_1 to %scan3A_3 step %scan3A_4  : i32 {
      %swap3A = arith.index_cast %scan3A_80 : i32 to index
      %swap3A_81 = arith.constant 0 : index
      %swap3A_82 = tpu.vector_load %arg10[%swap3A, %swap3A_81] {strides = array<i32>} : memref<160x64xf32, #tpu.memory_space<vmem>>, vector<1x16xf32>,
      %swap3A_83 = vector.shape_cast %swap3A_82 : vector<1x16xf32> to vector<16xf32>
      %swap3A_84 = vector.shape_cast %broadcast_in_dim3A_0 : vector<16xf32> to vector<1x16xf32>
      tpu.vector_store %arg10[%swap3A, %swap3A_81], %swap3A_84 {strides = array<i32>} : memref<160x64xf32, #tpu.memory_space<vmem>>, vector<1x16xf32>,
      %swap3A_85 = arith.index_cast %scan3A_80 : i32 to index
      %swap3A_86 = arith.constant 16 : index
      %swap3A_87 = tpu.vector_load %arg10[%swap3A_85, %swap3A_86] {strides = array<i32>} : memref<160x64xf32, #tpu.memory_space<vmem>>, vector<1x16xf32>,
      %swap3A_88 = vector.shape_cast %swap3A_87 : vector<1x16xf32> to vector<16xf32>
      %swap3A_89 = vector.shape_cast %broadcast_in_dim3A_0 : vector<16xf32> to vector<1x16xf32>
      tpu.vector_store %arg10[%swap3A_85, %swap3A_86], %swap3A_89 {strides = array<i32>} : memref<160x64xf32, #tpu.memory_space<vmem>>, vector<1x16xf32>,
      %swap3A_90 = arith.index_cast %scan3A_80 : i32 to index
      %swap3A_91 = arith.constant 32 : index
      %swap3A_92 = tpu.vector_load %arg10[%swap3A_90, %swap3A_91] {strides = array<i32>} : memref<160x64xf32, #tpu.memory_space<vmem>>, vector<1x16xf32>,
      %swap3A_93 = vector.shape_cast %swap3A_92 : vector<1x16xf32> to vector<16xf32>
      %swap3A_94 = vector.shape_cast %broadcast_in_dim3A_0 : vector<16xf32> to vector<1x16xf32>
      tpu.vector_store %arg10[%swap3A_90, %swap3A_91], %swap3A_94 {strides = array<i32>} : memref<160x64xf32, #tpu.memory_space<vmem>>, vector<1x16xf32>,
      %swap3A_95 = arith.index_cast %scan3A_80 : i32 to index
      %swap3A_96 = arith.constant 48 : index
      %swap3A_97 = tpu.vector_load %arg10[%swap3A_95, %swap3A_96] {strides = array<i32>} : memref<160x64xf32, #tpu.memory_space<vmem>>, vector<1x16xf32>,
      %swap3A_98 = vector.shape_cast %swap3A_97 : vector<1x16xf32> to vector<16xf32>
      %swap3A_99 = vector.shape_cast %broadcast_in_dim3A_0 : vector<16xf32> to vector<1x16xf32>
      tpu.vector_store %arg10[%swap3A_95, %swap3A_96], %swap3A_99 {strides = array<i32>} : memref<160x64xf32, #tpu.memory_space<vmem>>, vector<1x16xf32>,
    }
    %scan3A_5 = arith.constant 160 : i32
    %mul3A = arith.constant 640 : i32
    %mul3A_6 = arith.muli %arg1, %mul3A : i32
    %add3A = arith.constant 0 : i32
    %add3A_7 = arith.addi %mul3A_6, %add3A : i32
    "tpu.region"() ({
      %run_scoped3A_80 = tpu.sem_alloc : memref<!tpu.dma_semaphore, #tpu.memory_space<semaphore_mem>>
      %dma_start3A_81 = arith.constant 0 : i32
      %dma_start3A_82 = tpu.memref_slice %arg11[%add3A_7, %dma_start3A_81] : memref<10240x64xf32, #tpu.memory_space<vmem_shared>> -> memref<160x64xf32, #tpu.memory_space<vmem_shared>>
      %dma_start3A_83 = arith.constant 0 : i32
      %dma_start3A_84 = tpu.memref_slice %arg11[%add3A_7, %dma_start3A_83] : memref<10240x64xf32, #tpu.memory_space<vmem_shared>> -> memref<160x64xf32, #tpu.memory_space<vmem_shared>>
      tpu.enqueue_dma source(%arg10 : memref<160x64xf32, #tpu.memory_space<vmem>>) target(%dma_start3A_84 : memref<160x64xf32, #tpu.memory_space<vmem_shared>>) target_semaphore(%run_scoped3A_80 : memref<!tpu.dma_semaphore, #tpu.memory_space<semaphore_mem>>)
      %dma_wait3A_85 = arith.constant 0 : i32
      %dma_wait3A_86 = tpu.memref_slice %arg11[%add3A_7, %dma_wait3A_85] : memref<10240x64xf32, #tpu.memory_space<vmem_shared>> -> memref<160x64xf32, #tpu.memory_space<vmem_shared>>
      %dma_wait3A_87 = arith.constant 0 : i32
      %dma_wait3A_88 = tpu.memref_slice %arg11[%add3A_7, %dma_wait3A_87] : memref<10240x64xf32, #tpu.memory_space<vmem_shared>> -> memref<160x64xf32, #tpu.memory_space<vmem_shared>>
      tpu.wait_dma2 semaphore(%run_scoped3A_80 : memref<!tpu.dma_semaphore, #tpu.memory_space<semaphore_mem>>) src(%arg10 : memref<160x64xf32, #tpu.memory_space<vmem>>) dst(%dma_wait3A_88 : memref<160x64xf32, #tpu.memory_space<vmem_shared>>)
      tpu.yield
    }) : () -> ()
    %add3A_8 = arith.constant 160 : i32
    %add3A_9 = arith.addi %mul3A_6, %add3A_8 : i32
    "tpu.region"() ({
      %run_scoped3A_80 = tpu.sem_alloc : memref<!tpu.dma_semaphore, #tpu.memory_space<semaphore_mem>>
      %dma_start3A_81 = arith.constant 0 : i32
      %dma_start3A_82 = tpu.memref_slice %arg11[%add3A_9, %dma_start3A_81] : memref<10240x64xf32, #tpu.memory_space<vmem_shared>> -> memref<160x64xf32, #tpu.memory_space<vmem_shared>>
      %dma_start3A_83 = arith.constant 0 : i32
      %dma_start3A_84 = tpu.memref_slice %arg11[%add3A_9, %dma_start3A_83] : memref<10240x64xf32, #tpu.memory_space<vmem_shared>> -> memref<160x64xf32, #tpu.memory_space<vmem_shared>>
      tpu.enqueue_dma source(%arg10 : memref<160x64xf32, #tpu.memory_space<vmem>>) target(%dma_start3A_84 : memref<160x64xf32, #tpu.memory_space<vmem_shared>>) target_semaphore(%run_scoped3A_80 : memref<!tpu.dma_semaphore, #tpu.memory_space<semaphore_mem>>)
      %dma_wait3A_85 = arith.constant 0 : i32
      %dma_wait3A_86 = tpu.memref_slice %arg11[%add3A_9, %dma_wait3A_85] : memref<10240x64xf32, #tpu.memory_space<vmem_shared>> -> memref<160x64xf32, #tpu.memory_space<vmem_shared>>
      %dma_wait3A_87 = arith.constant 0 : i32
      %dma_wait3A_88 = tpu.memref_slice %arg11[%add3A_9, %dma_wait3A_87] : memref<10240x64xf32, #tpu.memory_space<vmem_shared>> -> memref<160x64xf32, #tpu.memory_space<vmem_shared>>
      tpu.wait_dma2 semaphore(%run_scoped3A_80 : memref<!tpu.dma_semaphore, #tpu.memory_space<semaphore_mem>>) src(%arg10 : memref<160x64xf32, #tpu.memory_space<vmem>>) dst(%dma_wait3A_88 : memref<160x64xf32, #tpu.memory_space<vmem_shared>>)
      tpu.yield
    }) : () -> ()
    %add3A_10 = arith.constant 320 : i32
    %add3A_11 = arith.addi %mul3A_6, %add3A_10 : i32
    "tpu.region"() ({
      %run_scoped3A_80 = tpu.sem_alloc : memref<!tpu.dma_semaphore, #tpu.memory_space<semaphore_mem>>
      %dma_start3A_81 = arith.constant 0 : i32
      %dma_start3A_82 = tpu.memref_slice %arg11[%add3A_11, %dma_start3A_81] : memref<10240x64xf32, #tpu.memory_space<vmem_shared>> -> memref<160x64xf32, #tpu.memory_space<vmem_shared>>
      %dma_start3A_83 = arith.constant 0 : i32
      %dma_start3A_84 = tpu.memref_slice %arg11[%add3A_11, %dma_start3A_83] : memref<10240x64xf32, #tpu.memory_space<vmem_shared>> -> memref<160x64xf32, #tpu.memory_space<vmem_shared>>
      tpu.enqueue_dma source(%arg10 : memref<160x64xf32, #tpu.memory_space<vmem>>) target(%dma_start3A_84 : memref<160x64xf32, #tpu.memory_space<vmem_shared>>) target_semaphore(%run_scoped3A_80 : memref<!tpu.dma_semaphore, #tpu.memory_space<semaphore_mem>>)
      %dma_wait3A_85 = arith.constant 0 : i32
      %dma_wait3A_86 = tpu.memref_slice %arg11[%add3A_11, %dma_wait3A_85] : memref<10240x64xf32, #tpu.memory_space<vmem_shared>> -> memref<160x64xf32, #tpu.memory_space<vmem_shared>>
      %dma_wait3A_87 = arith.constant 0 : i32
      %dma_wait3A_88 = tpu.memref_slice %arg11[%add3A_11, %dma_wait3A_87] : memref<10240x64xf32, #tpu.memory_space<vmem_shared>> -> memref<160x64xf32, #tpu.memory_space<vmem_shared>>
      tpu.wait_dma2 semaphore(%run_scoped3A_80 : memref<!tpu.dma_semaphore, #tpu.memory_space<semaphore_mem>>) src(%arg10 : memref<160x64xf32, #tpu.memory_space<vmem>>) dst(%dma_wait3A_88 : memref<160x64xf32, #tpu.memory_space<vmem_shared>>)
      tpu.yield
    }) : () -> ()
    %add3A_12 = arith.constant 480 : i32
    %add3A_13 = arith.addi %mul3A_6, %add3A_12 : i32
    "tpu.region"() ({
      %run_scoped3A_80 = tpu.sem_alloc : memref<!tpu.dma_semaphore, #tpu.memory_space<semaphore_mem>>
      %dma_start3A_81 = arith.constant 0 : i32
      %dma_start3A_82 = tpu.memref_slice %arg11[%add3A_13, %dma_start3A_81] : memref<10240x64xf32, #tpu.memory_space<vmem_shared>> -> memref<160x64xf32, #tpu.memory_space<vmem_shared>>
      %dma_start3A_83 = arith.constant 0 : i32
      %dma_start3A_84 = tpu.memref_slice %arg11[%add3A_13, %dma_start3A_83] : memref<10240x64xf32, #tpu.memory_space<vmem_shared>> -> memref<160x64xf32, #tpu.memory_space<vmem_shared>>
      tpu.enqueue_dma source(%arg10 : memref<160x64xf32, #tpu.memory_space<vmem>>) target(%dma_start3A_84 : memref<160x64xf32, #tpu.memory_space<vmem_shared>>) target_semaphore(%run_scoped3A_80 : memref<!tpu.dma_semaphore, #tpu.memory_space<semaphore_mem>>)
      %dma_wait3A_85 = arith.constant 0 : i32
      %dma_wait3A_86 = tpu.memref_slice %arg11[%add3A_13, %dma_wait3A_85] : memref<10240x64xf32, #tpu.memory_space<vmem_shared>> -> memref<160x64xf32, #tpu.memory_space<vmem_shared>>
      %dma_wait3A_87 = arith.constant 0 : i32
      %dma_wait3A_88 = tpu.memref_slice %arg11[%add3A_13, %dma_wait3A_87] : memref<10240x64xf32, #tpu.memory_space<vmem_shared>> -> memref<160x64xf32, #tpu.memory_space<vmem_shared>>
      tpu.wait_dma2 semaphore(%run_scoped3A_80 : memref<!tpu.dma_semaphore, #tpu.memory_space<semaphore_mem>>) src(%arg10 : memref<160x64xf32, #tpu.memory_space<vmem>>) dst(%dma_wait3A_88 : memref<160x64xf32, #tpu.memory_space<vmem_shared>>)
      tpu.yield
    }) : () -> ()
    %barrier3A = arith.constant 0 : index
    tpu.barrier barrier_id(%barrier3A)
    %dma_start3A = arith.constant 0 : i32
    %dma_start3A_14 = arith.constant 0 : i32
    %dma_start3A_15 = tpu.memref_slice %arg6[%dma_start3A, %dma_start3A_14] : memref<158x128xi32, #tpu.memory_space<vmem>> -> memref<1x128xi32, #tpu.memory_space<vmem>>
    %dma_start3A_16 = tpu.memref_squeeze %dma_start3A_15 : memref<1x128xi32, #tpu.memory_space<vmem>> -> memref<128xi32, #tpu.memory_space<vmem>>
    %dma_start3A_17 = arith.constant 0 : i32
    %dma_start3A_18 = arith.constant 0 : i32
    %dma_start3A_19 = tpu.memref_slice %arg2[%arg0, %dma_start3A_17, %dma_start3A_18] : memref<2x10240x64xf32, #tpu.memory_space<hbm>> -> memref<1x10240x64xf32, #tpu.memory_space<hbm>>
    %dma_start3A_20 = tpu.memref_squeeze %dma_start3A_19 : memref<1x10240x64xf32, #tpu.memory_space<hbm>> -> memref<10240x64xf32, #tpu.memory_space<hbm>>
    %dma_start3A_21 = arith.constant 0 : i32
    %dma_start3A_22 = arith.constant 0 : i32
    %dma_start3A_23 = tpu.memref_slice %dma_start3A_20[%dma_start3A_21, %dma_start3A_22] : memref<10240x64xf32, #tpu.memory_space<hbm>> -> memref<10240x64xf32, #tpu.memory_space<hbm>>
    tpu.enqueue_indirect_dma source(%dma_start3A_23 : memref<10240x64xf32, #tpu.memory_space<hbm>>) target(%arg8 : memref<128x64xf32, #tpu.memory_space<vmem>>) offsets(%dma_start3A_16 : memref<128xi32, #tpu.memory_space<vmem>>) semaphore(%arg12 : memref<!tpu.dma_semaphore, #tpu.memory_space<semaphore_mem>>)
    %dma_start3A_24 = arith.constant 1 : i32
    %dma_start3A_25 = arith.constant 0 : i32
    %dma_start3A_26 = tpu.memref_slice %arg6[%dma_start3A_24, %dma_start3A_25] : memref<158x128xi32, #tpu.memory_space<vmem>> -> memref<1x128xi32, #tpu.memory_space<vmem>>
    %dma_start3A_27 = tpu.memref_squeeze %dma_start3A_26 : memref<1x128xi32, #tpu.memory_space<vmem>> -> memref<128xi32, #tpu.memory_space<vmem>>
    %dma_start3A_28 = arith.constant 0 : i32
    %dma_start3A_29 = arith.constant 0 : i32
    %dma_start3A_30 = tpu.memref_slice %arg2[%arg0, %dma_start3A_28, %dma_start3A_29] : memref<2x10240x64xf32, #tpu.memory_space<hbm>> -> memref<1x10240x64xf32, #tpu.memory_space<hbm>>
    %dma_start3A_31 = tpu.memref_squeeze %dma_start3A_30 : memref<1x10240x64xf32, #tpu.memory_space<hbm>> -> memref<10240x64xf32, #tpu.memory_space<hbm>>
    %dma_start3A_32 = arith.constant 0 : i32
    %dma_start3A_33 = arith.constant 0 : i32
    %dma_start3A_34 = tpu.memref_slice %dma_start3A_31[%dma_start3A_32, %dma_start3A_33] : memref<10240x64xf32, #tpu.memory_space<hbm>> -> memref<10240x64xf32, #tpu.memory_space<hbm>>
    tpu.enqueue_indirect_dma source(%dma_start3A_34 : memref<10240x64xf32, #tpu.memory_space<hbm>>) target(%arg9 : memref<128x64xf32, #tpu.memory_space<vmem>>) offsets(%dma_start3A_27 : memref<128xi32, #tpu.memory_space<vmem>>) semaphore(%arg13 : memref<!tpu.dma_semaphore, #tpu.memory_space<semaphore_mem>>)
    %scan3A_35 = arith.constant 0 : i32
    %scan3A_36 = arith.constant 0 : i32
    %scan3A_37 = arith.constant 78 : i32
    %scan3A_38 = arith.addi %scan3A_36, %scan3A_37 : i32
    %scan3A_39 = arith.constant 1 : i32
    scf.for %scan3A_80 = %scan3A_36 to %scan3A_38 step %scan3A_39  : i32 {
      %mul3A_81 = arith.constant 2 : i32
      %mul3A_82 = arith.muli %mul3A_81, %scan3A_80 : i32
      %dma_wait3A_83 = arith.constant 0 : i32
      %dma_wait3A_84 = arith.constant 0 : i32
      %dma_wait3A_85 = tpu.memref_slice %arg6[%dma_wait3A_83, %dma_wait3A_84] : memref<158x128xi32, #tpu.memory_space<vmem>> -> memref<1x128xi32, #tpu.memory_space<vmem>>
      %dma_wait3A_86 = tpu.memref_squeeze %dma_wait3A_85 : memref<1x128xi32, #tpu.memory_space<vmem>> -> memref<128xi32, #tpu.memory_space<vmem>>
      %dma_wait3A_87 = arith.constant 0 : i32
      %dma_wait3A_88 = arith.constant 0 : i32
      %dma_wait3A_89 = tpu.memref_slice %arg2[%arg0, %dma_wait3A_87, %dma_wait3A_88] : memref<2x10240x64xf32, #tpu.memory_space<hbm>> -> memref<1x10240x64xf32, #tpu.memory_space<hbm>>
      %dma_wait3A_90 = tpu.memref_squeeze %dma_wait3A_89 : memref<1x10240x64xf32, #tpu.memory_space<hbm>> -> memref<10240x64xf32, #tpu.memory_space<hbm>>
      %dma_wait3A_91 = arith.constant 0 : i32
      %dma_wait3A_92 = arith.constant 0 : i32
      %dma_wait3A_93 = tpu.memref_slice %dma_wait3A_90[%dma_wait3A_91, %dma_wait3A_92] : memref<10240x64xf32, #tpu.memory_space<hbm>> -> memref<10240x64xf32, #tpu.memory_space<hbm>>
      tpu.wait_indirect_dma semaphore(%arg12 : memref<!tpu.dma_semaphore, #tpu.memory_space<semaphore_mem>>) src(%dma_wait3A_93 : memref<10240x64xf32, #tpu.memory_space<hbm>>) dst(%arg8 : memref<128x64xf32, #tpu.memory_space<vmem>>)
      "tpu.region"() ({
        %run_scoped3A_131 = tpu.sem_alloc : memref<!tpu.dma_semaphore, #tpu.memory_space<semaphore_mem>>
        %dma_start3A_132 = arith.constant 0 : i32
        %dma_start3A_133 = tpu.memref_slice %arg7[%mul3A_82, %dma_start3A_132] : memref<158x128xi32, #tpu.memory_space<vmem>> -> memref<1x128xi32, #tpu.memory_space<vmem>>
        %dma_start3A_134 = tpu.memref_squeeze %dma_start3A_133 : memref<1x128xi32, #tpu.memory_space<vmem>> -> memref<128xi32, #tpu.memory_space<vmem>>
        %dma_start3A_135 = arith.constant 0 : i32
        %dma_start3A_136 = arith.constant 0 : i32
        %dma_start3A_137 = tpu.memref_slice %arg11[%dma_start3A_135, %dma_start3A_136] : memref<10240x64xf32, #tpu.memory_space<vmem_shared>> -> memref<10240x64xf32, #tpu.memory_space<vmem_shared>>
        tpu.enqueue_indirect_dma source(%arg8 : memref<128x64xf32, #tpu.memory_space<vmem>>) target(%dma_start3A_137 : memref<10240x64xf32, #tpu.memory_space<vmem_shared>>) offsets(%dma_start3A_134 : memref<128xi32, #tpu.memory_space<vmem>>) semaphore(%run_scoped3A_131 : memref<!tpu.dma_semaphore, #tpu.memory_space<semaphore_mem>>) {add = true}
        %dma_wait3A_138 = arith.constant 0 : i32
        %dma_wait3A_139 = tpu.memref_slice %arg7[%mul3A_82, %dma_wait3A_138] : memref<158x128xi32, #tpu.memory_space<vmem>> -> memref<1x128xi32, #tpu.memory_space<vmem>>
        %dma_wait3A_140 = tpu.memref_squeeze %dma_wait3A_139 : memref<1x128xi32, #tpu.memory_space<vmem>> -> memref<128xi32, #tpu.memory_space<vmem>>
        %dma_wait3A_141 = arith.constant 0 : i32
        %dma_wait3A_142 = arith.constant 0 : i32
        %dma_wait3A_143 = tpu.memref_slice %arg11[%dma_wait3A_141, %dma_wait3A_142] : memref<10240x64xf32, #tpu.memory_space<vmem_shared>> -> memref<10240x64xf32, #tpu.memory_space<vmem_shared>>
        tpu.wait_indirect_dma semaphore(%run_scoped3A_131 : memref<!tpu.dma_semaphore, #tpu.memory_space<semaphore_mem>>) src(%arg8 : memref<128x64xf32, #tpu.memory_space<vmem>>) dst(%dma_wait3A_143 : memref<10240x64xf32, #tpu.memory_space<vmem_shared>>)
        tpu.yield
      }) : () -> ()
      %add3A_94 = arith.constant 2 : i32
      %add3A_95 = arith.addi %mul3A_82, %add3A_94 : i32
      %dma_start3A_96 = arith.constant 0 : i32
      %dma_start3A_97 = tpu.memref_slice %arg6[%add3A_95, %dma_start3A_96] : memref<158x128xi32, #tpu.memory_space<vmem>> -> memref<1x128xi32, #tpu.memory_space<vmem>>
      %dma_start3A_98 = tpu.memref_squeeze %dma_start3A_97 : memref<1x128xi32, #tpu.memory_space<vmem>> -> memref<128xi32, #tpu.memory_space<vmem>>
      %dma_start3A_99 = arith.constant 0 : i32
      %dma_start3A_100 = arith.constant 0 : i32
      %dma_start3A_101 = tpu.memref_slice %arg2[%arg0, %dma_start3A_99, %dma_start3A_100] : memref<2x10240x64xf32, #tpu.memory_space<hbm>> -> memref<1x10240x64xf32, #tpu.memory_space<hbm>>
      %dma_start3A_102 = tpu.memref_squeeze %dma_start3A_101 : memref<1x10240x64xf32, #tpu.memory_space<hbm>> -> memref<10240x64xf32, #tpu.memory_space<hbm>>
      %dma_start3A_103 = arith.constant 0 : i32
      %dma_start3A_104 = arith.constant 0 : i32
      %dma_start3A_105 = tpu.memref_slice %dma_start3A_102[%dma_start3A_103, %dma_start3A_104] : memref<10240x64xf32, #tpu.memory_space<hbm>> -> memref<10240x64xf32, #tpu.memory_space<hbm>>
      tpu.enqueue_indirect_dma source(%dma_start3A_105 : memref<10240x64xf32, #tpu.memory_space<hbm>>) target(%arg8 : memref<128x64xf32, #tpu.memory_space<vmem>>) offsets(%dma_start3A_98 : memref<128xi32, #tpu.memory_space<vmem>>) semaphore(%arg12 : memref<!tpu.dma_semaphore, #tpu.memory_space<semaphore_mem>>)
      %dma_wait3A_106 = arith.constant 0 : i32
      %dma_wait3A_107 = arith.constant 0 : i32
      %dma_wait3A_108 = tpu.memref_slice %arg6[%dma_wait3A_106, %dma_wait3A_107] : memref<158x128xi32, #tpu.memory_space<vmem>> -> memref<1x128xi32, #tpu.memory_space<vmem>>
      %dma_wait3A_109 = tpu.memref_squeeze %dma_wait3A_108 : memref<1x128xi32, #tpu.memory_space<vmem>> -> memref<128xi32, #tpu.memory_space<vmem>>
      %dma_wait3A_110 = arith.constant 0 : i32
      %dma_wait3A_111 = arith.constant 0 : i32
      %dma_wait3A_112 = tpu.memref_slice %arg2[%arg0, %dma_wait3A_110, %dma_wait3A_111] : memref<2x10240x64xf32, #tpu.memory_space<hbm>> -> memref<1x10240x64xf32, #tpu.memory_space<hbm>>
      %dma_wait3A_113 = tpu.memref_squeeze %dma_wait3A_112 : memref<1x10240x64xf32, #tpu.memory_space<hbm>> -> memref<10240x64xf32, #tpu.memory_space<hbm>>
      %dma_wait3A_114 = arith.constant 0 : i32
      %dma_wait3A_115 = arith.constant 0 : i32
      %dma_wait3A_116 = tpu.memref_slice %dma_wait3A_113[%dma_wait3A_114, %dma_wait3A_115] : memref<10240x64xf32, #tpu.memory_space<hbm>> -> memref<10240x64xf32, #tpu.memory_space<hbm>>
      tpu.wait_indirect_dma semaphore(%arg13 : memref<!tpu.dma_semaphore, #tpu.memory_space<semaphore_mem>>) src(%dma_wait3A_116 : memref<10240x64xf32, #tpu.memory_space<hbm>>) dst(%arg9 : memref<128x64xf32, #tpu.memory_space<vmem>>)
      %add3A_117 = arith.constant 1 : i32
      %add3A_118 = arith.addi %mul3A_82, %add3A_117 : i32
      "tpu.region"() ({
        %run_scoped3A_131 = tpu.sem_alloc : memref<!tpu.dma_semaphore, #tpu.memory_space<semaphore_mem>>
        %dma_start3A_132 = arith.constant 0 : i32
        %dma_start3A_133 = tpu.memref_slice %arg7[%add3A_118, %dma_start3A_132] : memref<158x128xi32, #tpu.memory_space<vmem>> -> memref<1x128xi32, #tpu.memory_space<vmem>>
        %dma_start3A_134 = tpu.memref_squeeze %dma_start3A_133 : memref<1x128xi32, #tpu.memory_space<vmem>> -> memref<128xi32, #tpu.memory_space<vmem>>
        %dma_start3A_135 = arith.constant 0 : i32
        %dma_start3A_136 = arith.constant 0 : i32
        %dma_start3A_137 = tpu.memref_slice %arg11[%dma_start3A_135, %dma_start3A_136] : memref<10240x64xf32, #tpu.memory_space<vmem_shared>> -> memref<10240x64xf32, #tpu.memory_space<vmem_shared>>
        tpu.enqueue_indirect_dma source(%arg9 : memref<128x64xf32, #tpu.memory_space<vmem>>) target(%dma_start3A_137 : memref<10240x64xf32, #tpu.memory_space<vmem_shared>>) offsets(%dma_start3A_134 : memref<128xi32, #tpu.memory_space<vmem>>) semaphore(%run_scoped3A_131 : memref<!tpu.dma_semaphore, #tpu.memory_space<semaphore_mem>>) {add = true}
        %dma_wait3A_138 = arith.constant 0 : i32
        %dma_wait3A_139 = tpu.memref_slice %arg7[%add3A_118, %dma_wait3A_138] : memref<158x128xi32, #tpu.memory_space<vmem>> -> memref<1x128xi32, #tpu.memory_space<vmem>>
        %dma_wait3A_140 = tpu.memref_squeeze %dma_wait3A_139 : memref<1x128xi32, #tpu.memory_space<vmem>> -> memref<128xi32, #tpu.memory_space<vmem>>
        %dma_wait3A_141 = arith.constant 0 : i32
        %dma_wait3A_142 = arith.constant 0 : i32
        %dma_wait3A_143 = tpu.memref_slice %arg11[%dma_wait3A_141, %dma_wait3A_142] : memref<10240x64xf32, #tpu.memory_space<vmem_shared>> -> memref<10240x64xf32, #tpu.memory_space<vmem_shared>>
        tpu.wait_indirect_dma semaphore(%run_scoped3A_131 : memref<!tpu.dma_semaphore, #tpu.memory_space<semaphore_mem>>) src(%arg9 : memref<128x64xf32, #tpu.memory_space<vmem>>) dst(%dma_wait3A_143 : memref<10240x64xf32, #tpu.memory_space<vmem_shared>>)
        tpu.yield
      }) : () -> ()
      %add3A_119 = arith.constant 3 : i32
      %add3A_120 = arith.addi %mul3A_82, %add3A_119 : i32
      %dma_start3A_121 = arith.constant 0 : i32
      %dma_start3A_122 = tpu.memref_slice %arg6[%add3A_120, %dma_start3A_121] : memref<158x128xi32, #tpu.memory_space<vmem>> -> memref<1x128xi32, #tpu.memory_space<vmem>>
      %dma_start3A_123 = tpu.memref_squeeze %dma_start3A_122 : memref<1x128xi32, #tpu.memory_space<vmem>> -> memref<128xi32, #tpu.memory_space<vmem>>
      %dma_start3A_124 = arith.constant 0 : i32
      %dma_start3A_125 = arith.constant 0 : i32
      %dma_start3A_126 = tpu.memref_slice %arg2[%arg0, %dma_start3A_124, %dma_start3A_125] : memref<2x10240x64xf32, #tpu.memory_space<hbm>> -> memref<1x10240x64xf32, #tpu.memory_space<hbm>>
      %dma_start3A_127 = tpu.memref_squeeze %dma_start3A_126 : memref<1x10240x64xf32, #tpu.memory_space<hbm>> -> memref<10240x64xf32, #tpu.memory_space<hbm>>
      %dma_start3A_128 = arith.constant 0 : i32
      %dma_start3A_129 = arith.constant 0 : i32
      %dma_start3A_130 = tpu.memref_slice %dma_start3A_127[%dma_start3A_128, %dma_start3A_129] : memref<10240x64xf32, #tpu.memory_space<hbm>> -> memref<10240x64xf32, #tpu.memory_space<hbm>>
      tpu.enqueue_indirect_dma source(%dma_start3A_130 : memref<10240x64xf32, #tpu.memory_space<hbm>>) target(%arg9 : memref<128x64xf32, #tpu.memory_space<vmem>>) offsets(%dma_start3A_123 : memref<128xi32, #tpu.memory_space<vmem>>) semaphore(%arg13 : memref<!tpu.dma_semaphore, #tpu.memory_space<semaphore_mem>>)
    }
    %scan3A_40 = arith.constant 78 : i32
    %dma_wait3A = arith.constant 0 : i32
    %dma_wait3A_41 = arith.constant 0 : i32
    %dma_wait3A_42 = tpu.memref_slice %arg6[%dma_wait3A, %dma_wait3A_41] : memref<158x128xi32, #tpu.memory_space<vmem>> -> memref<1x128xi32, #tpu.memory_space<vmem>>
    %dma_wait3A_43 = tpu.memref_squeeze %dma_wait3A_42 : memref<1x128xi32, #tpu.memory_space<vmem>> -> memref<128xi32, #tpu.memory_space<vmem>>
    %dma_wait3A_44 = arith.constant 0 : i32
    %dma_wait3A_45 = arith.constant 0 : i32
    %dma_wait3A_46 = tpu.memref_slice %arg2[%arg0, %dma_wait3A_44, %dma_wait3A_45] : memref<2x10240x64xf32, #tpu.memory_space<hbm>> -> memref<1x10240x64xf32, #tpu.memory_space<hbm>>
    %dma_wait3A_47 = tpu.memref_squeeze %dma_wait3A_46 : memref<1x10240x64xf32, #tpu.memory_space<hbm>> -> memref<10240x64xf32, #tpu.memory_space<hbm>>
    %dma_wait3A_48 = arith.constant 0 : i32
    %dma_wait3A_49 = arith.constant 0 : i32
    %dma_wait3A_50 = tpu.memref_slice %dma_wait3A_47[%dma_wait3A_48, %dma_wait3A_49] : memref<10240x64xf32, #tpu.memory_space<hbm>> -> memref<10240x64xf32, #tpu.memory_space<hbm>>
    tpu.wait_indirect_dma semaphore(%arg12 : memref<!tpu.dma_semaphore, #tpu.memory_space<semaphore_mem>>) src(%dma_wait3A_50 : memref<10240x64xf32, #tpu.memory_space<hbm>>) dst(%arg8 : memref<128x64xf32, #tpu.memory_space<vmem>>)
    %run_scoped3A = arith.constant 156 : i32
    "tpu.region"() ({
      %run_scoped3A_80 = tpu.sem_alloc : memref<!tpu.dma_semaphore, #tpu.memory_space<semaphore_mem>>
      %dma_start3A_81 = arith.constant 0 : i32
      %dma_start3A_82 = tpu.memref_slice %arg7[%run_scoped3A, %dma_start3A_81] : memref<158x128xi32, #tpu.memory_space<vmem>> -> memref<1x128xi32, #tpu.memory_space<vmem>>
      %dma_start3A_83 = tpu.memref_squeeze %dma_start3A_82 : memref<1x128xi32, #tpu.memory_space<vmem>> -> memref<128xi32, #tpu.memory_space<vmem>>
      %dma_start3A_84 = arith.constant 0 : i32
      %dma_start3A_85 = arith.constant 0 : i32
      %dma_start3A_86 = tpu.memref_slice %arg11[%dma_start3A_84, %dma_start3A_85] : memref<10240x64xf32, #tpu.memory_space<vmem_shared>> -> memref<10240x64xf32, #tpu.memory_space<vmem_shared>>
      tpu.enqueue_indirect_dma source(%arg8 : memref<128x64xf32, #tpu.memory_space<vmem>>) target(%dma_start3A_86 : memref<10240x64xf32, #tpu.memory_space<vmem_shared>>) offsets(%dma_start3A_83 : memref<128xi32, #tpu.memory_space<vmem>>) semaphore(%run_scoped3A_80 : memref<!tpu.dma_semaphore, #tpu.memory_space<semaphore_mem>>) {add = true}
      %dma_wait3A_87 = arith.constant 0 : i32
      %dma_wait3A_88 = tpu.memref_slice %arg7[%run_scoped3A, %dma_wait3A_87] : memref<158x128xi32, #tpu.memory_space<vmem>> -> memref<1x128xi32, #tpu.memory_space<vmem>>
      %dma_wait3A_89 = tpu.memref_squeeze %dma_wait3A_88 : memref<1x128xi32, #tpu.memory_space<vmem>> -> memref<128xi32, #tpu.memory_space<vmem>>
      %dma_wait3A_90 = arith.constant 0 : i32
      %dma_wait3A_91 = arith.constant 0 : i32
      %dma_wait3A_92 = tpu.memref_slice %arg11[%dma_wait3A_90, %dma_wait3A_91] : memref<10240x64xf32, #tpu.memory_space<vmem_shared>> -> memref<10240x64xf32, #tpu.memory_space<vmem_shared>>
      tpu.wait_indirect_dma semaphore(%run_scoped3A_80 : memref<!tpu.dma_semaphore, #tpu.memory_space<semaphore_mem>>) src(%arg8 : memref<128x64xf32, #tpu.memory_space<vmem>>) dst(%dma_wait3A_92 : memref<10240x64xf32, #tpu.memory_space<vmem_shared>>)
      tpu.yield
    }) : () -> ()
    %dma_wait3A_51 = arith.constant 0 : i32
    %dma_wait3A_52 = arith.constant 0 : i32
    %dma_wait3A_53 = tpu.memref_slice %arg6[%dma_wait3A_51, %dma_wait3A_52] : memref<158x128xi32, #tpu.memory_space<vmem>> -> memref<1x128xi32, #tpu.memory_space<vmem>>
    %dma_wait3A_54 = tpu.memref_squeeze %dma_wait3A_53 : memref<1x128xi32, #tpu.memory_space<vmem>> -> memref<128xi32, #tpu.memory_space<vmem>>
    %dma_wait3A_55 = arith.constant 0 : i32
    %dma_wait3A_56 = arith.constant 0 : i32
    %dma_wait3A_57 = tpu.memref_slice %arg2[%arg0, %dma_wait3A_55, %dma_wait3A_56] : memref<2x10240x64xf32, #tpu.memory_space<hbm>> -> memref<1x10240x64xf32, #tpu.memory_space<hbm>>
    %dma_wait3A_58 = tpu.memref_squeeze %dma_wait3A_57 : memref<1x10240x64xf32, #tpu.memory_space<hbm>> -> memref<10240x64xf32, #tpu.memory_space<hbm>>
    %dma_wait3A_59 = arith.constant 0 : i32
    %dma_wait3A_60 = arith.constant 0 : i32
    %dma_wait3A_61 = tpu.memref_slice %dma_wait3A_58[%dma_wait3A_59, %dma_wait3A_60] : memref<10240x64xf32, #tpu.memory_space<hbm>> -> memref<10240x64xf32, #tpu.memory_space<hbm>>
    tpu.wait_indirect_dma semaphore(%arg13 : memref<!tpu.dma_semaphore, #tpu.memory_space<semaphore_mem>>) src(%dma_wait3A_61 : memref<10240x64xf32, #tpu.memory_space<hbm>>) dst(%arg9 : memref<128x64xf32, #tpu.memory_space<vmem>>)
    %run_scoped3A_62 = arith.constant 157 : i32
    "tpu.region"() ({
      %run_scoped3A_80 = tpu.sem_alloc : memref<!tpu.dma_semaphore, #tpu.memory_space<semaphore_mem>>
      %dma_start3A_81 = arith.constant 0 : i32
      %dma_start3A_82 = tpu.memref_slice %arg7[%run_scoped3A_62, %dma_start3A_81] : memref<158x128xi32, #tpu.memory_space<vmem>> -> memref<1x128xi32, #tpu.memory_space<vmem>>
      %dma_start3A_83 = tpu.memref_squeeze %dma_start3A_82 : memref<1x128xi32, #tpu.memory_space<vmem>> -> memref<128xi32, #tpu.memory_space<vmem>>
      %dma_start3A_84 = arith.constant 0 : i32
      %dma_start3A_85 = arith.constant 0 : i32
      %dma_start3A_86 = tpu.memref_slice %arg11[%dma_start3A_84, %dma_start3A_85] : memref<10240x64xf32, #tpu.memory_space<vmem_shared>> -> memref<10240x64xf32, #tpu.memory_space<vmem_shared>>
      tpu.enqueue_indirect_dma source(%arg9 : memref<128x64xf32, #tpu.memory_space<vmem>>) target(%dma_start3A_86 : memref<10240x64xf32, #tpu.memory_space<vmem_shared>>) offsets(%dma_start3A_83 : memref<128xi32, #tpu.memory_space<vmem>>) semaphore(%run_scoped3A_80 : memref<!tpu.dma_semaphore, #tpu.memory_space<semaphore_mem>>) {add = true}
      %dma_wait3A_87 = arith.constant 0 : i32
      %dma_wait3A_88 = tpu.memref_slice %arg7[%run_scoped3A_62, %dma_wait3A_87] : memref<158x128xi32, #tpu.memory_space<vmem>> -> memref<1x128xi32, #tpu.memory_space<vmem>>
      %dma_wait3A_89 = tpu.memref_squeeze %dma_wait3A_88 : memref<1x128xi32, #tpu.memory_space<vmem>> -> memref<128xi32, #tpu.memory_space<vmem>>
      %dma_wait3A_90 = arith.constant 0 : i32
      %dma_wait3A_91 = arith.constant 0 : i32
      %dma_wait3A_92 = tpu.memref_slice %arg11[%dma_wait3A_90, %dma_wait3A_91] : memref<10240x64xf32, #tpu.memory_space<vmem_shared>> -> memref<10240x64xf32, #tpu.memory_space<vmem_shared>>
      tpu.wait_indirect_dma semaphore(%run_scoped3A_80 : memref<!tpu.dma_semaphore, #tpu.memory_space<semaphore_mem>>) src(%arg9 : memref<128x64xf32, #tpu.memory_space<vmem>>) dst(%dma_wait3A_92 : memref<10240x64xf32, #tpu.memory_space<vmem_shared>>)
      tpu.yield
    }) : () -> ()
    %barrier3A_63 = arith.constant 0 : index
    tpu.barrier barrier_id(%barrier3A_63)
    %add3A_64 = arith.constant 0 : i32
    %add3A_65 = arith.addi %mul3A_6, %add3A_64 : i32
    "tpu.region"() ({
      %run_scoped3A_80 = tpu.sem_alloc : memref<!tpu.dma_semaphore, #tpu.memory_space<semaphore_mem>>
      %dma_start3A_81 = arith.constant 0 : i32
      %dma_start3A_82 = tpu.memref_slice %arg11[%add3A_65, %dma_start3A_81] : memref<10240x64xf32, #tpu.memory_space<vmem_shared>> -> memref<160x64xf32, #tpu.memory_space<vmem_shared>>
      %dma_start3A_83 = arith.constant 0 : i32
      %dma_start3A_84 = tpu.memref_slice %arg11[%add3A_65, %dma_start3A_83] : memref<10240x64xf32, #tpu.memory_space<vmem_shared>> -> memref<160x64xf32, #tpu.memory_space<vmem_shared>>
      tpu.enqueue_dma source(%dma_start3A_84 : memref<160x64xf32, #tpu.memory_space<vmem_shared>>) target(%arg10 : memref<160x64xf32, #tpu.memory_space<vmem>>) target_semaphore(%run_scoped3A_80 : memref<!tpu.dma_semaphore, #tpu.memory_space<semaphore_mem>>)
      %dma_wait3A_85 = arith.constant 0 : i32
      %dma_wait3A_86 = tpu.memref_slice %arg11[%add3A_65, %dma_wait3A_85] : memref<10240x64xf32, #tpu.memory_space<vmem_shared>> -> memref<160x64xf32, #tpu.memory_space<vmem_shared>>
      %dma_wait3A_87 = arith.constant 0 : i32
      %dma_wait3A_88 = tpu.memref_slice %arg11[%add3A_65, %dma_wait3A_87] : memref<10240x64xf32, #tpu.memory_space<vmem_shared>> -> memref<160x64xf32, #tpu.memory_space<vmem_shared>>
      tpu.wait_dma2 semaphore(%run_scoped3A_80 : memref<!tpu.dma_semaphore, #tpu.memory_space<semaphore_mem>>) src(%dma_wait3A_88 : memref<160x64xf32, #tpu.memory_space<vmem_shared>>) dst(%arg10 : memref<160x64xf32, #tpu.memory_space<vmem>>)
      tpu.yield
    }) : () -> ()
    %add3A_66 = arith.constant 0 : i32
    %add3A_67 = arith.addi %mul3A_6, %add3A_66 : i32
    "tpu.region"() ({
      %run_scoped3A_80 = tpu.sem_alloc : memref<!tpu.dma_semaphore, #tpu.memory_space<semaphore_mem>>
      %dma_start3A_81 = arith.constant 0 : i32
      %dma_start3A_82 = tpu.memref_slice %arg5[%arg0, %add3A_67, %dma_start3A_81] : memref<2x10240x64xf32, #tpu.memory_space<hbm>> -> memref<1x160x64xf32, #tpu.memory_space<hbm>>
      %dma_start3A_83 = tpu.memref_squeeze %dma_start3A_82 : memref<1x160x64xf32, #tpu.memory_space<hbm>> -> memref<160x64xf32, #tpu.memory_space<hbm>>
      %dma_start3A_84 = arith.constant 0 : i32
      %dma_start3A_85 = tpu.memref_slice %arg5[%arg0, %add3A_67, %dma_start3A_84] : memref<2x10240x64xf32, #tpu.memory_space<hbm>> -> memref<1x160x64xf32, #tpu.memory_space<hbm>>
      %dma_start3A_86 = tpu.memref_squeeze %dma_start3A_85 : memref<1x160x64xf32, #tpu.memory_space<hbm>> -> memref<160x64xf32, #tpu.memory_space<hbm>>
      tpu.enqueue_dma source(%arg10 : memref<160x64xf32, #tpu.memory_space<vmem>>) target(%dma_start3A_86 : memref<160x64xf32, #tpu.memory_space<hbm>>) target_semaphore(%run_scoped3A_80 : memref<!tpu.dma_semaphore, #tpu.memory_space<semaphore_mem>>)
      %dma_wait3A_87 = arith.constant 0 : i32
      %dma_wait3A_88 = tpu.memref_slice %arg5[%arg0, %add3A_67, %dma_wait3A_87] : memref<2x10240x64xf32, #tpu.memory_space<hbm>> -> memref<1x160x64xf32, #tpu.memory_space<hbm>>
      %dma_wait3A_89 = tpu.memref_squeeze %dma_wait3A_88 : memref<1x160x64xf32, #tpu.memory_space<hbm>> -> memref<160x64xf32, #tpu.memory_space<hbm>>
      %dma_wait3A_90 = arith.constant 0 : i32
      %dma_wait3A_91 = tpu.memref_slice %arg5[%arg0, %add3A_67, %dma_wait3A_90] : memref<2x10240x64xf32, #tpu.memory_space<hbm>> -> memref<1x160x64xf32, #tpu.memory_space<hbm>>
      %dma_wait3A_92 = tpu.memref_squeeze %dma_wait3A_91 : memref<1x160x64xf32, #tpu.memory_space<hbm>> -> memref<160x64xf32, #tpu.memory_space<hbm>>
      tpu.wait_dma2 semaphore(%run_scoped3A_80 : memref<!tpu.dma_semaphore, #tpu.memory_space<semaphore_mem>>) src(%arg10 : memref<160x64xf32, #tpu.memory_space<vmem>>) dst(%dma_wait3A_92 : memref<160x64xf32, #tpu.memory_space<hbm>>)
      tpu.yield
    }) : () -> ()
    %add3A_68 = arith.constant 160 : i32
    %add3A_69 = arith.addi %mul3A_6, %add3A_68 : i32
    "tpu.region"() ({
      %run_scoped3A_80 = tpu.sem_alloc : memref<!tpu.dma_semaphore, #tpu.memory_space<semaphore_mem>>
      %dma_start3A_81 = arith.constant 0 : i32
      %dma_start3A_82 = tpu.memref_slice %arg11[%add3A_69, %dma_start3A_81] : memref<10240x64xf32, #tpu.memory_space<vmem_shared>> -> memref<160x64xf32, #tpu.memory_space<vmem_shared>>
      %dma_start3A_83 = arith.constant 0 : i32
      %dma_start3A_84 = tpu.memref_slice %arg11[%add3A_69, %dma_start3A_83] : memref<10240x64xf32, #tpu.memory_space<vmem_shared>> -> memref<160x64xf32, #tpu.memory_space<vmem_shared>>
      tpu.enqueue_dma source(%dma_start3A_84 : memref<160x64xf32, #tpu.memory_space<vmem_shared>>) target(%arg10 : memref<160x64xf32, #tpu.memory_space<vmem>>) target_semaphore(%run_scoped3A_80 : memref<!tpu.dma_semaphore, #tpu.memory_space<semaphore_mem>>)
      %dma_wait3A_85 = arith.constant 0 : i32
      %dma_wait3A_86 = tpu.memref_slice %arg11[%add3A_69, %dma_wait3A_85] : memref<10240x64xf32, #tpu.memory_space<vmem_shared>> -> memref<160x64xf32, #tpu.memory_space<vmem_shared>>
      %dma_wait3A_87 = arith.constant 0 : i32
      %dma_wait3A_88 = tpu.memref_slice %arg11[%add3A_69, %dma_wait3A_87] : memref<10240x64xf32, #tpu.memory_space<vmem_shared>> -> memref<160x64xf32, #tpu.memory_space<vmem_shared>>
      tpu.wait_dma2 semaphore(%run_scoped3A_80 : memref<!tpu.dma_semaphore, #tpu.memory_space<semaphore_mem>>) src(%dma_wait3A_88 : memref<160x64xf32, #tpu.memory_space<vmem_shared>>) dst(%arg10 : memref<160x64xf32, #tpu.memory_space<vmem>>)
      tpu.yield
    }) : () -> ()
    %add3A_70 = arith.constant 160 : i32
    %add3A_71 = arith.addi %mul3A_6, %add3A_70 : i32
    "tpu.region"() ({
      %run_scoped3A_80 = tpu.sem_alloc : memref<!tpu.dma_semaphore, #tpu.memory_space<semaphore_mem>>
      %dma_start3A_81 = arith.constant 0 : i32
      %dma_start3A_82 = tpu.memref_slice %arg5[%arg0, %add3A_71, %dma_start3A_81] : memref<2x10240x64xf32, #tpu.memory_space<hbm>> -> memref<1x160x64xf32, #tpu.memory_space<hbm>>
      %dma_start3A_83 = tpu.memref_squeeze %dma_start3A_82 : memref<1x160x64xf32, #tpu.memory_space<hbm>> -> memref<160x64xf32, #tpu.memory_space<hbm>>
      %dma_start3A_84 = arith.constant 0 : i32
      %dma_start3A_85 = tpu.memref_slice %arg5[%arg0, %add3A_71, %dma_start3A_84] : memref<2x10240x64xf32, #tpu.memory_space<hbm>> -> memref<1x160x64xf32, #tpu.memory_space<hbm>>
      %dma_start3A_86 = tpu.memref_squeeze %dma_start3A_85 : memref<1x160x64xf32, #tpu.memory_space<hbm>> -> memref<160x64xf32, #tpu.memory_space<hbm>>
      tpu.enqueue_dma source(%arg10 : memref<160x64xf32, #tpu.memory_space<vmem>>) target(%dma_start3A_86 : memref<160x64xf32, #tpu.memory_space<hbm>>) target_semaphore(%run_scoped3A_80 : memref<!tpu.dma_semaphore, #tpu.memory_space<semaphore_mem>>)
      %dma_wait3A_87 = arith.constant 0 : i32
      %dma_wait3A_88 = tpu.memref_slice %arg5[%arg0, %add3A_71, %dma_wait3A_87] : memref<2x10240x64xf32, #tpu.memory_space<hbm>> -> memref<1x160x64xf32, #tpu.memory_space<hbm>>
      %dma_wait3A_89 = tpu.memref_squeeze %dma_wait3A_88 : memref<1x160x64xf32, #tpu.memory_space<hbm>> -> memref<160x64xf32, #tpu.memory_space<hbm>>
      %dma_wait3A_90 = arith.constant 0 : i32
      %dma_wait3A_91 = tpu.memref_slice %arg5[%arg0, %add3A_71, %dma_wait3A_90] : memref<2x10240x64xf32, #tpu.memory_space<hbm>> -> memref<1x160x64xf32, #tpu.memory_space<hbm>>
      %dma_wait3A_92 = tpu.memref_squeeze %dma_wait3A_91 : memref<1x160x64xf32, #tpu.memory_space<hbm>> -> memref<160x64xf32, #tpu.memory_space<hbm>>
      tpu.wait_dma2 semaphore(%run_scoped3A_80 : memref<!tpu.dma_semaphore, #tpu.memory_space<semaphore_mem>>) src(%arg10 : memref<160x64xf32, #tpu.memory_space<vmem>>) dst(%dma_wait3A_92 : memref<160x64xf32, #tpu.memory_space<hbm>>)
      tpu.yield
    }) : () -> ()
    %add3A_72 = arith.constant 320 : i32
    %add3A_73 = arith.addi %mul3A_6, %add3A_72 : i32
    "tpu.region"() ({
      %run_scoped3A_80 = tpu.sem_alloc : memref<!tpu.dma_semaphore, #tpu.memory_space<semaphore_mem>>
      %dma_start3A_81 = arith.constant 0 : i32
      %dma_start3A_82 = tpu.memref_slice %arg11[%add3A_73, %dma_start3A_81] : memref<10240x64xf32, #tpu.memory_space<vmem_shared>> -> memref<160x64xf32, #tpu.memory_space<vmem_shared>>
      %dma_start3A_83 = arith.constant 0 : i32
      %dma_start3A_84 = tpu.memref_slice %arg11[%add3A_73, %dma_start3A_83] : memref<10240x64xf32, #tpu.memory_space<vmem_shared>> -> memref<160x64xf32, #tpu.memory_space<vmem_shared>>
      tpu.enqueue_dma source(%dma_start3A_84 : memref<160x64xf32, #tpu.memory_space<vmem_shared>>) target(%arg10 : memref<160x64xf32, #tpu.memory_space<vmem>>) target_semaphore(%run_scoped3A_80 : memref<!tpu.dma_semaphore, #tpu.memory_space<semaphore_mem>>)
      %dma_wait3A_85 = arith.constant 0 : i32
      %dma_wait3A_86 = tpu.memref_slice %arg11[%add3A_73, %dma_wait3A_85] : memref<10240x64xf32, #tpu.memory_space<vmem_shared>> -> memref<160x64xf32, #tpu.memory_space<vmem_shared>>
      %dma_wait3A_87 = arith.constant 0 : i32
      %dma_wait3A_88 = tpu.memref_slice %arg11[%add3A_73, %dma_wait3A_87] : memref<10240x64xf32, #tpu.memory_space<vmem_shared>> -> memref<160x64xf32, #tpu.memory_space<vmem_shared>>
      tpu.wait_dma2 semaphore(%run_scoped3A_80 : memref<!tpu.dma_semaphore, #tpu.memory_space<semaphore_mem>>) src(%dma_wait3A_88 : memref<160x64xf32, #tpu.memory_space<vmem_shared>>) dst(%arg10 : memref<160x64xf32, #tpu.memory_space<vmem>>)
      tpu.yield
    }) : () -> ()
    %add3A_74 = arith.constant 320 : i32
    %add3A_75 = arith.addi %mul3A_6, %add3A_74 : i32
    "tpu.region"() ({
      %run_scoped3A_80 = tpu.sem_alloc : memref<!tpu.dma_semaphore, #tpu.memory_space<semaphore_mem>>
      %dma_start3A_81 = arith.constant 0 : i32
      %dma_start3A_82 = tpu.memref_slice %arg5[%arg0, %add3A_75, %dma_start3A_81] : memref<2x10240x64xf32, #tpu.memory_space<hbm>> -> memref<1x160x64xf32, #tpu.memory_space<hbm>>
      %dma_start3A_83 = tpu.memref_squeeze %dma_start3A_82 : memref<1x160x64xf32, #tpu.memory_space<hbm>> -> memref<160x64xf32, #tpu.memory_space<hbm>>
      %dma_start3A_84 = arith.constant 0 : i32
      %dma_start3A_85 = tpu.memref_slice %arg5[%arg0, %add3A_75, %dma_start3A_84] : memref<2x10240x64xf32, #tpu.memory_space<hbm>> -> memref<1x160x64xf32, #tpu.memory_space<hbm>>
      %dma_start3A_86 = tpu.memref_squeeze %dma_start3A_85 : memref<1x160x64xf32, #tpu.memory_space<hbm>> -> memref<160x64xf32, #tpu.memory_space<hbm>>
      tpu.enqueue_dma source(%arg10 : memref<160x64xf32, #tpu.memory_space<vmem>>) target(%dma_start3A_86 : memref<160x64xf32, #tpu.memory_space<hbm>>) target_semaphore(%run_scoped3A_80 : memref<!tpu.dma_semaphore, #tpu.memory_space<semaphore_mem>>)
      %dma_wait3A_87 = arith.constant 0 : i32
      %dma_wait3A_88 = tpu.memref_slice %arg5[%arg0, %add3A_75, %dma_wait3A_87] : memref<2x10240x64xf32, #tpu.memory_space<hbm>> -> memref<1x160x64xf32, #tpu.memory_space<hbm>>
      %dma_wait3A_89 = tpu.memref_squeeze %dma_wait3A_88 : memref<1x160x64xf32, #tpu.memory_space<hbm>> -> memref<160x64xf32, #tpu.memory_space<hbm>>
      %dma_wait3A_90 = arith.constant 0 : i32
      %dma_wait3A_91 = tpu.memref_slice %arg5[%arg0, %add3A_75, %dma_wait3A_90] : memref<2x10240x64xf32, #tpu.memory_space<hbm>> -> memref<1x160x64xf32, #tpu.memory_space<hbm>>
      %dma_wait3A_92 = tpu.memref_squeeze %dma_wait3A_91 : memref<1x160x64xf32, #tpu.memory_space<hbm>> -> memref<160x64xf32, #tpu.memory_space<hbm>>
      tpu.wait_dma2 semaphore(%run_scoped3A_80 : memref<!tpu.dma_semaphore, #tpu.memory_space<semaphore_mem>>) src(%arg10 : memref<160x64xf32, #tpu.memory_space<vmem>>) dst(%dma_wait3A_92 : memref<160x64xf32, #tpu.memory_space<hbm>>)
      tpu.yield
    }) : () -> ()
    %add3A_76 = arith.constant 480 : i32
    %add3A_77 = arith.addi %mul3A_6, %add3A_76 : i32
    "tpu.region"() ({
      %run_scoped3A_80 = tpu.sem_alloc : memref<!tpu.dma_semaphore, #tpu.memory_space<semaphore_mem>>
      %dma_start3A_81 = arith.constant 0 : i32
      %dma_start3A_82 = tpu.memref_slice %arg11[%add3A_77, %dma_start3A_81] : memref<10240x64xf32, #tpu.memory_space<vmem_shared>> -> memref<160x64xf32, #tpu.memory_space<vmem_shared>>
      %dma_start3A_83 = arith.constant 0 : i32
      %dma_start3A_84 = tpu.memref_slice %arg11[%add3A_77, %dma_start3A_83] : memref<10240x64xf32, #tpu.memory_space<vmem_shared>> -> memref<160x64xf32, #tpu.memory_space<vmem_shared>>
      tpu.enqueue_dma source(%dma_start3A_84 : memref<160x64xf32, #tpu.memory_space<vmem_shared>>) target(%arg10 : memref<160x64xf32, #tpu.memory_space<vmem>>) target_semaphore(%run_scoped3A_80 : memref<!tpu.dma_semaphore, #tpu.memory_space<semaphore_mem>>)
      %dma_wait3A_85 = arith.constant 0 : i32
      %dma_wait3A_86 = tpu.memref_slice %arg11[%add3A_77, %dma_wait3A_85] : memref<10240x64xf32, #tpu.memory_space<vmem_shared>> -> memref<160x64xf32, #tpu.memory_space<vmem_shared>>
      %dma_wait3A_87 = arith.constant 0 : i32
      %dma_wait3A_88 = tpu.memref_slice %arg11[%add3A_77, %dma_wait3A_87] : memref<10240x64xf32, #tpu.memory_space<vmem_shared>> -> memref<160x64xf32, #tpu.memory_space<vmem_shared>>
      tpu.wait_dma2 semaphore(%run_scoped3A_80 : memref<!tpu.dma_semaphore, #tpu.memory_space<semaphore_mem>>) src(%dma_wait3A_88 : memref<160x64xf32, #tpu.memory_space<vmem_shared>>) dst(%arg10 : memref<160x64xf32, #tpu.memory_space<vmem>>)
      tpu.yield
    }) : () -> ()
    %add3A_78 = arith.constant 480 : i32
    %add3A_79 = arith.addi %mul3A_6, %add3A_78 : i32
    "tpu.region"() ({
      %run_scoped3A_80 = tpu.sem_alloc : memref<!tpu.dma_semaphore, #tpu.memory_space<semaphore_mem>>
      %dma_start3A_81 = arith.constant 0 : i32
      %dma_start3A_82 = tpu.memref_slice %arg5[%arg0, %add3A_79, %dma_start3A_81] : memref<2x10240x64xf32, #tpu.memory_space<hbm>> -> memref<1x160x64xf32, #tpu.memory_space<hbm>>
      %dma_start3A_83 = tpu.memref_squeeze %dma_start3A_82 : memref<1x160x64xf32, #tpu.memory_space<hbm>> -> memref<160x64xf32, #tpu.memory_space<hbm>>
      %dma_start3A_84 = arith.constant 0 : i32
      %dma_start3A_85 = tpu.memref_slice %arg5[%arg0, %add3A_79, %dma_start3A_84] : memref<2x10240x64xf32, #tpu.memory_space<hbm>> -> memref<1x160x64xf32, #tpu.memory_space<hbm>>
      %dma_start3A_86 = tpu.memref_squeeze %dma_start3A_85 : memref<1x160x64xf32, #tpu.memory_space<hbm>> -> memref<160x64xf32, #tpu.memory_space<hbm>>
      tpu.enqueue_dma source(%arg10 : memref<160x64xf32, #tpu.memory_space<vmem>>) target(%dma_start3A_86 : memref<160x64xf32, #tpu.memory_space<hbm>>) target_semaphore(%run_scoped3A_80 : memref<!tpu.dma_semaphore, #tpu.memory_space<semaphore_mem>>)
      %dma_wait3A_87 = arith.constant 0 : i32
      %dma_wait3A_88 = tpu.memref_slice %arg5[%arg0, %add3A_79, %dma_wait3A_87] : memref<2x10240x64xf32, #tpu.memory_space<hbm>> -> memref<1x160x64xf32, #tpu.memory_space<hbm>>
      %dma_wait3A_89 = tpu.memref_squeeze %dma_wait3A_88 : memref<1x160x64xf32, #tpu.memory_space<hbm>> -> memref<160x64xf32, #tpu.memory_space<hbm>>
      %dma_wait3A_90 = arith.constant 0 : i32
      %dma_wait3A_91 = tpu.memref_slice %arg5[%arg0, %add3A_79, %dma_wait3A_90] : memref<2x10240x64xf32, #tpu.memory_space<hbm>> -> memref<1x160x64xf32, #tpu.memory_space<hbm>>
      %dma_wait3A_92 = tpu.memref_squeeze %dma_wait3A_91 : memref<1x160x64xf32, #tpu.memory_space<hbm>> -> memref<160x64xf32, #tpu.memory_space<hbm>>
      tpu.wait_dma2 semaphore(%run_scoped3A_80 : memref<!tpu.dma_semaphore, #tpu.memory_space<semaphore_mem>>) src(%arg10 : memref<160x64xf32, #tpu.memory_space<vmem>>) dst(%dma_wait3A_92 : memref<160x64xf32, #tpu.memory_space<hbm>>)
      tpu.yield
    }) : () -> ()
    return
  }
}

#map = affine_map<(d0, d1) -> (0, 0, 0)>
module attributes {stable_mosaic.version = 14 : i64} {
  func.func @body(%arg0: i32, %arg1: i32, %arg2: memref<32x79x128xi32, #tpu.memory_space<hbm>>, %arg3: memref<2x10240x16xf32, #tpu.memory_space<hbm>>, %arg4: memref<79x128xi32, #tpu.memory_space<vmem>>, %arg5: memref<128x16xf32, #tpu.memory_space<vmem>>, %arg6: memref<320x16xf32, #tpu.memory_space<vmem>>, %arg7: memref<10240x16xf32, #tpu.memory_space<vmem_shared>>) attributes {dimension_semantics = [#tpu.dimension_semantics<core_parallel>, #tpu.dimension_semantics<subcore_parallel>], iteration_bounds = array<i64: 2, 16>, scalar_prefetch = 0 : i64, scratch_operands = 4 : i64, tpu.core_type = #tpu.core_type<sc_vector_subcore>, window_params = [{transform_indices = #map}, {transform_indices = #map}]} {
    %mul3A = arith.constant 2 : i32
    %mul3A_0 = arith.muli %arg1, %mul3A : i32
    %add3A = arith.addi %mul3A_0, %arg0 : i32
    "tpu.region"() ({
      %run_scoped3A = tpu.sem_alloc : memref<!tpu.dma_semaphore, #tpu.memory_space<semaphore_mem>>
      %dma_start3A = arith.constant 0 : i32
      %dma_start3A_34 = arith.constant 0 : i32
      %dma_start3A_35 = tpu.memref_slice %arg2[%add3A, %dma_start3A, %dma_start3A_34] : memref<32x79x128xi32, #tpu.memory_space<hbm>> -> memref<1x79x128xi32, #tpu.memory_space<hbm>>
      %dma_start3A_36 = tpu.memref_squeeze %dma_start3A_35 : memref<1x79x128xi32, #tpu.memory_space<hbm>> -> memref<79x128xi32, #tpu.memory_space<hbm>>
      %dma_start3A_37 = arith.constant 0 : i32
      %dma_start3A_38 = arith.constant 0 : i32
      %dma_start3A_39 = tpu.memref_slice %arg2[%add3A, %dma_start3A_37, %dma_start3A_38] : memref<32x79x128xi32, #tpu.memory_space<hbm>> -> memref<1x79x128xi32, #tpu.memory_space<hbm>>
      %dma_start3A_40 = tpu.memref_squeeze %dma_start3A_39 : memref<1x79x128xi32, #tpu.memory_space<hbm>> -> memref<79x128xi32, #tpu.memory_space<hbm>>
      tpu.enqueue_dma source(%dma_start3A_40 : memref<79x128xi32, #tpu.memory_space<hbm>>) target(%arg4 : memref<79x128xi32, #tpu.memory_space<vmem>>) target_semaphore(%run_scoped3A : memref<!tpu.dma_semaphore, #tpu.memory_space<semaphore_mem>>)
      %dma_wait3A = arith.constant 0 : i32
      %dma_wait3A_41 = arith.constant 0 : i32
      %dma_wait3A_42 = tpu.memref_slice %arg2[%add3A, %dma_wait3A, %dma_wait3A_41] : memref<32x79x128xi32, #tpu.memory_space<hbm>> -> memref<1x79x128xi32, #tpu.memory_space<hbm>>
      %dma_wait3A_43 = tpu.memref_squeeze %dma_wait3A_42 : memref<1x79x128xi32, #tpu.memory_space<hbm>> -> memref<79x128xi32, #tpu.memory_space<hbm>>
      %dma_wait3A_44 = arith.constant 0 : i32
      %dma_wait3A_45 = arith.constant 0 : i32
      %dma_wait3A_46 = tpu.memref_slice %arg2[%add3A, %dma_wait3A_44, %dma_wait3A_45] : memref<32x79x128xi32, #tpu.memory_space<hbm>> -> memref<1x79x128xi32, #tpu.memory_space<hbm>>
      %dma_wait3A_47 = tpu.memref_squeeze %dma_wait3A_46 : memref<1x79x128xi32, #tpu.memory_space<hbm>> -> memref<79x128xi32, #tpu.memory_space<hbm>>
      tpu.wait_dma2 semaphore(%run_scoped3A : memref<!tpu.dma_semaphore, #tpu.memory_space<semaphore_mem>>) src(%dma_wait3A_47 : memref<79x128xi32, #tpu.memory_space<hbm>>) dst(%arg4 : memref<79x128xi32, #tpu.memory_space<vmem>>)
      tpu.yield
    }) : () -> ()
    %broadcast_in_dim3A = arith.constant 1.000000e+00 : f32
    %broadcast_in_dim3A_1 = vector.broadcast %broadcast_in_dim3A : f32 to vector<16xf32>
    %broadcast_in_dim3A_2 = arith.constant 0.000000e+00 : f32
    %broadcast_in_dim3A_3 = vector.broadcast %broadcast_in_dim3A_2 : f32 to vector<16xf32>
    %scan3A = arith.constant 0 : i32
    %scan3A_4 = arith.constant 0 : i32
    %scan3A_5 = arith.constant 128 : i32
    %scan3A_6 = arith.addi %scan3A_4, %scan3A_5 : i32
    %scan3A_7 = arith.constant 1 : i32
    scf.for %scan3A_34 = %scan3A_4 to %scan3A_6 step %scan3A_7  : i32 {
      %swap3A = arith.index_cast %scan3A_34 : i32 to index
      %swap3A_35 = arith.constant 0 : index
      %swap3A_36 = tpu.vector_load %arg5[%swap3A, %swap3A_35] {strides = array<i32>} : memref<128x16xf32, #tpu.memory_space<vmem>>, vector<1x16xf32>,
      %swap3A_37 = vector.shape_cast %swap3A_36 : vector<1x16xf32> to vector<16xf32>
      %swap3A_38 = vector.shape_cast %broadcast_in_dim3A_1 : vector<16xf32> to vector<1x16xf32>
      tpu.vector_store %arg5[%swap3A, %swap3A_35], %swap3A_38 {strides = array<i32>} : memref<128x16xf32, #tpu.memory_space<vmem>>, vector<1x16xf32>,
    }
    %scan3A_8 = arith.constant 128 : i32
    %scan3A_9 = arith.constant 0 : i32
    %scan3A_10 = arith.constant 0 : i32
    %scan3A_11 = arith.constant 320 : i32
    %scan3A_12 = arith.addi %scan3A_10, %scan3A_11 : i32
    %scan3A_13 = arith.constant 1 : i32
    scf.for %scan3A_34 = %scan3A_10 to %scan3A_12 step %scan3A_13  : i32 {
      %swap3A = arith.index_cast %scan3A_34 : i32 to index
      %swap3A_35 = arith.constant 0 : index
      %swap3A_36 = tpu.vector_load %arg6[%swap3A, %swap3A_35] {strides = array<i32>} : memref<320x16xf32, #tpu.memory_space<vmem>>, vector<1x16xf32>,
      %swap3A_37 = vector.shape_cast %swap3A_36 : vector<1x16xf32> to vector<16xf32>
      %swap3A_38 = vector.shape_cast %broadcast_in_dim3A_3 : vector<16xf32> to vector<1x16xf32>
      tpu.vector_store %arg6[%swap3A, %swap3A_35], %swap3A_38 {strides = array<i32>} : memref<320x16xf32, #tpu.memory_space<vmem>>, vector<1x16xf32>,
    }
    %scan3A_14 = arith.constant 320 : i32
    %mul3A_15 = arith.constant 640 : i32
    %mul3A_16 = arith.muli %arg1, %mul3A_15 : i32
    "tpu.region"() ({
      %run_scoped3A = tpu.sem_alloc : memref<!tpu.dma_semaphore, #tpu.memory_space<semaphore_mem>>
      %dma_start3A = arith.constant 0 : i32
      %dma_start3A_34 = tpu.memref_slice %arg7[%mul3A_16, %dma_start3A] : memref<10240x16xf32, #tpu.memory_space<vmem_shared>> -> memref<320x16xf32, #tpu.memory_space<vmem_shared>>
      %dma_start3A_35 = arith.constant 0 : i32
      %dma_start3A_36 = tpu.memref_slice %arg7[%mul3A_16, %dma_start3A_35] : memref<10240x16xf32, #tpu.memory_space<vmem_shared>> -> memref<320x16xf32, #tpu.memory_space<vmem_shared>>
      tpu.enqueue_dma source(%arg6 : memref<320x16xf32, #tpu.memory_space<vmem>>) target(%dma_start3A_36 : memref<320x16xf32, #tpu.memory_space<vmem_shared>>) target_semaphore(%run_scoped3A : memref<!tpu.dma_semaphore, #tpu.memory_space<semaphore_mem>>)
      %dma_wait3A = arith.constant 0 : i32
      %dma_wait3A_37 = tpu.memref_slice %arg7[%mul3A_16, %dma_wait3A] : memref<10240x16xf32, #tpu.memory_space<vmem_shared>> -> memref<320x16xf32, #tpu.memory_space<vmem_shared>>
      %dma_wait3A_38 = arith.constant 0 : i32
      %dma_wait3A_39 = tpu.memref_slice %arg7[%mul3A_16, %dma_wait3A_38] : memref<10240x16xf32, #tpu.memory_space<vmem_shared>> -> memref<320x16xf32, #tpu.memory_space<vmem_shared>>
      tpu.wait_dma2 semaphore(%run_scoped3A : memref<!tpu.dma_semaphore, #tpu.memory_space<semaphore_mem>>) src(%arg6 : memref<320x16xf32, #tpu.memory_space<vmem>>) dst(%dma_wait3A_39 : memref<320x16xf32, #tpu.memory_space<vmem_shared>>)
      tpu.yield
    }) : () -> ()
    %add3A_17 = arith.constant 320 : i32
    %add3A_18 = arith.addi %mul3A_16, %add3A_17 : i32
    "tpu.region"() ({
      %run_scoped3A = tpu.sem_alloc : memref<!tpu.dma_semaphore, #tpu.memory_space<semaphore_mem>>
      %dma_start3A = arith.constant 0 : i32
      %dma_start3A_34 = tpu.memref_slice %arg7[%add3A_18, %dma_start3A] : memref<10240x16xf32, #tpu.memory_space<vmem_shared>> -> memref<320x16xf32, #tpu.memory_space<vmem_shared>>
      %dma_start3A_35 = arith.constant 0 : i32
      %dma_start3A_36 = tpu.memref_slice %arg7[%add3A_18, %dma_start3A_35] : memref<10240x16xf32, #tpu.memory_space<vmem_shared>> -> memref<320x16xf32, #tpu.memory_space<vmem_shared>>
      tpu.enqueue_dma source(%arg6 : memref<320x16xf32, #tpu.memory_space<vmem>>) target(%dma_start3A_36 : memref<320x16xf32, #tpu.memory_space<vmem_shared>>) target_semaphore(%run_scoped3A : memref<!tpu.dma_semaphore, #tpu.memory_space<semaphore_mem>>)
      %dma_wait3A = arith.constant 0 : i32
      %dma_wait3A_37 = tpu.memref_slice %arg7[%add3A_18, %dma_wait3A] : memref<10240x16xf32, #tpu.memory_space<vmem_shared>> -> memref<320x16xf32, #tpu.memory_space<vmem_shared>>
      %dma_wait3A_38 = arith.constant 0 : i32
      %dma_wait3A_39 = tpu.memref_slice %arg7[%add3A_18, %dma_wait3A_38] : memref<10240x16xf32, #tpu.memory_space<vmem_shared>> -> memref<320x16xf32, #tpu.memory_space<vmem_shared>>
      tpu.wait_dma2 semaphore(%run_scoped3A : memref<!tpu.dma_semaphore, #tpu.memory_space<semaphore_mem>>) src(%arg6 : memref<320x16xf32, #tpu.memory_space<vmem>>) dst(%dma_wait3A_39 : memref<320x16xf32, #tpu.memory_space<vmem_shared>>)
      tpu.yield
    }) : () -> ()
    %barrier3A = arith.constant 0 : index
    tpu.barrier barrier_id(%barrier3A)
    %scan3A_19 = arith.constant 0 : i32
    %scan3A_20 = arith.constant 0 : i32
    %scan3A_21 = arith.constant 79 : i32
    %scan3A_22 = arith.addi %scan3A_20, %scan3A_21 : i32
    %scan3A_23 = arith.constant 1 : i32
    scf.for %scan3A_34 = %scan3A_20 to %scan3A_22 step %scan3A_23  : i32 {
      "tpu.region"() ({
        %run_scoped3A = tpu.sem_alloc : memref<!tpu.dma_semaphore, #tpu.memory_space<semaphore_mem>>
        %dma_start3A = arith.constant 0 : i32
        %dma_start3A_35 = tpu.memref_slice %arg4[%scan3A_34, %dma_start3A] : memref<79x128xi32, #tpu.memory_space<vmem>> -> memref<1x128xi32, #tpu.memory_space<vmem>>
        %dma_start3A_36 = tpu.memref_squeeze %dma_start3A_35 : memref<1x128xi32, #tpu.memory_space<vmem>> -> memref<128xi32, #tpu.memory_space<vmem>>
        %dma_start3A_37 = arith.constant 0 : i32
        %dma_start3A_38 = arith.constant 0 : i32
        %dma_start3A_39 = tpu.memref_slice %arg7[%dma_start3A_37, %dma_start3A_38] : memref<10240x16xf32, #tpu.memory_space<vmem_shared>> -> memref<10240x16xf32, #tpu.memory_space<vmem_shared>>
        tpu.enqueue_indirect_dma source(%arg5 : memref<128x16xf32, #tpu.memory_space<vmem>>) target(%dma_start3A_39 : memref<10240x16xf32, #tpu.memory_space<vmem_shared>>) offsets(%dma_start3A_36 : memref<128xi32, #tpu.memory_space<vmem>>) semaphore(%run_scoped3A : memref<!tpu.dma_semaphore, #tpu.memory_space<semaphore_mem>>) {add = true}
        %dma_wait3A = arith.constant 0 : i32
        %dma_wait3A_40 = tpu.memref_slice %arg4[%scan3A_34, %dma_wait3A] : memref<79x128xi32, #tpu.memory_space<vmem>> -> memref<1x128xi32, #tpu.memory_space<vmem>>
        %dma_wait3A_41 = tpu.memref_squeeze %dma_wait3A_40 : memref<1x128xi32, #tpu.memory_space<vmem>> -> memref<128xi32, #tpu.memory_space<vmem>>
        %dma_wait3A_42 = arith.constant 0 : i32
        %dma_wait3A_43 = arith.constant 0 : i32
        %dma_wait3A_44 = tpu.memref_slice %arg7[%dma_wait3A_42, %dma_wait3A_43] : memref<10240x16xf32, #tpu.memory_space<vmem_shared>> -> memref<10240x16xf32, #tpu.memory_space<vmem_shared>>
        tpu.wait_indirect_dma semaphore(%run_scoped3A : memref<!tpu.dma_semaphore, #tpu.memory_space<semaphore_mem>>) src(%arg5 : memref<128x16xf32, #tpu.memory_space<vmem>>) dst(%dma_wait3A_44 : memref<10240x16xf32, #tpu.memory_space<vmem_shared>>)
        tpu.yield
      }) : () -> ()
    }
    %scan3A_24 = arith.constant 79 : i32
    %barrier3A_25 = arith.constant 0 : index
    tpu.barrier barrier_id(%barrier3A_25)
    %add3A_26 = arith.constant 0 : i32
    %add3A_27 = arith.addi %mul3A_16, %add3A_26 : i32
    "tpu.region"() ({
      %run_scoped3A = tpu.sem_alloc : memref<!tpu.dma_semaphore, #tpu.memory_space<semaphore_mem>>
      %dma_start3A = arith.constant 0 : i32
      %dma_start3A_34 = tpu.memref_slice %arg7[%add3A_27, %dma_start3A] : memref<10240x16xf32, #tpu.memory_space<vmem_shared>> -> memref<320x16xf32, #tpu.memory_space<vmem_shared>>
      %dma_start3A_35 = arith.constant 0 : i32
      %dma_start3A_36 = tpu.memref_slice %arg7[%add3A_27, %dma_start3A_35] : memref<10240x16xf32, #tpu.memory_space<vmem_shared>> -> memref<320x16xf32, #tpu.memory_space<vmem_shared>>
      tpu.enqueue_dma source(%dma_start3A_36 : memref<320x16xf32, #tpu.memory_space<vmem_shared>>) target(%arg6 : memref<320x16xf32, #tpu.memory_space<vmem>>) target_semaphore(%run_scoped3A : memref<!tpu.dma_semaphore, #tpu.memory_space<semaphore_mem>>)
      %dma_wait3A = arith.constant 0 : i32
      %dma_wait3A_37 = tpu.memref_slice %arg7[%add3A_27, %dma_wait3A] : memref<10240x16xf32, #tpu.memory_space<vmem_shared>> -> memref<320x16xf32, #tpu.memory_space<vmem_shared>>
      %dma_wait3A_38 = arith.constant 0 : i32
      %dma_wait3A_39 = tpu.memref_slice %arg7[%add3A_27, %dma_wait3A_38] : memref<10240x16xf32, #tpu.memory_space<vmem_shared>> -> memref<320x16xf32, #tpu.memory_space<vmem_shared>>
      tpu.wait_dma2 semaphore(%run_scoped3A : memref<!tpu.dma_semaphore, #tpu.memory_space<semaphore_mem>>) src(%dma_wait3A_39 : memref<320x16xf32, #tpu.memory_space<vmem_shared>>) dst(%arg6 : memref<320x16xf32, #tpu.memory_space<vmem>>)
      tpu.yield
    }) : () -> ()
    %add3A_28 = arith.constant 0 : i32
    %add3A_29 = arith.addi %mul3A_16, %add3A_28 : i32
    "tpu.region"() ({
      %run_scoped3A = tpu.sem_alloc : memref<!tpu.dma_semaphore, #tpu.memory_space<semaphore_mem>>
      %dma_start3A = arith.constant 0 : i32
      %dma_start3A_34 = tpu.memref_slice %arg3[%arg0, %add3A_29, %dma_start3A] : memref<2x10240x16xf32, #tpu.memory_space<hbm>> -> memref<1x320x16xf32, #tpu.memory_space<hbm>>
      %dma_start3A_35 = tpu.memref_squeeze %dma_start3A_34 : memref<1x320x16xf32, #tpu.memory_space<hbm>> -> memref<320x16xf32, #tpu.memory_space<hbm>>
      %dma_start3A_36 = arith.constant 0 : i32
      %dma_start3A_37 = tpu.memref_slice %arg3[%arg0, %add3A_29, %dma_start3A_36] : memref<2x10240x16xf32, #tpu.memory_space<hbm>> -> memref<1x320x16xf32, #tpu.memory_space<hbm>>
      %dma_start3A_38 = tpu.memref_squeeze %dma_start3A_37 : memref<1x320x16xf32, #tpu.memory_space<hbm>> -> memref<320x16xf32, #tpu.memory_space<hbm>>
      tpu.enqueue_dma source(%arg6 : memref<320x16xf32, #tpu.memory_space<vmem>>) target(%dma_start3A_38 : memref<320x16xf32, #tpu.memory_space<hbm>>) target_semaphore(%run_scoped3A : memref<!tpu.dma_semaphore, #tpu.memory_space<semaphore_mem>>)
      %dma_wait3A = arith.constant 0 : i32
      %dma_wait3A_39 = tpu.memref_slice %arg3[%arg0, %add3A_29, %dma_wait3A] : memref<2x10240x16xf32, #tpu.memory_space<hbm>> -> memref<1x320x16xf32, #tpu.memory_space<hbm>>
      %dma_wait3A_40 = tpu.memref_squeeze %dma_wait3A_39 : memref<1x320x16xf32, #tpu.memory_space<hbm>> -> memref<320x16xf32, #tpu.memory_space<hbm>>
      %dma_wait3A_41 = arith.constant 0 : i32
      %dma_wait3A_42 = tpu.memref_slice %arg3[%arg0, %add3A_29, %dma_wait3A_41] : memref<2x10240x16xf32, #tpu.memory_space<hbm>> -> memref<1x320x16xf32, #tpu.memory_space<hbm>>
      %dma_wait3A_43 = tpu.memref_squeeze %dma_wait3A_42 : memref<1x320x16xf32, #tpu.memory_space<hbm>> -> memref<320x16xf32, #tpu.memory_space<hbm>>
      tpu.wait_dma2 semaphore(%run_scoped3A : memref<!tpu.dma_semaphore, #tpu.memory_space<semaphore_mem>>) src(%arg6 : memref<320x16xf32, #tpu.memory_space<vmem>>) dst(%dma_wait3A_43 : memref<320x16xf32, #tpu.memory_space<hbm>>)
      tpu.yield
    }) : () -> ()
    %add3A_30 = arith.constant 320 : i32
    %add3A_31 = arith.addi %mul3A_16, %add3A_30 : i32
    "tpu.region"() ({
      %run_scoped3A = tpu.sem_alloc : memref<!tpu.dma_semaphore, #tpu.memory_space<semaphore_mem>>
      %dma_start3A = arith.constant 0 : i32
      %dma_start3A_34 = tpu.memref_slice %arg7[%add3A_31, %dma_start3A] : memref<10240x16xf32, #tpu.memory_space<vmem_shared>> -> memref<320x16xf32, #tpu.memory_space<vmem_shared>>
      %dma_start3A_35 = arith.constant 0 : i32
      %dma_start3A_36 = tpu.memref_slice %arg7[%add3A_31, %dma_start3A_35] : memref<10240x16xf32, #tpu.memory_space<vmem_shared>> -> memref<320x16xf32, #tpu.memory_space<vmem_shared>>
      tpu.enqueue_dma source(%dma_start3A_36 : memref<320x16xf32, #tpu.memory_space<vmem_shared>>) target(%arg6 : memref<320x16xf32, #tpu.memory_space<vmem>>) target_semaphore(%run_scoped3A : memref<!tpu.dma_semaphore, #tpu.memory_space<semaphore_mem>>)
      %dma_wait3A = arith.constant 0 : i32
      %dma_wait3A_37 = tpu.memref_slice %arg7[%add3A_31, %dma_wait3A] : memref<10240x16xf32, #tpu.memory_space<vmem_shared>> -> memref<320x16xf32, #tpu.memory_space<vmem_shared>>
      %dma_wait3A_38 = arith.constant 0 : i32
      %dma_wait3A_39 = tpu.memref_slice %arg7[%add3A_31, %dma_wait3A_38] : memref<10240x16xf32, #tpu.memory_space<vmem_shared>> -> memref<320x16xf32, #tpu.memory_space<vmem_shared>>
      tpu.wait_dma2 semaphore(%run_scoped3A : memref<!tpu.dma_semaphore, #tpu.memory_space<semaphore_mem>>) src(%dma_wait3A_39 : memref<320x16xf32, #tpu.memory_space<vmem_shared>>) dst(%arg6 : memref<320x16xf32, #tpu.memory_space<vmem>>)
      tpu.yield
    }) : () -> ()
    %add3A_32 = arith.constant 320 : i32
    %add3A_33 = arith.addi %mul3A_16, %add3A_32 : i32
    "tpu.region"() ({
      %run_scoped3A = tpu.sem_alloc : memref<!tpu.dma_semaphore, #tpu.memory_space<semaphore_mem>>
      %dma_start3A = arith.constant 0 : i32
      %dma_start3A_34 = tpu.memref_slice %arg3[%arg0, %add3A_33, %dma_start3A] : memref<2x10240x16xf32, #tpu.memory_space<hbm>> -> memref<1x320x16xf32, #tpu.memory_space<hbm>>
      %dma_start3A_35 = tpu.memref_squeeze %dma_start3A_34 : memref<1x320x16xf32, #tpu.memory_space<hbm>> -> memref<320x16xf32, #tpu.memory_space<hbm>>
      %dma_start3A_36 = arith.constant 0 : i32
      %dma_start3A_37 = tpu.memref_slice %arg3[%arg0, %add3A_33, %dma_start3A_36] : memref<2x10240x16xf32, #tpu.memory_space<hbm>> -> memref<1x320x16xf32, #tpu.memory_space<hbm>>
      %dma_start3A_38 = tpu.memref_squeeze %dma_start3A_37 : memref<1x320x16xf32, #tpu.memory_space<hbm>> -> memref<320x16xf32, #tpu.memory_space<hbm>>
      tpu.enqueue_dma source(%arg6 : memref<320x16xf32, #tpu.memory_space<vmem>>) target(%dma_start3A_38 : memref<320x16xf32, #tpu.memory_space<hbm>>) target_semaphore(%run_scoped3A : memref<!tpu.dma_semaphore, #tpu.memory_space<semaphore_mem>>)
      %dma_wait3A = arith.constant 0 : i32
      %dma_wait3A_39 = tpu.memref_slice %arg3[%arg0, %add3A_33, %dma_wait3A] : memref<2x10240x16xf32, #tpu.memory_space<hbm>> -> memref<1x320x16xf32, #tpu.memory_space<hbm>>
      %dma_wait3A_40 = tpu.memref_squeeze %dma_wait3A_39 : memref<1x320x16xf32, #tpu.memory_space<hbm>> -> memref<320x16xf32, #tpu.memory_space<hbm>>
      %dma_wait3A_41 = arith.constant 0 : i32
      %dma_wait3A_42 = tpu.memref_slice %arg3[%arg0, %add3A_33, %dma_wait3A_41] : memref<2x10240x16xf32, #tpu.memory_space<hbm>> -> memref<1x320x16xf32, #tpu.memory_space<hbm>>
      %dma_wait3A_43 = tpu.memref_squeeze %dma_wait3A_42 : memref<1x320x16xf32, #tpu.memory_space<hbm>> -> memref<320x16xf32, #tpu.memory_space<hbm>>
      tpu.wait_dma2 semaphore(%run_scoped3A : memref<!tpu.dma_semaphore, #tpu.memory_space<semaphore_mem>>) src(%arg6 : memref<320x16xf32, #tpu.memory_space<vmem>>) dst(%dma_wait3A_43 : memref<320x16xf32, #tpu.memory_space<hbm>>)
      tpu.yield
    }) : () -> ()
    return
  }
}

#map = affine_map<(d0, d1) -> (0, 0, 0)>
module attributes {stable_mosaic.version = 14 : i64} {
  func.func @body(%arg0: i32, %arg1: i32, %arg2: memref<2x10240x64xf32, #tpu.memory_space<hbm>>, %arg3: memref<16x158x128xi32, #tpu.memory_space<hbm>>, %arg4: memref<16x158x128xi32, #tpu.memory_space<hbm>>, %arg5: memref<2x10240x64xf32, #tpu.memory_space<hbm>>, %arg6: memref<158x128xi32, #tpu.memory_space<vmem>>, %arg7: memref<158x128xi32, #tpu.memory_space<vmem>>, %arg8: memref<128x64xf32, #tpu.memory_space<vmem>>, %arg9: memref<128x64xf32, #tpu.memory_space<vmem>>, %arg10: memref<160x64xf32, #tpu.memory_space<vmem>>, %arg11: memref<10240x64xf32, #tpu.memory_space<vmem_shared>>, %arg12: memref<!tpu.dma_semaphore, #tpu.memory_space<semaphore_mem>>, %arg13: memref<!tpu.dma_semaphore, #tpu.memory_space<semaphore_mem>>) attributes {dimension_semantics = [#tpu.dimension_semantics<core_parallel>, #tpu.dimension_semantics<subcore_parallel>], iteration_bounds = array<i64: 2, 16>, scalar_prefetch = 0 : i64, scratch_operands = 8 : i64, tpu.core_type = #tpu.core_type<sc_vector_subcore>, window_params = [{transform_indices = #map}, {transform_indices = #map}, {transform_indices = #map}, {transform_indices = #map}]} {
    "tpu.region"() ({
      %run_scoped3A_80 = tpu.sem_alloc : memref<!tpu.dma_semaphore, #tpu.memory_space<semaphore_mem>>
      %dma_start3A_81 = arith.constant 0 : i32
      %dma_start3A_82 = arith.constant 0 : i32
      %dma_start3A_83 = tpu.memref_slice %arg3[%arg1, %dma_start3A_81, %dma_start3A_82] : memref<16x158x128xi32, #tpu.memory_space<hbm>> -> memref<1x158x128xi32, #tpu.memory_space<hbm>>
      %dma_start3A_84 = tpu.memref_squeeze %dma_start3A_83 : memref<1x158x128xi32, #tpu.memory_space<hbm>> -> memref<158x128xi32, #tpu.memory_space<hbm>>
      %dma_start3A_85 = arith.constant 0 : i32
      %dma_start3A_86 = arith.constant 0 : i32
      %dma_start3A_87 = tpu.memref_slice %arg3[%arg1, %dma_start3A_85, %dma_start3A_86] : memref<16x158x128xi32, #tpu.memory_space<hbm>> -> memref<1x158x128xi32, #tpu.memory_space<hbm>>
      %dma_start3A_88 = tpu.memref_squeeze %dma_start3A_87 : memref<1x158x128xi32, #tpu.memory_space<hbm>> -> memref<158x128xi32, #tpu.memory_space<hbm>>
      tpu.enqueue_dma source(%dma_start3A_88 : memref<158x128xi32, #tpu.memory_space<hbm>>) target(%arg6 : memref<158x128xi32, #tpu.memory_space<vmem>>) target_semaphore(%run_scoped3A_80 : memref<!tpu.dma_semaphore, #tpu.memory_space<semaphore_mem>>)
      %dma_wait3A_89 = arith.constant 0 : i32
      %dma_wait3A_90 = arith.constant 0 : i32
      %dma_wait3A_91 = tpu.memref_slice %arg3[%arg1, %dma_wait3A_89, %dma_wait3A_90] : memref<16x158x128xi32, #tpu.memory_space<hbm>> -> memref<1x158x128xi32, #tpu.memory_space<hbm>>
      %dma_wait3A_92 = tpu.memref_squeeze %dma_wait3A_91 : memref<1x158x128xi32, #tpu.memory_space<hbm>> -> memref<158x128xi32, #tpu.memory_space<hbm>>
      %dma_wait3A_93 = arith.constant 0 : i32
      %dma_wait3A_94 = arith.constant 0 : i32
      %dma_wait3A_95 = tpu.memref_slice %arg3[%arg1, %dma_wait3A_93, %dma_wait3A_94] : memref<16x158x128xi32, #tpu.memory_space<hbm>> -> memref<1x158x128xi32, #tpu.memory_space<hbm>>
      %dma_wait3A_96 = tpu.memref_squeeze %dma_wait3A_95 : memref<1x158x128xi32, #tpu.memory_space<hbm>> -> memref<158x128xi32, #tpu.memory_space<hbm>>
      tpu.wait_dma2 semaphore(%run_scoped3A_80 : memref<!tpu.dma_semaphore, #tpu.memory_space<semaphore_mem>>) src(%dma_wait3A_96 : memref<158x128xi32, #tpu.memory_space<hbm>>) dst(%arg6 : memref<158x128xi32, #tpu.memory_space<vmem>>)
      tpu.yield
    }) : () -> ()
    "tpu.region"() ({
      %run_scoped3A_80 = tpu.sem_alloc : memref<!tpu.dma_semaphore, #tpu.memory_space<semaphore_mem>>
      %dma_start3A_81 = arith.constant 0 : i32
      %dma_start3A_82 = arith.constant 0 : i32
      %dma_start3A_83 = tpu.memref_slice %arg4[%arg1, %dma_start3A_81, %dma_start3A_82] : memref<16x158x128xi32, #tpu.memory_space<hbm>> -> memref<1x158x128xi32, #tpu.memory_space<hbm>>
      %dma_start3A_84 = tpu.memref_squeeze %dma_start3A_83 : memref<1x158x128xi32, #tpu.memory_space<hbm>> -> memref<158x128xi32, #tpu.memory_space<hbm>>
      %dma_start3A_85 = arith.constant 0 : i32
      %dma_start3A_86 = arith.constant 0 : i32
      %dma_start3A_87 = tpu.memref_slice %arg4[%arg1, %dma_start3A_85, %dma_start3A_86] : memref<16x158x128xi32, #tpu.memory_space<hbm>> -> memref<1x158x128xi32, #tpu.memory_space<hbm>>
      %dma_start3A_88 = tpu.memref_squeeze %dma_start3A_87 : memref<1x158x128xi32, #tpu.memory_space<hbm>> -> memref<158x128xi32, #tpu.memory_space<hbm>>
      tpu.enqueue_dma source(%dma_start3A_88 : memref<158x128xi32, #tpu.memory_space<hbm>>) target(%arg7 : memref<158x128xi32, #tpu.memory_space<vmem>>) target_semaphore(%run_scoped3A_80 : memref<!tpu.dma_semaphore, #tpu.memory_space<semaphore_mem>>)
      %dma_wait3A_89 = arith.constant 0 : i32
      %dma_wait3A_90 = arith.constant 0 : i32
      %dma_wait3A_91 = tpu.memref_slice %arg4[%arg1, %dma_wait3A_89, %dma_wait3A_90] : memref<16x158x128xi32, #tpu.memory_space<hbm>> -> memref<1x158x128xi32, #tpu.memory_space<hbm>>
      %dma_wait3A_92 = tpu.memref_squeeze %dma_wait3A_91 : memref<1x158x128xi32, #tpu.memory_space<hbm>> -> memref<158x128xi32, #tpu.memory_space<hbm>>
      %dma_wait3A_93 = arith.constant 0 : i32
      %dma_wait3A_94 = arith.constant 0 : i32
      %dma_wait3A_95 = tpu.memref_slice %arg4[%arg1, %dma_wait3A_93, %dma_wait3A_94] : memref<16x158x128xi32, #tpu.memory_space<hbm>> -> memref<1x158x128xi32, #tpu.memory_space<hbm>>
      %dma_wait3A_96 = tpu.memref_squeeze %dma_wait3A_95 : memref<1x158x128xi32, #tpu.memory_space<hbm>> -> memref<158x128xi32, #tpu.memory_space<hbm>>
      tpu.wait_dma2 semaphore(%run_scoped3A_80 : memref<!tpu.dma_semaphore, #tpu.memory_space<semaphore_mem>>) src(%dma_wait3A_96 : memref<158x128xi32, #tpu.memory_space<hbm>>) dst(%arg7 : memref<158x128xi32, #tpu.memory_space<vmem>>)
      tpu.yield
    }) : () -> ()
    %broadcast_in_dim3A = arith.constant 0.000000e+00 : f32
    %broadcast_in_dim3A_0 = vector.broadcast %broadcast_in_dim3A : f32 to vector<16xf32>
    %scan3A = arith.constant 0 : i32
    %scan3A_1 = arith.constant 0 : i32
    %scan3A_2 = arith.constant 160 : i32
    %scan3A_3 = arith.addi %scan3A_1, %scan3A_2 : i32
    %scan3A_4 = arith.constant 1 : i32
    scf.for %scan3A_80 = %scan3A_1 to %scan3A_3 step %scan3A_4  : i32 {
      %swap3A = arith.index_cast %scan3A_80 : i32 to index
      %swap3A_81 = arith.constant 0 : index
      %swap3A_82 = tpu.vector_load %arg10[%swap3A, %swap3A_81] {strides = array<i32>} : memref<160x64xf32, #tpu.memory_space<vmem>>, vector<1x16xf32>,
      %swap3A_83 = vector.shape_cast %swap3A_82 : vector<1x16xf32> to vector<16xf32>
      %swap3A_84 = vector.shape_cast %broadcast_in_dim3A_0 : vector<16xf32> to vector<1x16xf32>
      tpu.vector_store %arg10[%swap3A, %swap3A_81], %swap3A_84 {strides = array<i32>} : memref<160x64xf32, #tpu.memory_space<vmem>>, vector<1x16xf32>,
      %swap3A_85 = arith.index_cast %scan3A_80 : i32 to index
      %swap3A_86 = arith.constant 16 : index
      %swap3A_87 = tpu.vector_load %arg10[%swap3A_85, %swap3A_86] {strides = array<i32>} : memref<160x64xf32, #tpu.memory_space<vmem>>, vector<1x16xf32>,
      %swap3A_88 = vector.shape_cast %swap3A_87 : vector<1x16xf32> to vector<16xf32>
      %swap3A_89 = vector.shape_cast %broadcast_in_dim3A_0 : vector<16xf32> to vector<1x16xf32>
      tpu.vector_store %arg10[%swap3A_85, %swap3A_86], %swap3A_89 {strides = array<i32>} : memref<160x64xf32, #tpu.memory_space<vmem>>, vector<1x16xf32>,
      %swap3A_90 = arith.index_cast %scan3A_80 : i32 to index
      %swap3A_91 = arith.constant 32 : index
      %swap3A_92 = tpu.vector_load %arg10[%swap3A_90, %swap3A_91] {strides = array<i32>} : memref<160x64xf32, #tpu.memory_space<vmem>>, vector<1x16xf32>,
      %swap3A_93 = vector.shape_cast %swap3A_92 : vector<1x16xf32> to vector<16xf32>
      %swap3A_94 = vector.shape_cast %broadcast_in_dim3A_0 : vector<16xf32> to vector<1x16xf32>
      tpu.vector_store %arg10[%swap3A_90, %swap3A_91], %swap3A_94 {strides = array<i32>} : memref<160x64xf32, #tpu.memory_space<vmem>>, vector<1x16xf32>,
      %swap3A_95 = arith.index_cast %scan3A_80 : i32 to index
      %swap3A_96 = arith.constant 48 : index
      %swap3A_97 = tpu.vector_load %arg10[%swap3A_95, %swap3A_96] {strides = array<i32>} : memref<160x64xf32, #tpu.memory_space<vmem>>, vector<1x16xf32>,
      %swap3A_98 = vector.shape_cast %swap3A_97 : vector<1x16xf32> to vector<16xf32>
      %swap3A_99 = vector.shape_cast %broadcast_in_dim3A_0 : vector<16xf32> to vector<1x16xf32>
      tpu.vector_store %arg10[%swap3A_95, %swap3A_96], %swap3A_99 {strides = array<i32>} : memref<160x64xf32, #tpu.memory_space<vmem>>, vector<1x16xf32>,
    }
    %scan3A_5 = arith.constant 160 : i32
    %mul3A = arith.constant 640 : i32
    %mul3A_6 = arith.muli %arg1, %mul3A : i32
    %add3A = arith.constant 0 : i32
    %add3A_7 = arith.addi %mul3A_6, %add3A : i32
    "tpu.region"() ({
      %run_scoped3A_80 = tpu.sem_alloc : memref<!tpu.dma_semaphore, #tpu.memory_space<semaphore_mem>>
      %dma_start3A_81 = arith.constant 0 : i32
      %dma_start3A_82 = tpu.memref_slice %arg11[%add3A_7, %dma_start3A_81] : memref<10240x64xf32, #tpu.memory_space<vmem_shared>> -> memref<160x64xf32, #tpu.memory_space<vmem_shared>>
      %dma_start3A_83 = arith.constant 0 : i32
      %dma_start3A_84 = tpu.memref_slice %arg11[%add3A_7, %dma_start3A_83] : memref<10240x64xf32, #tpu.memory_space<vmem_shared>> -> memref<160x64xf32, #tpu.memory_space<vmem_shared>>
      tpu.enqueue_dma source(%arg10 : memref<160x64xf32, #tpu.memory_space<vmem>>) target(%dma_start3A_84 : memref<160x64xf32, #tpu.memory_space<vmem_shared>>) target_semaphore(%run_scoped3A_80 : memref<!tpu.dma_semaphore, #tpu.memory_space<semaphore_mem>>)
      %dma_wait3A_85 = arith.constant 0 : i32
      %dma_wait3A_86 = tpu.memref_slice %arg11[%add3A_7, %dma_wait3A_85] : memref<10240x64xf32, #tpu.memory_space<vmem_shared>> -> memref<160x64xf32, #tpu.memory_space<vmem_shared>>
      %dma_wait3A_87 = arith.constant 0 : i32
      %dma_wait3A_88 = tpu.memref_slice %arg11[%add3A_7, %dma_wait3A_87] : memref<10240x64xf32, #tpu.memory_space<vmem_shared>> -> memref<160x64xf32, #tpu.memory_space<vmem_shared>>
      tpu.wait_dma2 semaphore(%run_scoped3A_80 : memref<!tpu.dma_semaphore, #tpu.memory_space<semaphore_mem>>) src(%arg10 : memref<160x64xf32, #tpu.memory_space<vmem>>) dst(%dma_wait3A_88 : memref<160x64xf32, #tpu.memory_space<vmem_shared>>)
      tpu.yield
    }) : () -> ()
    %add3A_8 = arith.constant 160 : i32
    %add3A_9 = arith.addi %mul3A_6, %add3A_8 : i32
    "tpu.region"() ({
      %run_scoped3A_80 = tpu.sem_alloc : memref<!tpu.dma_semaphore, #tpu.memory_space<semaphore_mem>>
      %dma_start3A_81 = arith.constant 0 : i32
      %dma_start3A_82 = tpu.memref_slice %arg11[%add3A_9, %dma_start3A_81] : memref<10240x64xf32, #tpu.memory_space<vmem_shared>> -> memref<160x64xf32, #tpu.memory_space<vmem_shared>>
      %dma_start3A_83 = arith.constant 0 : i32
      %dma_start3A_84 = tpu.memref_slice %arg11[%add3A_9, %dma_start3A_83] : memref<10240x64xf32, #tpu.memory_space<vmem_shared>> -> memref<160x64xf32, #tpu.memory_space<vmem_shared>>
      tpu.enqueue_dma source(%arg10 : memref<160x64xf32, #tpu.memory_space<vmem>>) target(%dma_start3A_84 : memref<160x64xf32, #tpu.memory_space<vmem_shared>>) target_semaphore(%run_scoped3A_80 : memref<!tpu.dma_semaphore, #tpu.memory_space<semaphore_mem>>)
      %dma_wait3A_85 = arith.constant 0 : i32
      %dma_wait3A_86 = tpu.memref_slice %arg11[%add3A_9, %dma_wait3A_85] : memref<10240x64xf32, #tpu.memory_space<vmem_shared>> -> memref<160x64xf32, #tpu.memory_space<vmem_shared>>
      %dma_wait3A_87 = arith.constant 0 : i32
      %dma_wait3A_88 = tpu.memref_slice %arg11[%add3A_9, %dma_wait3A_87] : memref<10240x64xf32, #tpu.memory_space<vmem_shared>> -> memref<160x64xf32, #tpu.memory_space<vmem_shared>>
      tpu.wait_dma2 semaphore(%run_scoped3A_80 : memref<!tpu.dma_semaphore, #tpu.memory_space<semaphore_mem>>) src(%arg10 : memref<160x64xf32, #tpu.memory_space<vmem>>) dst(%dma_wait3A_88 : memref<160x64xf32, #tpu.memory_space<vmem_shared>>)
      tpu.yield
    }) : () -> ()
    %add3A_10 = arith.constant 320 : i32
    %add3A_11 = arith.addi %mul3A_6, %add3A_10 : i32
    "tpu.region"() ({
      %run_scoped3A_80 = tpu.sem_alloc : memref<!tpu.dma_semaphore, #tpu.memory_space<semaphore_mem>>
      %dma_start3A_81 = arith.constant 0 : i32
      %dma_start3A_82 = tpu.memref_slice %arg11[%add3A_11, %dma_start3A_81] : memref<10240x64xf32, #tpu.memory_space<vmem_shared>> -> memref<160x64xf32, #tpu.memory_space<vmem_shared>>
      %dma_start3A_83 = arith.constant 0 : i32
      %dma_start3A_84 = tpu.memref_slice %arg11[%add3A_11, %dma_start3A_83] : memref<10240x64xf32, #tpu.memory_space<vmem_shared>> -> memref<160x64xf32, #tpu.memory_space<vmem_shared>>
      tpu.enqueue_dma source(%arg10 : memref<160x64xf32, #tpu.memory_space<vmem>>) target(%dma_start3A_84 : memref<160x64xf32, #tpu.memory_space<vmem_shared>>) target_semaphore(%run_scoped3A_80 : memref<!tpu.dma_semaphore, #tpu.memory_space<semaphore_mem>>)
      %dma_wait3A_85 = arith.constant 0 : i32
      %dma_wait3A_86 = tpu.memref_slice %arg11[%add3A_11, %dma_wait3A_85] : memref<10240x64xf32, #tpu.memory_space<vmem_shared>> -> memref<160x64xf32, #tpu.memory_space<vmem_shared>>
      %dma_wait3A_87 = arith.constant 0 : i32
      %dma_wait3A_88 = tpu.memref_slice %arg11[%add3A_11, %dma_wait3A_87] : memref<10240x64xf32, #tpu.memory_space<vmem_shared>> -> memref<160x64xf32, #tpu.memory_space<vmem_shared>>
      tpu.wait_dma2 semaphore(%run_scoped3A_80 : memref<!tpu.dma_semaphore, #tpu.memory_space<semaphore_mem>>) src(%arg10 : memref<160x64xf32, #tpu.memory_space<vmem>>) dst(%dma_wait3A_88 : memref<160x64xf32, #tpu.memory_space<vmem_shared>>)
      tpu.yield
    }) : () -> ()
    %add3A_12 = arith.constant 480 : i32
    %add3A_13 = arith.addi %mul3A_6, %add3A_12 : i32
    "tpu.region"() ({
      %run_scoped3A_80 = tpu.sem_alloc : memref<!tpu.dma_semaphore, #tpu.memory_space<semaphore_mem>>
      %dma_start3A_81 = arith.constant 0 : i32
      %dma_start3A_82 = tpu.memref_slice %arg11[%add3A_13, %dma_start3A_81] : memref<10240x64xf32, #tpu.memory_space<vmem_shared>> -> memref<160x64xf32, #tpu.memory_space<vmem_shared>>
      %dma_start3A_83 = arith.constant 0 : i32
      %dma_start3A_84 = tpu.memref_slice %arg11[%add3A_13, %dma_start3A_83] : memref<10240x64xf32, #tpu.memory_space<vmem_shared>> -> memref<160x64xf32, #tpu.memory_space<vmem_shared>>
      tpu.enqueue_dma source(%arg10 : memref<160x64xf32, #tpu.memory_space<vmem>>) target(%dma_start3A_84 : memref<160x64xf32, #tpu.memory_space<vmem_shared>>) target_semaphore(%run_scoped3A_80 : memref<!tpu.dma_semaphore, #tpu.memory_space<semaphore_mem>>)
      %dma_wait3A_85 = arith.constant 0 : i32
      %dma_wait3A_86 = tpu.memref_slice %arg11[%add3A_13, %dma_wait3A_85] : memref<10240x64xf32, #tpu.memory_space<vmem_shared>> -> memref<160x64xf32, #tpu.memory_space<vmem_shared>>
      %dma_wait3A_87 = arith.constant 0 : i32
      %dma_wait3A_88 = tpu.memref_slice %arg11[%add3A_13, %dma_wait3A_87] : memref<10240x64xf32, #tpu.memory_space<vmem_shared>> -> memref<160x64xf32, #tpu.memory_space<vmem_shared>>
      tpu.wait_dma2 semaphore(%run_scoped3A_80 : memref<!tpu.dma_semaphore, #tpu.memory_space<semaphore_mem>>) src(%arg10 : memref<160x64xf32, #tpu.memory_space<vmem>>) dst(%dma_wait3A_88 : memref<160x64xf32, #tpu.memory_space<vmem_shared>>)
      tpu.yield
    }) : () -> ()
    %barrier3A = arith.constant 0 : index
    tpu.barrier barrier_id(%barrier3A)
    %dma_start3A = arith.constant 0 : i32
    %dma_start3A_14 = arith.constant 0 : i32
    %dma_start3A_15 = tpu.memref_slice %arg6[%dma_start3A, %dma_start3A_14] : memref<158x128xi32, #tpu.memory_space<vmem>> -> memref<1x128xi32, #tpu.memory_space<vmem>>
    %dma_start3A_16 = tpu.memref_squeeze %dma_start3A_15 : memref<1x128xi32, #tpu.memory_space<vmem>> -> memref<128xi32, #tpu.memory_space<vmem>>
    %dma_start3A_17 = arith.constant 0 : i32
    %dma_start3A_18 = arith.constant 0 : i32
    %dma_start3A_19 = tpu.memref_slice %arg2[%arg0, %dma_start3A_17, %dma_start3A_18] : memref<2x10240x64xf32, #tpu.memory_space<hbm>> -> memref<1x10240x64xf32, #tpu.memory_space<hbm>>
    %dma_start3A_20 = tpu.memref_squeeze %dma_start3A_19 : memref<1x10240x64xf32, #tpu.memory_space<hbm>> -> memref<10240x64xf32, #tpu.memory_space<hbm>>
    %dma_start3A_21 = arith.constant 0 : i32
    %dma_start3A_22 = arith.constant 0 : i32
    %dma_start3A_23 = tpu.memref_slice %dma_start3A_20[%dma_start3A_21, %dma_start3A_22] : memref<10240x64xf32, #tpu.memory_space<hbm>> -> memref<10240x64xf32, #tpu.memory_space<hbm>>
    tpu.enqueue_indirect_dma source(%dma_start3A_23 : memref<10240x64xf32, #tpu.memory_space<hbm>>) target(%arg8 : memref<128x64xf32, #tpu.memory_space<vmem>>) offsets(%dma_start3A_16 : memref<128xi32, #tpu.memory_space<vmem>>) semaphore(%arg12 : memref<!tpu.dma_semaphore, #tpu.memory_space<semaphore_mem>>)
    %dma_start3A_24 = arith.constant 1 : i32
    %dma_start3A_25 = arith.constant 0 : i32
    %dma_start3A_26 = tpu.memref_slice %arg6[%dma_start3A_24, %dma_start3A_25] : memref<158x128xi32, #tpu.memory_space<vmem>> -> memref<1x128xi32, #tpu.memory_space<vmem>>
    %dma_start3A_27 = tpu.memref_squeeze %dma_start3A_26 : memref<1x128xi32, #tpu.memory_space<vmem>> -> memref<128xi32, #tpu.memory_space<vmem>>
    %dma_start3A_28 = arith.constant 0 : i32
    %dma_start3A_29 = arith.constant 0 : i32
    %dma_start3A_30 = tpu.memref_slice %arg2[%arg0, %dma_start3A_28, %dma_start3A_29] : memref<2x10240x64xf32, #tpu.memory_space<hbm>> -> memref<1x10240x64xf32, #tpu.memory_space<hbm>>
    %dma_start3A_31 = tpu.memref_squeeze %dma_start3A_30 : memref<1x10240x64xf32, #tpu.memory_space<hbm>> -> memref<10240x64xf32, #tpu.memory_space<hbm>>
    %dma_start3A_32 = arith.constant 0 : i32
    %dma_start3A_33 = arith.constant 0 : i32
    %dma_start3A_34 = tpu.memref_slice %dma_start3A_31[%dma_start3A_32, %dma_start3A_33] : memref<10240x64xf32, #tpu.memory_space<hbm>> -> memref<10240x64xf32, #tpu.memory_space<hbm>>
    tpu.enqueue_indirect_dma source(%dma_start3A_34 : memref<10240x64xf32, #tpu.memory_space<hbm>>) target(%arg9 : memref<128x64xf32, #tpu.memory_space<vmem>>) offsets(%dma_start3A_27 : memref<128xi32, #tpu.memory_space<vmem>>) semaphore(%arg13 : memref<!tpu.dma_semaphore, #tpu.memory_space<semaphore_mem>>)
    %scan3A_35 = arith.constant 0 : i32
    %scan3A_36 = arith.constant 0 : i32
    %scan3A_37 = arith.constant 78 : i32
    %scan3A_38 = arith.addi %scan3A_36, %scan3A_37 : i32
    %scan3A_39 = arith.constant 1 : i32
    scf.for %scan3A_80 = %scan3A_36 to %scan3A_38 step %scan3A_39  : i32 {
      %mul3A_81 = arith.constant 2 : i32
      %mul3A_82 = arith.muli %mul3A_81, %scan3A_80 : i32
      %dma_wait3A_83 = arith.constant 0 : i32
      %dma_wait3A_84 = arith.constant 0 : i32
      %dma_wait3A_85 = tpu.memref_slice %arg6[%dma_wait3A_83, %dma_wait3A_84] : memref<158x128xi32, #tpu.memory_space<vmem>> -> memref<1x128xi32, #tpu.memory_space<vmem>>
      %dma_wait3A_86 = tpu.memref_squeeze %dma_wait3A_85 : memref<1x128xi32, #tpu.memory_space<vmem>> -> memref<128xi32, #tpu.memory_space<vmem>>
      %dma_wait3A_87 = arith.constant 0 : i32
      %dma_wait3A_88 = arith.constant 0 : i32
      %dma_wait3A_89 = tpu.memref_slice %arg2[%arg0, %dma_wait3A_87, %dma_wait3A_88] : memref<2x10240x64xf32, #tpu.memory_space<hbm>> -> memref<1x10240x64xf32, #tpu.memory_space<hbm>>
      %dma_wait3A_90 = tpu.memref_squeeze %dma_wait3A_89 : memref<1x10240x64xf32, #tpu.memory_space<hbm>> -> memref<10240x64xf32, #tpu.memory_space<hbm>>
      %dma_wait3A_91 = arith.constant 0 : i32
      %dma_wait3A_92 = arith.constant 0 : i32
      %dma_wait3A_93 = tpu.memref_slice %dma_wait3A_90[%dma_wait3A_91, %dma_wait3A_92] : memref<10240x64xf32, #tpu.memory_space<hbm>> -> memref<10240x64xf32, #tpu.memory_space<hbm>>
      tpu.wait_indirect_dma semaphore(%arg12 : memref<!tpu.dma_semaphore, #tpu.memory_space<semaphore_mem>>) src(%dma_wait3A_93 : memref<10240x64xf32, #tpu.memory_space<hbm>>) dst(%arg8 : memref<128x64xf32, #tpu.memory_space<vmem>>)
      "tpu.region"() ({
        %run_scoped3A_131 = tpu.sem_alloc : memref<!tpu.dma_semaphore, #tpu.memory_space<semaphore_mem>>
        %dma_start3A_132 = arith.constant 0 : i32
        %dma_start3A_133 = tpu.memref_slice %arg7[%mul3A_82, %dma_start3A_132] : memref<158x128xi32, #tpu.memory_space<vmem>> -> memref<1x128xi32, #tpu.memory_space<vmem>>
        %dma_start3A_134 = tpu.memref_squeeze %dma_start3A_133 : memref<1x128xi32, #tpu.memory_space<vmem>> -> memref<128xi32, #tpu.memory_space<vmem>>
        %dma_start3A_135 = arith.constant 0 : i32
        %dma_start3A_136 = arith.constant 0 : i32
        %dma_start3A_137 = tpu.memref_slice %arg11[%dma_start3A_135, %dma_start3A_136] : memref<10240x64xf32, #tpu.memory_space<vmem_shared>> -> memref<10240x64xf32, #tpu.memory_space<vmem_shared>>
        tpu.enqueue_indirect_dma source(%arg8 : memref<128x64xf32, #tpu.memory_space<vmem>>) target(%dma_start3A_137 : memref<10240x64xf32, #tpu.memory_space<vmem_shared>>) offsets(%dma_start3A_134 : memref<128xi32, #tpu.memory_space<vmem>>) semaphore(%run_scoped3A_131 : memref<!tpu.dma_semaphore, #tpu.memory_space<semaphore_mem>>) {add = true}
        %dma_wait3A_138 = arith.constant 0 : i32
        %dma_wait3A_139 = tpu.memref_slice %arg7[%mul3A_82, %dma_wait3A_138] : memref<158x128xi32, #tpu.memory_space<vmem>> -> memref<1x128xi32, #tpu.memory_space<vmem>>
        %dma_wait3A_140 = tpu.memref_squeeze %dma_wait3A_139 : memref<1x128xi32, #tpu.memory_space<vmem>> -> memref<128xi32, #tpu.memory_space<vmem>>
        %dma_wait3A_141 = arith.constant 0 : i32
        %dma_wait3A_142 = arith.constant 0 : i32
        %dma_wait3A_143 = tpu.memref_slice %arg11[%dma_wait3A_141, %dma_wait3A_142] : memref<10240x64xf32, #tpu.memory_space<vmem_shared>> -> memref<10240x64xf32, #tpu.memory_space<vmem_shared>>
        tpu.wait_indirect_dma semaphore(%run_scoped3A_131 : memref<!tpu.dma_semaphore, #tpu.memory_space<semaphore_mem>>) src(%arg8 : memref<128x64xf32, #tpu.memory_space<vmem>>) dst(%dma_wait3A_143 : memref<10240x64xf32, #tpu.memory_space<vmem_shared>>)
        tpu.yield
      }) : () -> ()
      %add3A_94 = arith.constant 2 : i32
      %add3A_95 = arith.addi %mul3A_82, %add3A_94 : i32
      %dma_start3A_96 = arith.constant 0 : i32
      %dma_start3A_97 = tpu.memref_slice %arg6[%add3A_95, %dma_start3A_96] : memref<158x128xi32, #tpu.memory_space<vmem>> -> memref<1x128xi32, #tpu.memory_space<vmem>>
      %dma_start3A_98 = tpu.memref_squeeze %dma_start3A_97 : memref<1x128xi32, #tpu.memory_space<vmem>> -> memref<128xi32, #tpu.memory_space<vmem>>
      %dma_start3A_99 = arith.constant 0 : i32
      %dma_start3A_100 = arith.constant 0 : i32
      %dma_start3A_101 = tpu.memref_slice %arg2[%arg0, %dma_start3A_99, %dma_start3A_100] : memref<2x10240x64xf32, #tpu.memory_space<hbm>> -> memref<1x10240x64xf32, #tpu.memory_space<hbm>>
      %dma_start3A_102 = tpu.memref_squeeze %dma_start3A_101 : memref<1x10240x64xf32, #tpu.memory_space<hbm>> -> memref<10240x64xf32, #tpu.memory_space<hbm>>
      %dma_start3A_103 = arith.constant 0 : i32
      %dma_start3A_104 = arith.constant 0 : i32
      %dma_start3A_105 = tpu.memref_slice %dma_start3A_102[%dma_start3A_103, %dma_start3A_104] : memref<10240x64xf32, #tpu.memory_space<hbm>> -> memref<10240x64xf32, #tpu.memory_space<hbm>>
      tpu.enqueue_indirect_dma source(%dma_start3A_105 : memref<10240x64xf32, #tpu.memory_space<hbm>>) target(%arg8 : memref<128x64xf32, #tpu.memory_space<vmem>>) offsets(%dma_start3A_98 : memref<128xi32, #tpu.memory_space<vmem>>) semaphore(%arg12 : memref<!tpu.dma_semaphore, #tpu.memory_space<semaphore_mem>>)
      %dma_wait3A_106 = arith.constant 0 : i32
      %dma_wait3A_107 = arith.constant 0 : i32
      %dma_wait3A_108 = tpu.memref_slice %arg6[%dma_wait3A_106, %dma_wait3A_107] : memref<158x128xi32, #tpu.memory_space<vmem>> -> memref<1x128xi32, #tpu.memory_space<vmem>>
      %dma_wait3A_109 = tpu.memref_squeeze %dma_wait3A_108 : memref<1x128xi32, #tpu.memory_space<vmem>> -> memref<128xi32, #tpu.memory_space<vmem>>
      %dma_wait3A_110 = arith.constant 0 : i32
      %dma_wait3A_111 = arith.constant 0 : i32
      %dma_wait3A_112 = tpu.memref_slice %arg2[%arg0, %dma_wait3A_110, %dma_wait3A_111] : memref<2x10240x64xf32, #tpu.memory_space<hbm>> -> memref<1x10240x64xf32, #tpu.memory_space<hbm>>
      %dma_wait3A_113 = tpu.memref_squeeze %dma_wait3A_112 : memref<1x10240x64xf32, #tpu.memory_space<hbm>> -> memref<10240x64xf32, #tpu.memory_space<hbm>>
      %dma_wait3A_114 = arith.constant 0 : i32
      %dma_wait3A_115 = arith.constant 0 : i32
      %dma_wait3A_116 = tpu.memref_slice %dma_wait3A_113[%dma_wait3A_114, %dma_wait3A_115] : memref<10240x64xf32, #tpu.memory_space<hbm>> -> memref<10240x64xf32, #tpu.memory_space<hbm>>
      tpu.wait_indirect_dma semaphore(%arg13 : memref<!tpu.dma_semaphore, #tpu.memory_space<semaphore_mem>>) src(%dma_wait3A_116 : memref<10240x64xf32, #tpu.memory_space<hbm>>) dst(%arg9 : memref<128x64xf32, #tpu.memory_space<vmem>>)
      %add3A_117 = arith.constant 1 : i32
      %add3A_118 = arith.addi %mul3A_82, %add3A_117 : i32
      "tpu.region"() ({
        %run_scoped3A_131 = tpu.sem_alloc : memref<!tpu.dma_semaphore, #tpu.memory_space<semaphore_mem>>
        %dma_start3A_132 = arith.constant 0 : i32
        %dma_start3A_133 = tpu.memref_slice %arg7[%add3A_118, %dma_start3A_132] : memref<158x128xi32, #tpu.memory_space<vmem>> -> memref<1x128xi32, #tpu.memory_space<vmem>>
        %dma_start3A_134 = tpu.memref_squeeze %dma_start3A_133 : memref<1x128xi32, #tpu.memory_space<vmem>> -> memref<128xi32, #tpu.memory_space<vmem>>
        %dma_start3A_135 = arith.constant 0 : i32
        %dma_start3A_136 = arith.constant 0 : i32
        %dma_start3A_137 = tpu.memref_slice %arg11[%dma_start3A_135, %dma_start3A_136] : memref<10240x64xf32, #tpu.memory_space<vmem_shared>> -> memref<10240x64xf32, #tpu.memory_space<vmem_shared>>
        tpu.enqueue_indirect_dma source(%arg9 : memref<128x64xf32, #tpu.memory_space<vmem>>) target(%dma_start3A_137 : memref<10240x64xf32, #tpu.memory_space<vmem_shared>>) offsets(%dma_start3A_134 : memref<128xi32, #tpu.memory_space<vmem>>) semaphore(%run_scoped3A_131 : memref<!tpu.dma_semaphore, #tpu.memory_space<semaphore_mem>>) {add = true}
        %dma_wait3A_138 = arith.constant 0 : i32
        %dma_wait3A_139 = tpu.memref_slice %arg7[%add3A_118, %dma_wait3A_138] : memref<158x128xi32, #tpu.memory_space<vmem>> -> memref<1x128xi32, #tpu.memory_space<vmem>>
        %dma_wait3A_140 = tpu.memref_squeeze %dma_wait3A_139 : memref<1x128xi32, #tpu.memory_space<vmem>> -> memref<128xi32, #tpu.memory_space<vmem>>
        %dma_wait3A_141 = arith.constant 0 : i32
        %dma_wait3A_142 = arith.constant 0 : i32
        %dma_wait3A_143 = tpu.memref_slice %arg11[%dma_wait3A_141, %dma_wait3A_142] : memref<10240x64xf32, #tpu.memory_space<vmem_shared>> -> memref<10240x64xf32, #tpu.memory_space<vmem_shared>>
        tpu.wait_indirect_dma semaphore(%run_scoped3A_131 : memref<!tpu.dma_semaphore, #tpu.memory_space<semaphore_mem>>) src(%arg9 : memref<128x64xf32, #tpu.memory_space<vmem>>) dst(%dma_wait3A_143 : memref<10240x64xf32, #tpu.memory_space<vmem_shared>>)
        tpu.yield
      }) : () -> ()
      %add3A_119 = arith.constant 3 : i32
      %add3A_120 = arith.addi %mul3A_82, %add3A_119 : i32
      %dma_start3A_121 = arith.constant 0 : i32
      %dma_start3A_122 = tpu.memref_slice %arg6[%add3A_120, %dma_start3A_121] : memref<158x128xi32, #tpu.memory_space<vmem>> -> memref<1x128xi32, #tpu.memory_space<vmem>>
      %dma_start3A_123 = tpu.memref_squeeze %dma_start3A_122 : memref<1x128xi32, #tpu.memory_space<vmem>> -> memref<128xi32, #tpu.memory_space<vmem>>
      %dma_start3A_124 = arith.constant 0 : i32
      %dma_start3A_125 = arith.constant 0 : i32
      %dma_start3A_126 = tpu.memref_slice %arg2[%arg0, %dma_start3A_124, %dma_start3A_125] : memref<2x10240x64xf32, #tpu.memory_space<hbm>> -> memref<1x10240x64xf32, #tpu.memory_space<hbm>>
      %dma_start3A_127 = tpu.memref_squeeze %dma_start3A_126 : memref<1x10240x64xf32, #tpu.memory_space<hbm>> -> memref<10240x64xf32, #tpu.memory_space<hbm>>
      %dma_start3A_128 = arith.constant 0 : i32
      %dma_start3A_129 = arith.constant 0 : i32
      %dma_start3A_130 = tpu.memref_slice %dma_start3A_127[%dma_start3A_128, %dma_start3A_129] : memref<10240x64xf32, #tpu.memory_space<hbm>> -> memref<10240x64xf32, #tpu.memory_space<hbm>>
      tpu.enqueue_indirect_dma source(%dma_start3A_130 : memref<10240x64xf32, #tpu.memory_space<hbm>>) target(%arg9 : memref<128x64xf32, #tpu.memory_space<vmem>>) offsets(%dma_start3A_123 : memref<128xi32, #tpu.memory_space<vmem>>) semaphore(%arg13 : memref<!tpu.dma_semaphore, #tpu.memory_space<semaphore_mem>>)
    }
    %scan3A_40 = arith.constant 78 : i32
    %dma_wait3A = arith.constant 0 : i32
    %dma_wait3A_41 = arith.constant 0 : i32
    %dma_wait3A_42 = tpu.memref_slice %arg6[%dma_wait3A, %dma_wait3A_41] : memref<158x128xi32, #tpu.memory_space<vmem>> -> memref<1x128xi32, #tpu.memory_space<vmem>>
    %dma_wait3A_43 = tpu.memref_squeeze %dma_wait3A_42 : memref<1x128xi32, #tpu.memory_space<vmem>> -> memref<128xi32, #tpu.memory_space<vmem>>
    %dma_wait3A_44 = arith.constant 0 : i32
    %dma_wait3A_45 = arith.constant 0 : i32
    %dma_wait3A_46 = tpu.memref_slice %arg2[%arg0, %dma_wait3A_44, %dma_wait3A_45] : memref<2x10240x64xf32, #tpu.memory_space<hbm>> -> memref<1x10240x64xf32, #tpu.memory_space<hbm>>
    %dma_wait3A_47 = tpu.memref_squeeze %dma_wait3A_46 : memref<1x10240x64xf32, #tpu.memory_space<hbm>> -> memref<10240x64xf32, #tpu.memory_space<hbm>>
    %dma_wait3A_48 = arith.constant 0 : i32
    %dma_wait3A_49 = arith.constant 0 : i32
    %dma_wait3A_50 = tpu.memref_slice %dma_wait3A_47[%dma_wait3A_48, %dma_wait3A_49] : memref<10240x64xf32, #tpu.memory_space<hbm>> -> memref<10240x64xf32, #tpu.memory_space<hbm>>
    tpu.wait_indirect_dma semaphore(%arg12 : memref<!tpu.dma_semaphore, #tpu.memory_space<semaphore_mem>>) src(%dma_wait3A_50 : memref<10240x64xf32, #tpu.memory_space<hbm>>) dst(%arg8 : memref<128x64xf32, #tpu.memory_space<vmem>>)
    %run_scoped3A = arith.constant 156 : i32
    "tpu.region"() ({
      %run_scoped3A_80 = tpu.sem_alloc : memref<!tpu.dma_semaphore, #tpu.memory_space<semaphore_mem>>
      %dma_start3A_81 = arith.constant 0 : i32
      %dma_start3A_82 = tpu.memref_slice %arg7[%run_scoped3A, %dma_start3A_81] : memref<158x128xi32, #tpu.memory_space<vmem>> -> memref<1x128xi32, #tpu.memory_space<vmem>>
      %dma_start3A_83 = tpu.memref_squeeze %dma_start3A_82 : memref<1x128xi32, #tpu.memory_space<vmem>> -> memref<128xi32, #tpu.memory_space<vmem>>
      %dma_start3A_84 = arith.constant 0 : i32
      %dma_start3A_85 = arith.constant 0 : i32
      %dma_start3A_86 = tpu.memref_slice %arg11[%dma_start3A_84, %dma_start3A_85] : memref<10240x64xf32, #tpu.memory_space<vmem_shared>> -> memref<10240x64xf32, #tpu.memory_space<vmem_shared>>
      tpu.enqueue_indirect_dma source(%arg8 : memref<128x64xf32, #tpu.memory_space<vmem>>) target(%dma_start3A_86 : memref<10240x64xf32, #tpu.memory_space<vmem_shared>>) offsets(%dma_start3A_83 : memref<128xi32, #tpu.memory_space<vmem>>) semaphore(%run_scoped3A_80 : memref<!tpu.dma_semaphore, #tpu.memory_space<semaphore_mem>>) {add = true}
      %dma_wait3A_87 = arith.constant 0 : i32
      %dma_wait3A_88 = tpu.memref_slice %arg7[%run_scoped3A, %dma_wait3A_87] : memref<158x128xi32, #tpu.memory_space<vmem>> -> memref<1x128xi32, #tpu.memory_space<vmem>>
      %dma_wait3A_89 = tpu.memref_squeeze %dma_wait3A_88 : memref<1x128xi32, #tpu.memory_space<vmem>> -> memref<128xi32, #tpu.memory_space<vmem>>
      %dma_wait3A_90 = arith.constant 0 : i32
      %dma_wait3A_91 = arith.constant 0 : i32
      %dma_wait3A_92 = tpu.memref_slice %arg11[%dma_wait3A_90, %dma_wait3A_91] : memref<10240x64xf32, #tpu.memory_space<vmem_shared>> -> memref<10240x64xf32, #tpu.memory_space<vmem_shared>>
      tpu.wait_indirect_dma semaphore(%run_scoped3A_80 : memref<!tpu.dma_semaphore, #tpu.memory_space<semaphore_mem>>) src(%arg8 : memref<128x64xf32, #tpu.memory_space<vmem>>) dst(%dma_wait3A_92 : memref<10240x64xf32, #tpu.memory_space<vmem_shared>>)
      tpu.yield
    }) : () -> ()
    %dma_wait3A_51 = arith.constant 0 : i32
    %dma_wait3A_52 = arith.constant 0 : i32
    %dma_wait3A_53 = tpu.memref_slice %arg6[%dma_wait3A_51, %dma_wait3A_52] : memref<158x128xi32, #tpu.memory_space<vmem>> -> memref<1x128xi32, #tpu.memory_space<vmem>>
    %dma_wait3A_54 = tpu.memref_squeeze %dma_wait3A_53 : memref<1x128xi32, #tpu.memory_space<vmem>> -> memref<128xi32, #tpu.memory_space<vmem>>
    %dma_wait3A_55 = arith.constant 0 : i32
    %dma_wait3A_56 = arith.constant 0 : i32
    %dma_wait3A_57 = tpu.memref_slice %arg2[%arg0, %dma_wait3A_55, %dma_wait3A_56] : memref<2x10240x64xf32, #tpu.memory_space<hbm>> -> memref<1x10240x64xf32, #tpu.memory_space<hbm>>
    %dma_wait3A_58 = tpu.memref_squeeze %dma_wait3A_57 : memref<1x10240x64xf32, #tpu.memory_space<hbm>> -> memref<10240x64xf32, #tpu.memory_space<hbm>>
    %dma_wait3A_59 = arith.constant 0 : i32
    %dma_wait3A_60 = arith.constant 0 : i32
    %dma_wait3A_61 = tpu.memref_slice %dma_wait3A_58[%dma_wait3A_59, %dma_wait3A_60] : memref<10240x64xf32, #tpu.memory_space<hbm>> -> memref<10240x64xf32, #tpu.memory_space<hbm>>
    tpu.wait_indirect_dma semaphore(%arg13 : memref<!tpu.dma_semaphore, #tpu.memory_space<semaphore_mem>>) src(%dma_wait3A_61 : memref<10240x64xf32, #tpu.memory_space<hbm>>) dst(%arg9 : memref<128x64xf32, #tpu.memory_space<vmem>>)
    %run_scoped3A_62 = arith.constant 157 : i32
    "tpu.region"() ({
      %run_scoped3A_80 = tpu.sem_alloc : memref<!tpu.dma_semaphore, #tpu.memory_space<semaphore_mem>>
      %dma_start3A_81 = arith.constant 0 : i32
      %dma_start3A_82 = tpu.memref_slice %arg7[%run_scoped3A_62, %dma_start3A_81] : memref<158x128xi32, #tpu.memory_space<vmem>> -> memref<1x128xi32, #tpu.memory_space<vmem>>
      %dma_start3A_83 = tpu.memref_squeeze %dma_start3A_82 : memref<1x128xi32, #tpu.memory_space<vmem>> -> memref<128xi32, #tpu.memory_space<vmem>>
      %dma_start3A_84 = arith.constant 0 : i32
      %dma_start3A_85 = arith.constant 0 : i32
      %dma_start3A_86 = tpu.memref_slice %arg11[%dma_start3A_84, %dma_start3A_85] : memref<10240x64xf32, #tpu.memory_space<vmem_shared>> -> memref<10240x64xf32, #tpu.memory_space<vmem_shared>>
      tpu.enqueue_indirect_dma source(%arg9 : memref<128x64xf32, #tpu.memory_space<vmem>>) target(%dma_start3A_86 : memref<10240x64xf32, #tpu.memory_space<vmem_shared>>) offsets(%dma_start3A_83 : memref<128xi32, #tpu.memory_space<vmem>>) semaphore(%run_scoped3A_80 : memref<!tpu.dma_semaphore, #tpu.memory_space<semaphore_mem>>) {add = true}
      %dma_wait3A_87 = arith.constant 0 : i32
      %dma_wait3A_88 = tpu.memref_slice %arg7[%run_scoped3A_62, %dma_wait3A_87] : memref<158x128xi32, #tpu.memory_space<vmem>> -> memref<1x128xi32, #tpu.memory_space<vmem>>
      %dma_wait3A_89 = tpu.memref_squeeze %dma_wait3A_88 : memref<1x128xi32, #tpu.memory_space<vmem>> -> memref<128xi32, #tpu.memory_space<vmem>>
      %dma_wait3A_90 = arith.constant 0 : i32
      %dma_wait3A_91 = arith.constant 0 : i32
      %dma_wait3A_92 = tpu.memref_slice %arg11[%dma_wait3A_90, %dma_wait3A_91] : memref<10240x64xf32, #tpu.memory_space<vmem_shared>> -> memref<10240x64xf32, #tpu.memory_space<vmem_shared>>
      tpu.wait_indirect_dma semaphore(%run_scoped3A_80 : memref<!tpu.dma_semaphore, #tpu.memory_space<semaphore_mem>>) src(%arg9 : memref<128x64xf32, #tpu.memory_space<vmem>>) dst(%dma_wait3A_92 : memref<10240x64xf32, #tpu.memory_space<vmem_shared>>)
      tpu.yield
    }) : () -> ()
    %barrier3A_63 = arith.constant 0 : index
    tpu.barrier barrier_id(%barrier3A_63)
    %add3A_64 = arith.constant 0 : i32
    %add3A_65 = arith.addi %mul3A_6, %add3A_64 : i32
    "tpu.region"() ({
      %run_scoped3A_80 = tpu.sem_alloc : memref<!tpu.dma_semaphore, #tpu.memory_space<semaphore_mem>>
      %dma_start3A_81 = arith.constant 0 : i32
      %dma_start3A_82 = tpu.memref_slice %arg11[%add3A_65, %dma_start3A_81] : memref<10240x64xf32, #tpu.memory_space<vmem_shared>> -> memref<160x64xf32, #tpu.memory_space<vmem_shared>>
      %dma_start3A_83 = arith.constant 0 : i32
      %dma_start3A_84 = tpu.memref_slice %arg11[%add3A_65, %dma_start3A_83] : memref<10240x64xf32, #tpu.memory_space<vmem_shared>> -> memref<160x64xf32, #tpu.memory_space<vmem_shared>>
      tpu.enqueue_dma source(%dma_start3A_84 : memref<160x64xf32, #tpu.memory_space<vmem_shared>>) target(%arg10 : memref<160x64xf32, #tpu.memory_space<vmem>>) target_semaphore(%run_scoped3A_80 : memref<!tpu.dma_semaphore, #tpu.memory_space<semaphore_mem>>)
      %dma_wait3A_85 = arith.constant 0 : i32
      %dma_wait3A_86 = tpu.memref_slice %arg11[%add3A_65, %dma_wait3A_85] : memref<10240x64xf32, #tpu.memory_space<vmem_shared>> -> memref<160x64xf32, #tpu.memory_space<vmem_shared>>
      %dma_wait3A_87 = arith.constant 0 : i32
      %dma_wait3A_88 = tpu.memref_slice %arg11[%add3A_65, %dma_wait3A_87] : memref<10240x64xf32, #tpu.memory_space<vmem_shared>> -> memref<160x64xf32, #tpu.memory_space<vmem_shared>>
      tpu.wait_dma2 semaphore(%run_scoped3A_80 : memref<!tpu.dma_semaphore, #tpu.memory_space<semaphore_mem>>) src(%dma_wait3A_88 : memref<160x64xf32, #tpu.memory_space<vmem_shared>>) dst(%arg10 : memref<160x64xf32, #tpu.memory_space<vmem>>)
      tpu.yield
    }) : () -> ()
    %add3A_66 = arith.constant 0 : i32
    %add3A_67 = arith.addi %mul3A_6, %add3A_66 : i32
    "tpu.region"() ({
      %run_scoped3A_80 = tpu.sem_alloc : memref<!tpu.dma_semaphore, #tpu.memory_space<semaphore_mem>>
      %dma_start3A_81 = arith.constant 0 : i32
      %dma_start3A_82 = tpu.memref_slice %arg5[%arg0, %add3A_67, %dma_start3A_81] : memref<2x10240x64xf32, #tpu.memory_space<hbm>> -> memref<1x160x64xf32, #tpu.memory_space<hbm>>
      %dma_start3A_83 = tpu.memref_squeeze %dma_start3A_82 : memref<1x160x64xf32, #tpu.memory_space<hbm>> -> memref<160x64xf32, #tpu.memory_space<hbm>>
      %dma_start3A_84 = arith.constant 0 : i32
      %dma_start3A_85 = tpu.memref_slice %arg5[%arg0, %add3A_67, %dma_start3A_84] : memref<2x10240x64xf32, #tpu.memory_space<hbm>> -> memref<1x160x64xf32, #tpu.memory_space<hbm>>
      %dma_start3A_86 = tpu.memref_squeeze %dma_start3A_85 : memref<1x160x64xf32, #tpu.memory_space<hbm>> -> memref<160x64xf32, #tpu.memory_space<hbm>>
      tpu.enqueue_dma source(%arg10 : memref<160x64xf32, #tpu.memory_space<vmem>>) target(%dma_start3A_86 : memref<160x64xf32, #tpu.memory_space<hbm>>) target_semaphore(%run_scoped3A_80 : memref<!tpu.dma_semaphore, #tpu.memory_space<semaphore_mem>>)
      %dma_wait3A_87 = arith.constant 0 : i32
      %dma_wait3A_88 = tpu.memref_slice %arg5[%arg0, %add3A_67, %dma_wait3A_87] : memref<2x10240x64xf32, #tpu.memory_space<hbm>> -> memref<1x160x64xf32, #tpu.memory_space<hbm>>
      %dma_wait3A_89 = tpu.memref_squeeze %dma_wait3A_88 : memref<1x160x64xf32, #tpu.memory_space<hbm>> -> memref<160x64xf32, #tpu.memory_space<hbm>>
      %dma_wait3A_90 = arith.constant 0 : i32
      %dma_wait3A_91 = tpu.memref_slice %arg5[%arg0, %add3A_67, %dma_wait3A_90] : memref<2x10240x64xf32, #tpu.memory_space<hbm>> -> memref<1x160x64xf32, #tpu.memory_space<hbm>>
      %dma_wait3A_92 = tpu.memref_squeeze %dma_wait3A_91 : memref<1x160x64xf32, #tpu.memory_space<hbm>> -> memref<160x64xf32, #tpu.memory_space<hbm>>
      tpu.wait_dma2 semaphore(%run_scoped3A_80 : memref<!tpu.dma_semaphore, #tpu.memory_space<semaphore_mem>>) src(%arg10 : memref<160x64xf32, #tpu.memory_space<vmem>>) dst(%dma_wait3A_92 : memref<160x64xf32, #tpu.memory_space<hbm>>)
      tpu.yield
    }) : () -> ()
    %add3A_68 = arith.constant 160 : i32
    %add3A_69 = arith.addi %mul3A_6, %add3A_68 : i32
    "tpu.region"() ({
      %run_scoped3A_80 = tpu.sem_alloc : memref<!tpu.dma_semaphore, #tpu.memory_space<semaphore_mem>>
      %dma_start3A_81 = arith.constant 0 : i32
      %dma_start3A_82 = tpu.memref_slice %arg11[%add3A_69, %dma_start3A_81] : memref<10240x64xf32, #tpu.memory_space<vmem_shared>> -> memref<160x64xf32, #tpu.memory_space<vmem_shared>>
      %dma_start3A_83 = arith.constant 0 : i32
      %dma_start3A_84 = tpu.memref_slice %arg11[%add3A_69, %dma_start3A_83] : memref<10240x64xf32, #tpu.memory_space<vmem_shared>> -> memref<160x64xf32, #tpu.memory_space<vmem_shared>>
      tpu.enqueue_dma source(%dma_start3A_84 : memref<160x64xf32, #tpu.memory_space<vmem_shared>>) target(%arg10 : memref<160x64xf32, #tpu.memory_space<vmem>>) target_semaphore(%run_scoped3A_80 : memref<!tpu.dma_semaphore, #tpu.memory_space<semaphore_mem>>)
      %dma_wait3A_85 = arith.constant 0 : i32
      %dma_wait3A_86 = tpu.memref_slice %arg11[%add3A_69, %dma_wait3A_85] : memref<10240x64xf32, #tpu.memory_space<vmem_shared>> -> memref<160x64xf32, #tpu.memory_space<vmem_shared>>
      %dma_wait3A_87 = arith.constant 0 : i32
      %dma_wait3A_88 = tpu.memref_slice %arg11[%add3A_69, %dma_wait3A_87] : memref<10240x64xf32, #tpu.memory_space<vmem_shared>> -> memref<160x64xf32, #tpu.memory_space<vmem_shared>>
      tpu.wait_dma2 semaphore(%run_scoped3A_80 : memref<!tpu.dma_semaphore, #tpu.memory_space<semaphore_mem>>) src(%dma_wait3A_88 : memref<160x64xf32, #tpu.memory_space<vmem_shared>>) dst(%arg10 : memref<160x64xf32, #tpu.memory_space<vmem>>)
      tpu.yield
    }) : () -> ()
    %add3A_70 = arith.constant 160 : i32
    %add3A_71 = arith.addi %mul3A_6, %add3A_70 : i32
    "tpu.region"() ({
      %run_scoped3A_80 = tpu.sem_alloc : memref<!tpu.dma_semaphore, #tpu.memory_space<semaphore_mem>>
      %dma_start3A_81 = arith.constant 0 : i32
      %dma_start3A_82 = tpu.memref_slice %arg5[%arg0, %add3A_71, %dma_start3A_81] : memref<2x10240x64xf32, #tpu.memory_space<hbm>> -> memref<1x160x64xf32, #tpu.memory_space<hbm>>
      %dma_start3A_83 = tpu.memref_squeeze %dma_start3A_82 : memref<1x160x64xf32, #tpu.memory_space<hbm>> -> memref<160x64xf32, #tpu.memory_space<hbm>>
      %dma_start3A_84 = arith.constant 0 : i32
      %dma_start3A_85 = tpu.memref_slice %arg5[%arg0, %add3A_71, %dma_start3A_84] : memref<2x10240x64xf32, #tpu.memory_space<hbm>> -> memref<1x160x64xf32, #tpu.memory_space<hbm>>
      %dma_start3A_86 = tpu.memref_squeeze %dma_start3A_85 : memref<1x160x64xf32, #tpu.memory_space<hbm>> -> memref<160x64xf32, #tpu.memory_space<hbm>>
      tpu.enqueue_dma source(%arg10 : memref<160x64xf32, #tpu.memory_space<vmem>>) target(%dma_start3A_86 : memref<160x64xf32, #tpu.memory_space<hbm>>) target_semaphore(%run_scoped3A_80 : memref<!tpu.dma_semaphore, #tpu.memory_space<semaphore_mem>>)
      %dma_wait3A_87 = arith.constant 0 : i32
      %dma_wait3A_88 = tpu.memref_slice %arg5[%arg0, %add3A_71, %dma_wait3A_87] : memref<2x10240x64xf32, #tpu.memory_space<hbm>> -> memref<1x160x64xf32, #tpu.memory_space<hbm>>
      %dma_wait3A_89 = tpu.memref_squeeze %dma_wait3A_88 : memref<1x160x64xf32, #tpu.memory_space<hbm>> -> memref<160x64xf32, #tpu.memory_space<hbm>>
      %dma_wait3A_90 = arith.constant 0 : i32
      %dma_wait3A_91 = tpu.memref_slice %arg5[%arg0, %add3A_71, %dma_wait3A_90] : memref<2x10240x64xf32, #tpu.memory_space<hbm>> -> memref<1x160x64xf32, #tpu.memory_space<hbm>>
      %dma_wait3A_92 = tpu.memref_squeeze %dma_wait3A_91 : memref<1x160x64xf32, #tpu.memory_space<hbm>> -> memref<160x64xf32, #tpu.memory_space<hbm>>
      tpu.wait_dma2 semaphore(%run_scoped3A_80 : memref<!tpu.dma_semaphore, #tpu.memory_space<semaphore_mem>>) src(%arg10 : memref<160x64xf32, #tpu.memory_space<vmem>>) dst(%dma_wait3A_92 : memref<160x64xf32, #tpu.memory_space<hbm>>)
      tpu.yield
    }) : () -> ()
    %add3A_72 = arith.constant 320 : i32
    %add3A_73 = arith.addi %mul3A_6, %add3A_72 : i32
    "tpu.region"() ({
      %run_scoped3A_80 = tpu.sem_alloc : memref<!tpu.dma_semaphore, #tpu.memory_space<semaphore_mem>>
      %dma_start3A_81 = arith.constant 0 : i32
      %dma_start3A_82 = tpu.memref_slice %arg11[%add3A_73, %dma_start3A_81] : memref<10240x64xf32, #tpu.memory_space<vmem_shared>> -> memref<160x64xf32, #tpu.memory_space<vmem_shared>>
      %dma_start3A_83 = arith.constant 0 : i32
      %dma_start3A_84 = tpu.memref_slice %arg11[%add3A_73, %dma_start3A_83] : memref<10240x64xf32, #tpu.memory_space<vmem_shared>> -> memref<160x64xf32, #tpu.memory_space<vmem_shared>>
      tpu.enqueue_dma source(%dma_start3A_84 : memref<160x64xf32, #tpu.memory_space<vmem_shared>>) target(%arg10 : memref<160x64xf32, #tpu.memory_space<vmem>>) target_semaphore(%run_scoped3A_80 : memref<!tpu.dma_semaphore, #tpu.memory_space<semaphore_mem>>)
      %dma_wait3A_85 = arith.constant 0 : i32
      %dma_wait3A_86 = tpu.memref_slice %arg11[%add3A_73, %dma_wait3A_85] : memref<10240x64xf32, #tpu.memory_space<vmem_shared>> -> memref<160x64xf32, #tpu.memory_space<vmem_shared>>
      %dma_wait3A_87 = arith.constant 0 : i32
      %dma_wait3A_88 = tpu.memref_slice %arg11[%add3A_73, %dma_wait3A_87] : memref<10240x64xf32, #tpu.memory_space<vmem_shared>> -> memref<160x64xf32, #tpu.memory_space<vmem_shared>>
      tpu.wait_dma2 semaphore(%run_scoped3A_80 : memref<!tpu.dma_semaphore, #tpu.memory_space<semaphore_mem>>) src(%dma_wait3A_88 : memref<160x64xf32, #tpu.memory_space<vmem_shared>>) dst(%arg10 : memref<160x64xf32, #tpu.memory_space<vmem>>)
      tpu.yield
    }) : () -> ()
    %add3A_74 = arith.constant 320 : i32
    %add3A_75 = arith.addi %mul3A_6, %add3A_74 : i32
    "tpu.region"() ({
      %run_scoped3A_80 = tpu.sem_alloc : memref<!tpu.dma_semaphore, #tpu.memory_space<semaphore_mem>>
      %dma_start3A_81 = arith.constant 0 : i32
      %dma_start3A_82 = tpu.memref_slice %arg5[%arg0, %add3A_75, %dma_start3A_81] : memref<2x10240x64xf32, #tpu.memory_space<hbm>> -> memref<1x160x64xf32, #tpu.memory_space<hbm>>
      %dma_start3A_83 = tpu.memref_squeeze %dma_start3A_82 : memref<1x160x64xf32, #tpu.memory_space<hbm>> -> memref<160x64xf32, #tpu.memory_space<hbm>>
      %dma_start3A_84 = arith.constant 0 : i32
      %dma_start3A_85 = tpu.memref_slice %arg5[%arg0, %add3A_75, %dma_start3A_84] : memref<2x10240x64xf32, #tpu.memory_space<hbm>> -> memref<1x160x64xf32, #tpu.memory_space<hbm>>
      %dma_start3A_86 = tpu.memref_squeeze %dma_start3A_85 : memref<1x160x64xf32, #tpu.memory_space<hbm>> -> memref<160x64xf32, #tpu.memory_space<hbm>>
      tpu.enqueue_dma source(%arg10 : memref<160x64xf32, #tpu.memory_space<vmem>>) target(%dma_start3A_86 : memref<160x64xf32, #tpu.memory_space<hbm>>) target_semaphore(%run_scoped3A_80 : memref<!tpu.dma_semaphore, #tpu.memory_space<semaphore_mem>>)
      %dma_wait3A_87 = arith.constant 0 : i32
      %dma_wait3A_88 = tpu.memref_slice %arg5[%arg0, %add3A_75, %dma_wait3A_87] : memref<2x10240x64xf32, #tpu.memory_space<hbm>> -> memref<1x160x64xf32, #tpu.memory_space<hbm>>
      %dma_wait3A_89 = tpu.memref_squeeze %dma_wait3A_88 : memref<1x160x64xf32, #tpu.memory_space<hbm>> -> memref<160x64xf32, #tpu.memory_space<hbm>>
      %dma_wait3A_90 = arith.constant 0 : i32
      %dma_wait3A_91 = tpu.memref_slice %arg5[%arg0, %add3A_75, %dma_wait3A_90] : memref<2x10240x64xf32, #tpu.memory_space<hbm>> -> memref<1x160x64xf32, #tpu.memory_space<hbm>>
      %dma_wait3A_92 = tpu.memref_squeeze %dma_wait3A_91 : memref<1x160x64xf32, #tpu.memory_space<hbm>> -> memref<160x64xf32, #tpu.memory_space<hbm>>
      tpu.wait_dma2 semaphore(%run_scoped3A_80 : memref<!tpu.dma_semaphore, #tpu.memory_space<semaphore_mem>>) src(%arg10 : memref<160x64xf32, #tpu.memory_space<vmem>>) dst(%dma_wait3A_92 : memref<160x64xf32, #tpu.memory_space<hbm>>)
      tpu.yield
    }) : () -> ()
    %add3A_76 = arith.constant 480 : i32
    %add3A_77 = arith.addi %mul3A_6, %add3A_76 : i32
    "tpu.region"() ({
      %run_scoped3A_80 = tpu.sem_alloc : memref<!tpu.dma_semaphore, #tpu.memory_space<semaphore_mem>>
      %dma_start3A_81 = arith.constant 0 : i32
      %dma_start3A_82 = tpu.memref_slice %arg11[%add3A_77, %dma_start3A_81] : memref<10240x64xf32, #tpu.memory_space<vmem_shared>> -> memref<160x64xf32, #tpu.memory_space<vmem_shared>>
      %dma_start3A_83 = arith.constant 0 : i32
      %dma_start3A_84 = tpu.memref_slice %arg11[%add3A_77, %dma_start3A_83] : memref<10240x64xf32, #tpu.memory_space<vmem_shared>> -> memref<160x64xf32, #tpu.memory_space<vmem_shared>>
      tpu.enqueue_dma source(%dma_start3A_84 : memref<160x64xf32, #tpu.memory_space<vmem_shared>>) target(%arg10 : memref<160x64xf32, #tpu.memory_space<vmem>>) target_semaphore(%run_scoped3A_80 : memref<!tpu.dma_semaphore, #tpu.memory_space<semaphore_mem>>)
      %dma_wait3A_85 = arith.constant 0 : i32
      %dma_wait3A_86 = tpu.memref_slice %arg11[%add3A_77, %dma_wait3A_85] : memref<10240x64xf32, #tpu.memory_space<vmem_shared>> -> memref<160x64xf32, #tpu.memory_space<vmem_shared>>
      %dma_wait3A_87 = arith.constant 0 : i32
      %dma_wait3A_88 = tpu.memref_slice %arg11[%add3A_77, %dma_wait3A_87] : memref<10240x64xf32, #tpu.memory_space<vmem_shared>> -> memref<160x64xf32, #tpu.memory_space<vmem_shared>>
      tpu.wait_dma2 semaphore(%run_scoped3A_80 : memref<!tpu.dma_semaphore, #tpu.memory_space<semaphore_mem>>) src(%dma_wait3A_88 : memref<160x64xf32, #tpu.memory_space<vmem_shared>>) dst(%arg10 : memref<160x64xf32, #tpu.memory_space<vmem>>)
      tpu.yield
    }) : () -> ()
    %add3A_78 = arith.constant 480 : i32
    %add3A_79 = arith.addi %mul3A_6, %add3A_78 : i32
    "tpu.region"() ({
      %run_scoped3A_80 = tpu.sem_alloc : memref<!tpu.dma_semaphore, #tpu.memory_space<semaphore_mem>>
      %dma_start3A_81 = arith.constant 0 : i32
      %dma_start3A_82 = tpu.memref_slice %arg5[%arg0, %add3A_79, %dma_start3A_81] : memref<2x10240x64xf32, #tpu.memory_space<hbm>> -> memref<1x160x64xf32, #tpu.memory_space<hbm>>
      %dma_start3A_83 = tpu.memref_squeeze %dma_start3A_82 : memref<1x160x64xf32, #tpu.memory_space<hbm>> -> memref<160x64xf32, #tpu.memory_space<hbm>>
      %dma_start3A_84 = arith.constant 0 : i32
      %dma_start3A_85 = tpu.memref_slice %arg5[%arg0, %add3A_79, %dma_start3A_84] : memref<2x10240x64xf32, #tpu.memory_space<hbm>> -> memref<1x160x64xf32, #tpu.memory_space<hbm>>
      %dma_start3A_86 = tpu.memref_squeeze %dma_start3A_85 : memref<1x160x64xf32, #tpu.memory_space<hbm>> -> memref<160x64xf32, #tpu.memory_space<hbm>>
      tpu.enqueue_dma source(%arg10 : memref<160x64xf32, #tpu.memory_space<vmem>>) target(%dma_start3A_86 : memref<160x64xf32, #tpu.memory_space<hbm>>) target_semaphore(%run_scoped3A_80 : memref<!tpu.dma_semaphore, #tpu.memory_space<semaphore_mem>>)
      %dma_wait3A_87 = arith.constant 0 : i32
      %dma_wait3A_88 = tpu.memref_slice %arg5[%arg0, %add3A_79, %dma_wait3A_87] : memref<2x10240x64xf32, #tpu.memory_space<hbm>> -> memref<1x160x64xf32, #tpu.memory_space<hbm>>
      %dma_wait3A_89 = tpu.memref_squeeze %dma_wait3A_88 : memref<1x160x64xf32, #tpu.memory_space<hbm>> -> memref<160x64xf32, #tpu.memory_space<hbm>>
      %dma_wait3A_90 = arith.constant 0 : i32
      %dma_wait3A_91 = tpu.memref_slice %arg5[%arg0, %add3A_79, %dma_wait3A_90] : memref<2x10240x64xf32, #tpu.memory_space<hbm>> -> memref<1x160x64xf32, #tpu.memory_space<hbm>>
      %dma_wait3A_92 = tpu.memref_squeeze %dma_wait3A_91 : memref<1x160x64xf32, #tpu.memory_space<hbm>> -> memref<160x64xf32, #tpu.memory_space<hbm>>
      tpu.wait_dma2 semaphore(%run_scoped3A_80 : memref<!tpu.dma_semaphore, #tpu.memory_space<semaphore_mem>>) src(%arg10 : memref<160x64xf32, #tpu.memory_space<vmem>>) dst(%dma_wait3A_92 : memref<160x64xf32, #tpu.memory_space<hbm>>)
      tpu.yield
    }) : () -> ()
    return
  }
}

module attributes {stable_mosaic.version = 14 : i64} {
  func.func @body(%arg0: i32, %arg1: memref<128x128xf32, #tpu.memory_space<vmem>>, %arg2: memref<128x128xf32, #tpu.memory_space<vmem>>, %arg3: memref<128x128xf32, #tpu.memory_space<vmem>>) attributes {dimension_semantics = [#tpu.dimension_semantics<arbitrary>], iteration_bounds = array<i64: 80>, scalar_prefetch = 0 : i64, scratch_operands = 0 : i64, tpu.core_type = #tpu.core_type<tc>, window_params = [{transform_indices = @transform_0, window_bounds = array<i64: 128, 128>}, {pipeline_mode = #tpu.pipeline_mode<synchronous>, transform_indices = @transform_1, window_bounds = array<i64: 128, 128>}, {transform_indices = @transform_2, window_bounds = array<i64: 128, 128>}]} {
    %get3A = arith.constant 0 : index
    %get3A_0 = arith.constant 0 : index
    %get3A_1 = vector.load %arg1[%get3A, %get3A_0] : memref<128x128xf32, #tpu.memory_space<vmem>>, vector<128x128xf32>
    %get3A_2 = arith.constant 0 : index
    %get3A_3 = arith.constant 0 : index
    %get3A_4 = vector.load %arg2[%get3A_2, %get3A_3] : memref<128x128xf32, #tpu.memory_space<vmem>>, vector<128x128xf32>
    %dot_general3A = arith.constant dense<0.000000e+00> : vector<128x128xf32>
    %dot_general3A_5 = tpu.matmul %get3A_1, %get3A_4, %dot_general3A {dimension_numbers = #tpu.dot_dimension_numbers<[1], [0], [0], [1], [0, 0, 1, 1], [], []>, transpose_lhs_hint = false} : vector<128x128xf32>, vector<128x128xf32>, vector<128x128xf32> -> vector<128x128xf32>
    %swap3A = arith.constant 0 : index
    %swap3A_6 = arith.constant 0 : index
    %swap3A_7 = vector.load %arg3[%swap3A, %swap3A_6] : memref<128x128xf32, #tpu.memory_space<vmem>>, vector<128x128xf32>
    tpu.vector_store %arg3[%swap3A, %swap3A_6], %dot_general3A_5 {strides = array<i32>} : memref<128x128xf32, #tpu.memory_space<vmem>>, vector<128x128xf32>,
    return
  }
  func.func @transform_0(%arg0: i32) -> (i32, i32) {
    %c0_i32 = arith.constant 0 : i32
    %c0_i32_0 = arith.constant 0 : i32
    return %arg0, %c0_i32 : i32, i32
  }
  func.func @transform_1(%arg0: i32) -> (i32, i32) {
    %c0_i32 = arith.constant 0 : i32
    %c0_i32_0 = arith.constant 0 : i32
    %c0_i32_1 = arith.constant 0 : i32
    return %c0_i32, %c0_i32_0 : i32, i32
  }
  func.func @transform_2(%arg0: i32) -> (i32, i32) {
    %c0_i32 = arith.constant 0 : i32
    %c0_i32_0 = arith.constant 0 : i32
    return %arg0, %c0_i32 : i32, i32
  }
}

module attributes {stable_mosaic.version = 14 : i64} {
  func.func @body(%arg0: i32, %arg1: memref<128x128xf32, #tpu.memory_space<vmem>>, %arg2: memref<128x16xf32, #tpu.memory_space<vmem>>, %arg3: memref<128x16xf32, #tpu.memory_space<vmem>>, %arg4: memref<2x128x64xf32, #tpu.memory_space<vmem>>) attributes {dimension_semantics = [#tpu.dimension_semantics<arbitrary>], iteration_bounds = array<i64: 80>, scalar_prefetch = 0 : i64, scratch_operands = 0 : i64, tpu.core_type = #tpu.core_type<tc>, window_params = [{transform_indices = @transform_0, window_bounds = array<i64: 128, 128>}, {transform_indices = @transform_1, window_bounds = array<i64: 128, 16>}, {transform_indices = @transform_2, window_bounds = array<i64: 128, 16>}, {transform_indices = @transform_3, window_bounds = array<i64: 2, 128, 64>}]} {
    %get3A = arith.constant 0 : index
    %get3A_0 = arith.constant 0 : index
    %get3A_1 = vector.load %arg2[%get3A, %get3A_0] : memref<128x16xf32, #tpu.memory_space<vmem>>, vector<128x1xf32>
    %get3A_2 = arith.constant 0 : index
    %get3A_3 = arith.constant 0 : index
    %get3A_4 = vector.load %arg3[%get3A_2, %get3A_3] : memref<128x16xf32, #tpu.memory_space<vmem>>, vector<128x1xf32>
    %add3A = arith.addf %get3A_1, %get3A_4 : vector<128x1xf32>
    %add3A_5 = arith.constant 1.000000e+00 : f32
    %add3A_6 = vector.broadcast %add3A_5 : f32 to vector<128x1xf32>
    %add3A_7 = arith.addf %add3A, %add3A_6 : vector<128x1xf32>
    %rsqrt3A = math.rsqrt %add3A_7 : vector<128x1xf32>
    %mul3A = arith.constant 128 : i32
    %mul3A_8 = arith.muli %arg0, %mul3A : i32
    %iota3A = tpu.iota {dimensions = array<i32: 0>} : vector<128x1xi32>
    %add3A_9 = vector.broadcast %mul3A_8 : i32 to vector<128x1xi32>
    %add3A_10 = arith.addi %add3A_9, %iota3A : vector<128x1xi32>
    %lt3A = arith.constant 10000 : i32
    %lt3A_11 = vector.broadcast %lt3A : i32 to vector<128x1xi32>
    %lt3A_12 = arith.cmpi slt, %add3A_10, %lt3A_11 : vector<128x1xi32>
    %jit3A = arith.constant 0.000000e+00 : f32
    %broadcast_in_dim3A = vector.broadcast %jit3A : f32 to vector<128x1xf32>
    %select_n3A = arith.select %lt3A_12, %rsqrt3A, %broadcast_in_dim3A : vector<128x1xi1>, vector<128x1xf32>
    %get3A_13 = arith.constant 0 : index
    %get3A_14 = arith.constant 0 : index
    %get3A_15 = vector.load %arg1[%get3A_13, %get3A_14] : memref<128x128xf32, #tpu.memory_space<vmem>>, vector<128x128xf32>
    %mul3A_16 = vector.broadcast %select_n3A : vector<128x1xf32> to vector<128x128xf32>
    %mul3A_17 = arith.mulf %get3A_15, %mul3A_16 : vector<128x128xf32>
    %slice3A = vector.extract_strided_slice %mul3A_17 {offsets = [0, 0], sizes = [128, 64], strides = [1, 1]} : vector<128x128xf32> to vector<128x64xf32>
    %swap3A = arith.constant 0 : index
    %swap3A_18 = arith.constant 0 : index
    %swap3A_19 = arith.constant 0 : index
    %swap3A_20 = vector.load %arg4[%swap3A, %swap3A_18, %swap3A_19] : memref<2x128x64xf32, #tpu.memory_space<vmem>>, vector<1x128x64xf32>
    %swap3A_21 = vector.shape_cast %swap3A_20 : vector<1x128x64xf32> to vector<128x64xf32>
    %swap3A_22 = vector.shape_cast %slice3A : vector<128x64xf32> to vector<1x128x64xf32>
    tpu.vector_store %arg4[%swap3A, %swap3A_18, %swap3A_19], %swap3A_22 {strides = array<i32>} : memref<2x128x64xf32, #tpu.memory_space<vmem>>, vector<1x128x64xf32>,
    %slice3A_23 = vector.extract_strided_slice %mul3A_17 {offsets = [0, 64], sizes = [128, 64], strides = [1, 1]} : vector<128x128xf32> to vector<128x64xf32>
    %swap3A_24 = arith.constant 1 : index
    %swap3A_25 = arith.constant 0 : index
    %swap3A_26 = arith.constant 0 : index
    %swap3A_27 = vector.load %arg4[%swap3A_24, %swap3A_25, %swap3A_26] : memref<2x128x64xf32, #tpu.memory_space<vmem>>, vector<1x128x64xf32>
    %swap3A_28 = vector.shape_cast %swap3A_27 : vector<1x128x64xf32> to vector<128x64xf32>
    %swap3A_29 = vector.shape_cast %slice3A_23 : vector<128x64xf32> to vector<1x128x64xf32>
    tpu.vector_store %arg4[%swap3A_24, %swap3A_25, %swap3A_26], %swap3A_29 {strides = array<i32>} : memref<2x128x64xf32, #tpu.memory_space<vmem>>, vector<1x128x64xf32>,
    return
  }
  func.func @transform_0(%arg0: i32) -> (i32, i32) {
    %c0_i32 = arith.constant 0 : i32
    %c0_i32_0 = arith.constant 0 : i32
    return %arg0, %c0_i32 : i32, i32
  }
  func.func @transform_1(%arg0: i32) -> (i32, i32) {
    %c0_i32 = arith.constant 0 : i32
    %c0_i32_0 = arith.constant 0 : i32
    return %arg0, %c0_i32 : i32, i32
  }
  func.func @transform_2(%arg0: i32) -> (i32, i32) {
    %c0_i32 = arith.constant 0 : i32
    %c0_i32_0 = arith.constant 0 : i32
    return %arg0, %c0_i32 : i32, i32
  }
  func.func @transform_3(%arg0: i32) -> (i32, i32, i32) {
    %c0_i32 = arith.constant 0 : i32
    %c0_i32_0 = arith.constant 0 : i32
    %c0_i32_1 = arith.constant 0 : i32
    return %c0_i32, %arg0, %c0_i32_0 : i32, i32, i32
  }
}

module attributes {stable_mosaic.version = 14 : i64} {
  func.func @body(%arg0: i32, %arg1: memref<2x128x64xf32, #tpu.memory_space<vmem>>, %arg2: memref<2x128x64xf32, #tpu.memory_space<vmem>>, %arg3: memref<128x16xf32, #tpu.memory_space<vmem>>, %arg4: memref<128x16xf32, #tpu.memory_space<vmem>>, %arg5: memref<1x128xf32, #tpu.memory_space<vmem>>, %arg6: memref<128x128xf32, #tpu.memory_space<vmem>>, %arg7: memref<2x128x64xf32, #tpu.memory_space<vmem>>) attributes {dimension_semantics = [#tpu.dimension_semantics<arbitrary>], iteration_bounds = array<i64: 80>, scalar_prefetch = 0 : i64, scratch_operands = 0 : i64, tpu.core_type = #tpu.core_type<tc>, window_params = [{transform_indices = @transform_0, window_bounds = array<i64: 2, 128, 64>}, {transform_indices = @transform_1, window_bounds = array<i64: 2, 128, 64>}, {transform_indices = @transform_2, window_bounds = array<i64: 128, 16>}, {transform_indices = @transform_3, window_bounds = array<i64: 128, 16>}, {pipeline_mode = #tpu.pipeline_mode<synchronous>, transform_indices = @transform_4, window_bounds = array<i64: 1, 128>}, {pipeline_mode = #tpu.pipeline_mode<synchronous>, transform_indices = @transform_5, window_bounds = array<i64: 128, 128>}, {transform_indices = @transform_6, window_bounds = array<i64: 2, 128, 64>}]} {
    %get3A = arith.constant 0 : index
    %get3A_0 = arith.constant 0 : index
    %get3A_1 = vector.load %arg3[%get3A, %get3A_0] : memref<128x16xf32, #tpu.memory_space<vmem>>, vector<128x1xf32>
    %get3A_2 = arith.constant 0 : index
    %get3A_3 = arith.constant 0 : index
    %get3A_4 = vector.load %arg4[%get3A_2, %get3A_3] : memref<128x16xf32, #tpu.memory_space<vmem>>, vector<128x1xf32>
    %add3A = arith.addf %get3A_1, %get3A_4 : vector<128x1xf32>
    %add3A_5 = arith.constant 1.000000e+00 : f32
    %add3A_6 = vector.broadcast %add3A_5 : f32 to vector<128x1xf32>
    %add3A_7 = arith.addf %add3A, %add3A_6 : vector<128x1xf32>
    %rsqrt3A = math.rsqrt %add3A_7 : vector<128x1xf32>
    %mul3A = arith.constant 128 : i32
    %mul3A_8 = arith.muli %arg0, %mul3A : i32
    %iota3A = tpu.iota {dimensions = array<i32: 0>} : vector<128x1xi32>
    %add3A_9 = vector.broadcast %mul3A_8 : i32 to vector<128x1xi32>
    %add3A_10 = arith.addi %add3A_9, %iota3A : vector<128x1xi32>
    %lt3A = arith.constant 10000 : i32
    %lt3A_11 = vector.broadcast %lt3A : i32 to vector<128x1xi32>
    %lt3A_12 = arith.cmpi slt, %add3A_10, %lt3A_11 : vector<128x1xi32>
    %jit3A = arith.constant 0.000000e+00 : f32
    %broadcast_in_dim3A = vector.broadcast %jit3A : f32 to vector<128x1xf32>
    %select_n3A = arith.select %lt3A_12, %rsqrt3A, %broadcast_in_dim3A : vector<128x1xi1>, vector<128x1xf32>
    %get3A_13 = arith.constant 0 : index
    %get3A_14 = arith.constant 0 : index
    %get3A_15 = arith.constant 0 : index
    %get3A_16 = vector.load %arg1[%get3A_13, %get3A_14, %get3A_15] : memref<2x128x64xf32, #tpu.memory_space<vmem>>, vector<1x128x64xf32>
    %get3A_17 = vector.shape_cast %get3A_16 : vector<1x128x64xf32> to vector<128x64xf32>
    %get3A_18 = arith.constant 1 : index
    %get3A_19 = arith.constant 0 : index
    %get3A_20 = arith.constant 0 : index
    %get3A_21 = vector.load %arg1[%get3A_18, %get3A_19, %get3A_20] : memref<2x128x64xf32, #tpu.memory_space<vmem>>, vector<1x128x64xf32>
    %get3A_22 = vector.shape_cast %get3A_21 : vector<1x128x64xf32> to vector<128x64xf32>
    %concatenate3A = tpu.concatenate %get3A_17, %get3A_22 in 1 : vector<128x64xf32>, vector<128x64xf32> -> vector<128x128xf32>
    %get3A_23 = arith.constant 0 : index
    %get3A_24 = arith.constant 0 : index
    %get3A_25 = arith.constant 0 : index
    %get3A_26 = vector.load %arg2[%get3A_23, %get3A_24, %get3A_25] : memref<2x128x64xf32, #tpu.memory_space<vmem>>, vector<1x128x64xf32>
    %get3A_27 = vector.shape_cast %get3A_26 : vector<1x128x64xf32> to vector<128x64xf32>
    %get3A_28 = arith.constant 1 : index
    %get3A_29 = arith.constant 0 : index
    %get3A_30 = arith.constant 0 : index
    %get3A_31 = vector.load %arg2[%get3A_28, %get3A_29, %get3A_30] : memref<2x128x64xf32, #tpu.memory_space<vmem>>, vector<1x128x64xf32>
    %get3A_32 = vector.shape_cast %get3A_31 : vector<1x128x64xf32> to vector<128x64xf32>
    %concatenate3A_33 = tpu.concatenate %get3A_27, %get3A_32 in 1 : vector<128x64xf32>, vector<128x64xf32> -> vector<128x128xf32>
    %add3A_34 = arith.addf %concatenate3A, %concatenate3A_33 : vector<128x128xf32>
    %mul3A_35 = vector.broadcast %rsqrt3A : vector<128x1xf32> to vector<128x128xf32>
    %mul3A_36 = arith.mulf %mul3A_35, %add3A_34 : vector<128x128xf32>
    %get3A_37 = arith.constant 0 : index
    %get3A_38 = arith.constant 0 : index
    %get3A_39 = vector.load %arg5[%get3A_37, %get3A_38] : memref<1x128xf32, #tpu.memory_space<vmem>>, vector<1x128xf32>
    %add3A_40 = vector.broadcast %get3A_39 : vector<1x128xf32> to vector<128x128xf32>
    %add3A_41 = arith.addf %mul3A_36, %add3A_40 : vector<128x128xf32>
    %max3A = arith.constant 0.000000e+00 : f32
    %max3A_42 = vector.broadcast %max3A : f32 to vector<128x128xf32>
    %max3A_43 = arith.maximumf %add3A_41, %max3A_42 : vector<128x128xf32>
    %get3A_44 = arith.constant 0 : index
    %get3A_45 = arith.constant 0 : index
    %get3A_46 = vector.load %arg6[%get3A_44, %get3A_45] : memref<128x128xf32, #tpu.memory_space<vmem>>, vector<128x128xf32>
    %dot_general3A = arith.constant dense<0.000000e+00> : vector<128x128xf32>
    %dot_general3A_47 = tpu.matmul %max3A_43, %get3A_46, %dot_general3A {dimension_numbers = #tpu.dot_dimension_numbers<[1], [0], [0], [1], [0, 0, 1, 1], [], []>, transpose_lhs_hint = false} : vector<128x128xf32>, vector<128x128xf32>, vector<128x128xf32> -> vector<128x128xf32>
    %mul3A_48 = vector.broadcast %select_n3A : vector<128x1xf32> to vector<128x128xf32>
    %mul3A_49 = arith.mulf %dot_general3A_47, %mul3A_48 : vector<128x128xf32>
    %slice3A = vector.extract_strided_slice %mul3A_49 {offsets = [0, 0], sizes = [128, 64], strides = [1, 1]} : vector<128x128xf32> to vector<128x64xf32>
    %swap3A = arith.constant 0 : index
    %swap3A_50 = arith.constant 0 : index
    %swap3A_51 = arith.constant 0 : index
    %swap3A_52 = vector.load %arg7[%swap3A, %swap3A_50, %swap3A_51] : memref<2x128x64xf32, #tpu.memory_space<vmem>>, vector<1x128x64xf32>
    %swap3A_53 = vector.shape_cast %swap3A_52 : vector<1x128x64xf32> to vector<128x64xf32>
    %swap3A_54 = vector.shape_cast %slice3A : vector<128x64xf32> to vector<1x128x64xf32>
    tpu.vector_store %arg7[%swap3A, %swap3A_50, %swap3A_51], %swap3A_54 {strides = array<i32>} : memref<2x128x64xf32, #tpu.memory_space<vmem>>, vector<1x128x64xf32>,
    %slice3A_55 = vector.extract_strided_slice %mul3A_49 {offsets = [0, 64], sizes = [128, 64], strides = [1, 1]} : vector<128x128xf32> to vector<128x64xf32>
    %swap3A_56 = arith.constant 1 : index
    %swap3A_57 = arith.constant 0 : index
    %swap3A_58 = arith.constant 0 : index
    %swap3A_59 = vector.load %arg7[%swap3A_56, %swap3A_57, %swap3A_58] : memref<2x128x64xf32, #tpu.memory_space<vmem>>, vector<1x128x64xf32>
    %swap3A_60 = vector.shape_cast %swap3A_59 : vector<1x128x64xf32> to vector<128x64xf32>
    %swap3A_61 = vector.shape_cast %slice3A_55 : vector<128x64xf32> to vector<1x128x64xf32>
    tpu.vector_store %arg7[%swap3A_56, %swap3A_57, %swap3A_58], %swap3A_61 {strides = array<i32>} : memref<2x128x64xf32, #tpu.memory_space<vmem>>, vector<1x128x64xf32>,
    return
  }
  func.func @transform_0(%arg0: i32) -> (i32, i32, i32) {
    %c0_i32 = arith.constant 0 : i32
    %c0_i32_0 = arith.constant 0 : i32
    %c0_i32_1 = arith.constant 0 : i32
    return %c0_i32, %arg0, %c0_i32_0 : i32, i32, i32
  }
  func.func @transform_1(%arg0: i32) -> (i32, i32, i32) {
    %c0_i32 = arith.constant 0 : i32
    %c0_i32_0 = arith.constant 0 : i32
    %c0_i32_1 = arith.constant 0 : i32
    return %c0_i32, %arg0, %c0_i32_0 : i32, i32, i32
  }
  func.func @transform_2(%arg0: i32) -> (i32, i32) {
    %c0_i32 = arith.constant 0 : i32
    %c0_i32_0 = arith.constant 0 : i32
    return %arg0, %c0_i32 : i32, i32
  }
  func.func @transform_3(%arg0: i32) -> (i32, i32) {
    %c0_i32 = arith.constant 0 : i32
    %c0_i32_0 = arith.constant 0 : i32
    return %arg0, %c0_i32 : i32, i32
  }
  func.func @transform_4(%arg0: i32) -> (i32, i32) {
    %c0_i32 = arith.constant 0 : i32
    %c0_i32_0 = arith.constant 0 : i32
    %c0_i32_1 = arith.constant 0 : i32
    return %c0_i32, %c0_i32_0 : i32, i32
  }
  func.func @transform_5(%arg0: i32) -> (i32, i32) {
    %c0_i32 = arith.constant 0 : i32
    %c0_i32_0 = arith.constant 0 : i32
    %c0_i32_1 = arith.constant 0 : i32
    return %c0_i32, %c0_i32_0 : i32, i32
  }
  func.func @transform_6(%arg0: i32) -> (i32, i32, i32) {
    %c0_i32 = arith.constant 0 : i32
    %c0_i32_0 = arith.constant 0 : i32
    %c0_i32_1 = arith.constant 0 : i32
    return %c0_i32, %arg0, %c0_i32_0 : i32, i32, i32
  }
}

module attributes {stable_mosaic.version = 14 : i64} {
  func.func @body(%arg0: i32, %arg1: memref<2x640x64xf32, #tpu.memory_space<vmem>>, %arg2: memref<2x640x64xf32, #tpu.memory_space<vmem>>, %arg3: memref<640x16xf32, #tpu.memory_space<vmem>>, %arg4: memref<640x16xf32, #tpu.memory_space<vmem>>, %arg5: memref<1x128xf32, #tpu.memory_space<vmem>>, %arg6: memref<640x128xf32, #tpu.memory_space<vmem>>, %arg7: memref<64x640xf32, #tpu.memory_space<vmem>>, %arg8: memref<1x1xf32, #tpu.memory_space<vmem>>, %arg9: memref<64x1xf32, #tpu.memory_space<vmem>>) attributes {dimension_semantics = [#tpu.dimension_semantics<arbitrary>], iteration_bounds = array<i64: 16>, scalar_prefetch = 0 : i64, scratch_operands = 0 : i64, tpu.core_type = #tpu.core_type<tc>, window_params = [{transform_indices = @transform_0, window_bounds = array<i64: 2, 640, 64>}, {transform_indices = @transform_1, window_bounds = array<i64: 2, 640, 64>}, {transform_indices = @transform_2, window_bounds = array<i64: 640, 16>}, {transform_indices = @transform_3, window_bounds = array<i64: 640, 16>}, {pipeline_mode = #tpu.pipeline_mode<synchronous>, transform_indices = @transform_4, window_bounds = array<i64: 1, 128>}, {pipeline_mode = #tpu.pipeline_mode<synchronous>, transform_indices = @transform_5, window_bounds = array<i64: 640, 128>}, {pipeline_mode = #tpu.pipeline_mode<synchronous>, transform_indices = @transform_6, window_bounds = array<i64: 64, 640>}, {pipeline_mode = #tpu.pipeline_mode<synchronous>, transform_indices = @transform_7, window_bounds = array<i64: 1, 1>}, {transform_indices = @transform_8, window_bounds = array<i64: 64, 1>}]} {
    %get3A = arith.constant 0 : index
    %get3A_0 = arith.constant 0 : index
    %get3A_1 = vector.load %arg3[%get3A, %get3A_0] : memref<640x16xf32, #tpu.memory_space<vmem>>, vector<640x1xf32>
    %get3A_2 = arith.constant 0 : index
    %get3A_3 = arith.constant 0 : index
    %get3A_4 = vector.load %arg4[%get3A_2, %get3A_3] : memref<640x16xf32, #tpu.memory_space<vmem>>, vector<640x1xf32>
    %add3A = arith.addf %get3A_1, %get3A_4 : vector<640x1xf32>
    %add3A_5 = arith.constant 1.000000e+00 : f32
    %add3A_6 = vector.broadcast %add3A_5 : f32 to vector<640x1xf32>
    %add3A_7 = arith.addf %add3A, %add3A_6 : vector<640x1xf32>
    %rsqrt3A = math.rsqrt %add3A_7 : vector<640x1xf32>
    %get3A_8 = arith.constant 0 : index
    %get3A_9 = arith.constant 0 : index
    %get3A_10 = arith.constant 0 : index
    %get3A_11 = vector.load %arg1[%get3A_8, %get3A_9, %get3A_10] : memref<2x640x64xf32, #tpu.memory_space<vmem>>, vector<1x640x64xf32>
    %get3A_12 = vector.shape_cast %get3A_11 : vector<1x640x64xf32> to vector<640x64xf32>
    %get3A_13 = arith.constant 1 : index
    %get3A_14 = arith.constant 0 : index
    %get3A_15 = arith.constant 0 : index
    %get3A_16 = vector.load %arg1[%get3A_13, %get3A_14, %get3A_15] : memref<2x640x64xf32, #tpu.memory_space<vmem>>, vector<1x640x64xf32>
    %get3A_17 = vector.shape_cast %get3A_16 : vector<1x640x64xf32> to vector<640x64xf32>
    %concatenate3A = tpu.concatenate %get3A_12, %get3A_17 in 1 : vector<640x64xf32>, vector<640x64xf32> -> vector<640x128xf32>
    %get3A_18 = arith.constant 0 : index
    %get3A_19 = arith.constant 0 : index
    %get3A_20 = arith.constant 0 : index
    %get3A_21 = vector.load %arg2[%get3A_18, %get3A_19, %get3A_20] : memref<2x640x64xf32, #tpu.memory_space<vmem>>, vector<1x640x64xf32>
    %get3A_22 = vector.shape_cast %get3A_21 : vector<1x640x64xf32> to vector<640x64xf32>
    %get3A_23 = arith.constant 1 : index
    %get3A_24 = arith.constant 0 : index
    %get3A_25 = arith.constant 0 : index
    %get3A_26 = vector.load %arg2[%get3A_23, %get3A_24, %get3A_25] : memref<2x640x64xf32, #tpu.memory_space<vmem>>, vector<1x640x64xf32>
    %get3A_27 = vector.shape_cast %get3A_26 : vector<1x640x64xf32> to vector<640x64xf32>
    %concatenate3A_28 = tpu.concatenate %get3A_22, %get3A_27 in 1 : vector<640x64xf32>, vector<640x64xf32> -> vector<640x128xf32>
    %add3A_29 = arith.addf %concatenate3A, %concatenate3A_28 : vector<640x128xf32>
    %mul3A = vector.broadcast %rsqrt3A : vector<640x1xf32> to vector<640x128xf32>
    %mul3A_30 = arith.mulf %mul3A, %add3A_29 : vector<640x128xf32>
    %get3A_31 = arith.constant 0 : index
    %get3A_32 = arith.constant 0 : index
    %get3A_33 = vector.load %arg5[%get3A_31, %get3A_32] : memref<1x128xf32, #tpu.memory_space<vmem>>, vector<1x128xf32>
    %add3A_34 = vector.broadcast %get3A_33 : vector<1x128xf32> to vector<640x128xf32>
    %add3A_35 = arith.addf %mul3A_30, %add3A_34 : vector<640x128xf32>
    %max3A = arith.constant 0.000000e+00 : f32
    %max3A_36 = vector.broadcast %max3A : f32 to vector<640x128xf32>
    %max3A_37 = arith.maximumf %add3A_35, %max3A_36 : vector<640x128xf32>
    %mul3A_38 = arith.constant 640 : i32
    %mul3A_39 = arith.muli %arg0, %mul3A_38 : i32
    %iota3A = tpu.iota {dimensions = array<i32: 0>} : vector<640x1xi32>
    %add3A_40 = vector.broadcast %mul3A_39 : i32 to vector<640x1xi32>
    %add3A_41 = arith.addi %add3A_40, %iota3A : vector<640x1xi32>
    %lt3A = arith.constant 10000 : i32
    %lt3A_42 = vector.broadcast %lt3A : i32 to vector<640x1xi32>
    %lt3A_43 = arith.cmpi slt, %add3A_41, %lt3A_42 : vector<640x1xi32>
    %jit3A = arith.constant 0.000000e+00 : f32
    %broadcast_in_dim3A = vector.shape_cast %lt3A_43 : vector<640x1xi1> to vector<640x1xi1>
    %broadcast_in_dim3A_44 = vector.broadcast %broadcast_in_dim3A : vector<640x1xi1> to vector<640x128xi1>
    %broadcast_in_dim3A_45 = vector.broadcast %jit3A : f32 to vector<640x128xf32>
    %select_n3A = arith.select %broadcast_in_dim3A_44, %max3A_37, %broadcast_in_dim3A_45 : vector<640x128xi1>, vector<640x128xf32>
    %get3A_46 = arith.constant 0 : index
    %get3A_47 = arith.constant 0 : index
    %get3A_48 = vector.load %arg6[%get3A_46, %get3A_47] : memref<640x128xf32, #tpu.memory_space<vmem>>, vector<640x128xf32>
    %mul3A_49 = arith.mulf %select_n3A, %get3A_48 : vector<640x128xf32>
    %reduce_sum3A = arith.constant dense<0.000000e+00> : vector<640xf32>
    %reduce_sum3A_50 = vector.multi_reduction <add>, %mul3A_49, %reduce_sum3A [1] : vector<640x128xf32> to vector<640xf32>
    %broadcast_in_dim3A_51 = vector.shape_cast %reduce_sum3A_50 : vector<640xf32> to vector<640x1xf32>
    %get3A_52 = arith.constant 0 : index
    %get3A_53 = arith.constant 0 : index
    %get3A_54 = vector.load %arg7[%get3A_52, %get3A_53] : memref<64x640xf32, #tpu.memory_space<vmem>>, vector<64x640xf32>
    %dot_general3A = arith.constant dense<0.000000e+00> : vector<64x1xf32>
    %dot_general3A_55 = tpu.matmul %get3A_54, %broadcast_in_dim3A_51, %dot_general3A {dimension_numbers = #tpu.dot_dimension_numbers<[1], [0], [0], [1], [0, 0, 1, 1], [], []>, transpose_lhs_hint = false} : vector<64x640xf32>, vector<640x1xf32>, vector<64x1xf32> -> vector<64x1xf32>
    %get3A_56 = arith.constant 0 : index
    %get3A_57 = arith.constant 0 : index
    %get3A_58 = vector.load %arg8[%get3A_56, %get3A_57] : memref<1x1xf32, #tpu.memory_space<vmem>>, vector<1x1xf32>
    %add3A_59 = vector.broadcast %get3A_58 : vector<1x1xf32> to vector<64x1xf32>
    %add3A_60 = arith.addf %dot_general3A_55, %add3A_59 : vector<64x1xf32>
    %swap3A = arith.constant 0 : index
    %swap3A_61 = arith.constant 0 : index
    %swap3A_62 = vector.load %arg9[%swap3A, %swap3A_61] : memref<64x1xf32, #tpu.memory_space<vmem>>, vector<64x1xf32>
    tpu.vector_store %arg9[%swap3A, %swap3A_61], %add3A_60 {strides = array<i32>} : memref<64x1xf32, #tpu.memory_space<vmem>>, vector<64x1xf32>,
    return
  }
  func.func @transform_0(%arg0: i32) -> (i32, i32, i32) {
    %c0_i32 = arith.constant 0 : i32
    %c0_i32_0 = arith.constant 0 : i32
    %c0_i32_1 = arith.constant 0 : i32
    return %c0_i32, %arg0, %c0_i32_0 : i32, i32, i32
  }
  func.func @transform_1(%arg0: i32) -> (i32, i32, i32) {
    %c0_i32 = arith.constant 0 : i32
    %c0_i32_0 = arith.constant 0 : i32
    %c0_i32_1 = arith.constant 0 : i32
    return %c0_i32, %arg0, %c0_i32_0 : i32, i32, i32
  }
  func.func @transform_2(%arg0: i32) -> (i32, i32) {
    %c0_i32 = arith.constant 0 : i32
    %c0_i32_0 = arith.constant 0 : i32
    return %arg0, %c0_i32 : i32, i32
  }
  func.func @transform_3(%arg0: i32) -> (i32, i32) {
    %c0_i32 = arith.constant 0 : i32
    %c0_i32_0 = arith.constant 0 : i32
    return %arg0, %c0_i32 : i32, i32
  }
  func.func @transform_4(%arg0: i32) -> (i32, i32) {
    %c0_i32 = arith.constant 0 : i32
    %c0_i32_0 = arith.constant 0 : i32
    %c0_i32_1 = arith.constant 0 : i32
    return %c0_i32, %c0_i32_0 : i32, i32
  }
  func.func @transform_5(%arg0: i32) -> (i32, i32) {
    %c0_i32 = arith.constant 0 : i32
    %c0_i32_0 = arith.constant 0 : i32
    %c0_i32_1 = arith.constant 0 : i32
    return %c0_i32, %c0_i32_0 : i32, i32
  }
  func.func @transform_6(%arg0: i32) -> (i32, i32) {
    %c0_i32 = arith.constant 0 : i32
    %c0_i32_0 = arith.constant 0 : i32
    %c0_i32_1 = arith.constant 0 : i32
    return %c0_i32, %c0_i32_0 : i32, i32
  }
  func.func @transform_7(%arg0: i32) -> (i32, i32) {
    %c0_i32 = arith.constant 0 : i32
    %c0_i32_0 = arith.constant 0 : i32
    %c0_i32_1 = arith.constant 0 : i32
    return %c0_i32, %c0_i32_0 : i32, i32
  }
  func.func @transform_8(%arg0: i32) -> (i32, i32) {
    %c0_i32 = arith.constant 0 : i32
    %c0_i32_0 = arith.constant 0 : i32
    return %arg0, %c0_i32 : i32, i32
  }
}

</mosaic_0001>

<sc_bundles>
// kernel: kernel.12.cloned.1.call-start
scs
__scs_entry_jumppad:
0x0: {  	(pc) =	sbr.rel $0x88, $3  }
0x1: {  	(tag) =	ssettag $0x0;
	lr =	simm.s32 $0x1  }
0x2: {  	[smem:$0x3F99] =	sst lr;
	_ =	strace $0xD0000000  }
0x3: {  	_ = 	snop  }
0x4: {  	_ = 	snop  }
0x5: {  	_ = 	snop  }
0x6: {  	_ = 	snop  }
0x7: {  	_ = 	snop  }
__scs_overlays_trampoline_lowered:
0x8: {  	[smem:$0x3FA8] =	sst s0  }
0x9: {  	[smem:$0x3FA9] =	sst s1  }
0xa: {  	[smem:$0x3FAA] =	sst s2  }
0xb: {  	[smem:$0x3FAB] =	sst s3  }
0xc: {  	[smem:$0x3FAC] =	sst s4  }
0xd: {  	[smem:$0x3FAD] =	sst s5  }
0xe: {  	[smem:$0x3FAE] =	sst s6  }
0xf: {  	[smem:$0x3FAF] =	sst s7  }
0x10: {  	[smem:$0x3FB0] =	sst s8  }
0x11: {  	[smem:$0x3FB1] =	sst s9;
	s0 =	simm.s32 @!p0 $0x0  }
0x12: {  	s1 =	sld [smem:$0x3F97];
	s0 =	simm.s32 @p0 $0x1  }
0x13: {  	[smem:$0x3FB2] =	sst s0;
	s0 =	simm.s32 @!p1 $0x0  }
0x14: {  	s2 =	sld [smem:$0x3F96];
	s0 =	simm.s32 @p1 $0x1  }
0x15: {  	[smem:$0x3FB3] =	sst s0;
	s0 =	simm.s32 @!p2 $0x0  }
0x16: {  	s3 =	sld [smem:$0x3FDB];
	s0 =	simm.s32 @p2 $0x1  }
0x17: {  	s4 =	simm.s32 $0x1BF5;
	[smem:$0x3FB5] =	sst s0  }
0x18: {  	s0 =	sld [smem:$0x3F98];
	_ =	swait.ge [sflag:s4], $0x0  }
0x19: {  	s7 =	sld [smem:$0x3F99]  }
0x1a: {  	s8 =	sadd.s32 $0xFFFFE003, lr  }
0x1b: {  	s9 =	sadd.s32 $0xFFFFFEF7, lr;
	s5 =	simm.s32 $0xFFFFFFFF;
	p2 =	slt.u32 s8, $0xFFFFF086  }
0x1c: {  	p1 =	slt.u32 s9, $0xF7A;
	s5 =	simm.s32 @!p2 $0x0  }
0x1d: {  	s5 =	simm.s32 @p1 $0x1;
	p0 =	seq.s32 s7, s2  }
0x1e: {  	s7 =	smul.u32 @!p0 $0xF7A, s2;
	p2 =	seq.s32 @!p0 s5, $0x0  }
0x1f: {  	s9 =	smul.u32 $0xF7A, s1;
	s8 =	simm.s32 @!p0 $0x1BF5;
	p2 =	por !p2, p0  }
0x20: {  	[sflag:s8] =	ssyncset.s32 @!p0 $0xFFFFF086;
	s6 =	sadd.s32 @!p0 s3, s7;
	s7 =	simm.s32 @!p0 $0x108  }
0x21: {  	s3 =	sadd.s32 s3, s9;
	s6 =	sadd.s32 @!p0 $0x88, s6;
	s7 =	simm.s32 @p2 $0x1082  }
0x22: {  	[simem:s7], [sflag:s8] =	dma.local @!p0 [hbm:s6], $0xF7A  }
0x23: {  	s9 =	sor.u32 $0xD0000000, s2;
	s6 =	simm.s32 $0x108;
	_ =	swait.ge @!p0 [sflag:s8], $0x0  }
0x24: {  	s3 =	sadd.s32 $0x88, s3;
	s6 =	simm.s32 @!p1 $0x1082;
	[sflag:s4] =	ssyncset.s32 $0xFFFFF086  }
0x25: {  	[simem:s6], [sflag:s4] =	dma.local [hbm:s3], $0xF7A  }
0x26: {  	[smem:$0x3F99] =	sst s1;
	(tag) =	ssettag s2;
	_ =	strace s9  }
0x27: {  	s1 =	sld [smem:$0x3FA9]  }
0x28: {  	s2 =	sld [smem:$0x3FAA]  }
0x29: {  	s4 =	sld [smem:$0x3FAC]  }
0x2a: {  	p0 =	seq.s32 s5, $0x0;
	s5 =	sld [smem:$0x3FAD]  }
0x2b: {  	s6 =	sld [smem:$0x3FAE]  }
0x2c: {  	s7 =	sld [smem:$0x3FAF]  }
0x2d: {  	s3 =	simm.s32 $0x108;
	s8 =	sld [smem:$0x3FB0]  }
0x2e: {  	s3 =	simm.s32 @!p0 $0x1082;
	s9 =	sld [smem:$0x3FB1]  }
0x2f: {  	lr =	sadd.s32 s0, s3;
	s0 =	sld [smem:$0x3FA8]  }
0x30: {  	s3 =	sld [smem:$0x3FAB]  }
0x31: {  	[smem:$0x3FB4] =	sst s10  }
0x32: {  	s10 =	sld [smem:$0x3FB2];
	_ =	sdelay $0x3  }
0x33: {  	p0 =	seq.s32 s10, $0x1;
	s10 =	sld [smem:$0x3FB4];
	_ =	sdelay $0x3  }
0x34: {  	[smem:$0x3FB4] =	sst s10  }
0x35: {  	s10 =	sld [smem:$0x3FB3];
	_ =	sdelay $0x3  }
0x36: {  	p1 =	seq.s32 s10, $0x1;
	s10 =	sld [smem:$0x3FB4];
	_ =	sdelay $0x3  }
0x37: {  	[smem:$0x3FB4] =	sst s10  }
0x38: {  	s10 =	sld [smem:$0x3FB5]  }
0x39: {  	_ = 	snop;
	(pc) =	sbr.ind lr, $3  }
0x3a: {  	_ = 	snop  }
0x3b: {  	_ = 	snop  }
0x3c: {  	p2 =	seq.s32 s10, $0x1;
	s10 =	sld [smem:$0x3FB4]  }
0x3d: {  	_ =	shalt  }
0x3e: {  	_ =	shalt  }
0x3f: {  	_ =	shalt  }
0x40: {  	_ =	shalt  }
0x41: {  	_ =	shalt  }
0x42: {  	_ =	shalt  }
0x43: {  	_ =	shalt  }
0x44: {  	_ =	shalt  }
0x45: {  	_ =	shalt  }
0x46: {  	_ =	shalt  }
0x47: {  	_ =	shalt  }
0x48: {  	_ =	shalt  }
0x49: {  	_ =	shalt  }
0x4a: {  	_ =	shalt  }
0x4b: {  	_ =	shalt  }
0x4c: {  	_ =	shalt  }
0x4d: {  	_ =	shalt  }
0x4e: {  	_ =	shalt  }
0x4f: {  	_ =	shalt  }
0x50: {  	_ =	shalt  }
0x51: {  	_ =	shalt  }
0x52: {  	_ =	shalt  }
0x53: {  	_ =	shalt  }
0x54: {  	_ =	shalt  }
0x55: {  	_ =	shalt  }
0x56: {  	_ =	shalt  }
0x57: {  	_ =	shalt  }
0x58: {  	_ =	shalt  }
0x59: {  	_ =	shalt  }
0x5a: {  	_ =	shalt  }
0x5b: {  	_ =	shalt  }
0x5c: {  	_ =	shalt  }
0x5d: {  	_ =	shalt  }
0x5e: {  	_ =	shalt  }
0x5f: {  	_ =	shalt  }
0x60: {  	_ =	shalt  }
0x61: {  	_ =	shalt  }
0x62: {  	_ =	shalt  }
0x63: {  	_ =	shalt  }
0x64: {  	_ =	shalt  }
0x65: {  	_ =	shalt  }
0x66: {  	_ =	shalt  }
0x67: {  	_ =	shalt  }
0x68: {  	_ =	shalt  }
0x69: {  	_ =	shalt  }
0x6a: {  	_ =	shalt  }
0x6b: {  	_ =	shalt  }
0x6c: {  	_ =	shalt  }
0x6d: {  	_ =	shalt  }
0x6e: {  	_ =	shalt  }
0x6f: {  	_ =	shalt  }
0x70: {  	_ =	shalt  }
0x71: {  	_ =	shalt  }
0x72: {  	_ =	shalt  }
0x73: {  	_ =	shalt  }
0x74: {  	_ =	shalt  }
0x75: {  	_ =	shalt  }
0x76: {  	_ =	shalt  }
0x77: {  	_ =	shalt  }
0x78: {  	_ =	shalt  }
0x79: {  	_ =	shalt  }
0x7a: {  	_ =	shalt  }
0x7b: {  	_ =	shalt  }
0x7c: {  	_ =	shalt  }
0x7d: {  	_ =	shalt  }
0x7e: {  	_ =	shalt  }
0x7f: {  	_ =	shalt  }
0x80: {  	_ =	shalt  }
0x81: {  	_ =	shalt  }
0x82: {  	_ =	shalt  }
0x83: {  	_ =	shalt  }
0x84: {  	_ =	shalt  }
0x85: {  	_ =	shalt  }
0x86: {  	_ =	shalt  }
0x87: {  	_ =	shalt  }
.Lfunc_end0:
.L_simem_size_0:
called_computation.1_lowered:
.L_overlay_start_0:
0x88: {  	s2 =	sld [smem:$0x3FD9]  }
0x89: {  	s3 =	sld [smem:$0x3FFE];
	_ =	sdelay $0x1  }
0x8a: {  	s1 =	srdreg.scid  }
0x8b: {  	s0 =	sand.u32 $0x1, s1  }
0x8c: {  	s16 =	sshll.u32 s0, $0xA;
	s2 =	sadd.s32 s3, s2  }
0x8d: {  	s2 =	sadd.s32 s2, s16  }
0x8e: {  	[smem:$0x3FC0] =	sst s2  }
0x8f: {  	_ = 	snop  }
0x90: {  	(tm) =	ssettm $0x1  }
0x91: {  	s17 =	sld [smem:$0x3FFB];
	_ =	sdelay $0x3  }
0x92: {  	_ =	strace s17  }
0x93: {  	s2 =	sld [smem:$0x3FFC];
	_ =	sdelay $0x3  }
0x94: {  	_ =	strace s2  }
0x95: {  	s2 =	sld [smem:$0x3FFD];
	_ =	sdelay $0x3  }
0x96: {  	_ =	strace s2  }
0x97: {  	_ =	strace $0x8FFFFFFF  }
0x98: {  	s18 =	sld [smem:$0x3FDB];
	_ =	sdelay $0x1  }
0x99: {  	s19 =	simm.s32 $_scs_section_size  }
0x9a: {  	s4 =	simm.s32 $_size__tile_overlayer_lowered;
	s5 =	simm.s32 $_tile_overlayer_lowered  }
0x9b: {  	s22 =	simm.s32 $0x1BFF;
	s21 =	sshll.u32 s5, $0x1;
	s2 =	sadd.s32 s19, s18  }
0x9c: {  	s6 =	simm.s32 $0x0;
	s20 =	sshll.u32 s4, $0x1;
	s4 =	sadd.s32 s21, s2  }
0x9d: {  	[timem:s6], [sflag:s22] =	dma.local [hbm:s4], s20  }
0x9e: {  	_ =	swait.ge [sflag:s22], s20  }
0x9f: {  	s3 =	ssub.s32 $0x0, s20;
	[sflag:s22] =	ssyncset.done $0x0  }
0xa0: {  	[sflag:s22] =	ssyncadd.s32 s3;
	_ =	sdelay $0x1  }
0xa1: {  	s23 =	simm.s32 $0x1B8B  }
0xa2: {  	_ =	swait.ge [sflag:s23], $0x1  }
0xa3: {  	[sflag:s23] =	ssyncset.done $0x0  }
0xa4: {  	s25 =	simm.s32 $0x1B8E;
	s24 =	sld [smem:$0x3FFE];
	[sflag:s23] =	ssyncadd.s32 $0xFFFFFFFF  }
0xa5: {  	s26 =	simm.s32 $execute0_lowered;
	[smem:$0x3FD2] =	sst s25  }
0xa6: {  	s4 =	sshll.u32 s26, $0x1;
	_ =	strace $0x80000049;
	[dreg:$0x1] =	wrdreg $0xFFFFFFFF  }
0xa7: {  	s28 =	simm.s32 $_size_execute0_lowered;
	s2 =	sadd.s32 s2, s4;
	[dreg:$0x0] =	wrdreg $0x0  }
0xa8: {  	s4 =	sshll.u32 s28, $0x1;
	[dreg:$0x2] =	wrdreg s2  }
0xa9: {  	[dreg:$0x3] =	wrdreg s4  }
0xaa: {  	[dreg:$0x4] =	wrdreg $0xC0  }
0xab: {  	_ =	task [dreg:s6], $0x5FFFF  }
0xac: {  	[dreg:$0x1] =	wrdreg $0xFFFFFFFF  }
0xad: {  	[dreg:$0x0] =	wrdreg $0x60  }
0xae: {  	[dreg:$0x2] =	wrdreg s24  }
0xaf: {  	[dreg:$0x3] =	wrdreg $0x106000  }
0xb0: {  	[dreg:$0x4] =	wrdreg $0x9  }
0xb1: {  	_ =	task.clear_ibuf [dreg:s6], $0x5FFFF;
	_ =	strace $0x90000049  }
0xb2: {  	s29 =	simm.s32 $0x9;
	_ =	strace $0x8000004B  }
0xb3: {  	_ =	swait.ge [sflag:s29], $0x1  }
0xb4: {  	[sflag:s29] =	ssyncadd.s32 $0xFFFFFFFF  }
0xb5: {  	_ =	strace $0x9000004B  }
0xb6: {  	_ =	sfence  }
0xb7: {  	s30 =	sld [smem:$0x0];
	_ =	sdelay $0x2  }
0xb8: {  	s31 =	sshll.u32 s1, $0xD;
	s1 =	sshrl.u32 s1, $0x2  }
0xb9: {  	s3 =	sand.u32 $0x4000, s31;
	s1 =	sadd.s32 s1, s30  }
0xba: {  	s0 =	sor.u32 s3, s0;
	s1 =	sshll.u32 s1, $0x11  }
0xbb: {  	s0 =	sor.u32 s1, s0  }
0xbc: {  	s0 =	sadd.s32 $0x8F2B, s0  }
0xbd: {  	[sflag:s0] =	ssyncadd.remote.s32 $0x1  }
0xbe: {  	_ =	sfence.sel $0xFFFF  }
0xbf: {  	[dreg:$0x0] =	wrdreg $0xFFFFFFFF;
	(pc) =	sbr.abs _section_cstart, $3  }
0xc0: {  	[dreg:$0x1] =	wrdreg $0xFFFFFFFF  }
0xc1: {  	_ =	task.clear_ibuf [dreg:s6], $0x2FFFF;
	_ =	strace $0x9FFFFFFF  }
0xc2: {  	(tm) =	ssettm $0x7FFFFFFF  }
0xc3: {  	_ =	shalt  }
tec
execute0_lowered:
.L_overlay_start_1:
0x0: {  	(tag) =	ssettag $0x1  }
0x1: {  	s0 =	srdreg.scid;
	s4 =	rddreg [dreg:$0x0]  }
0x2: {  	s2 =	rddreg [dreg:$0x1];
	s3 =	simm.s32 $0x0;
	s1 =	stileid.u32  }
0x3: {  	s18 =	simm.s32 $0xDE00;
	s19 =	simm.s32 $0x80;
	s20 =	simm.s32 $0x9E00  }
0x4: {  	s21 =	simm.s32 $0xBE00;
	s22 =	simm.s32 $0x1;
	s23 =	simm.s32 $0x2  }
0x5: {  	s24 =	simm.s32 $0x9D00;
	s25 =	simm.s32 $0x9D80;
	s26 =	simm.s32 $0x0  }
0x6: {  	s5 =	sand.u32 $0x1, s0;
	s0 =	rddreg [dreg:$0x2];
	s7 =	smul.u32 $0x9E0, s1  }
0x7: {  	[smem:$0x7FF] =	sst s3;
	s9 =	smul.u32 $0xA000, s1;
	s14 =	sadd.s32 $0xE8400, s4  }
0x8: {  	s12 =	smul.u32 $0xA0000, s5;
	_ =	strace $0x8000004A;
	s5 =	ssub.s32 $0x2, s5  }
0x9: {  	s30 =	sadd.s32 s7, s4;
	s31 =	sshrl.u32 s5, $0x1;
	s13 =	sadd.s32 $0x2800, s9  }
0xa: {  	s16 =	sadd.s32 $0x5000, s9;
	s17 =	sadd.s32 $0x7800, s9;
	s6 =	sshrl.u32 s12, $0x3  }
0xb: {  	s15 =	ssub.s32 s5, s31;
	s5 =	sadd.s32 $0x2800, s30;
	s7 =	sadd.s32 s13, s2  }
0xc: {  	s11 =	sadd.s32 s9, s12;
	s8 =	sadd.s32 s16, s2;
	s13 =	sadd.s32 s12, s13  }
0xd: {  	s16 =	sadd.s32 s12, s16;
	s12 =	sadd.s32 s12, s17;
	s10 =	sadd.s32 s6, s4  }
0xe: {  	s4 =	sadd.s32 $0x16600, s30;
	s6 =	sadd.s32 s9, s2;
	s11 =	sshrl.u32 s11, $0x3  }
0xf: {  	s9 =	sadd.s32 s17, s2;
	s13 =	sshrl.u32 s13, $0x3;
	s16 =	sshrl.u32 s16, $0x3  }
0x10: {  	s17 =	sshrl.u32 s12, $0x3;
	s15 =	smax.u32 s15, $0x1;
	s10 =	sadd.s32 $0xC0400, s10  }
0x11: {  	s11 =	sadd.s32 s14, s11;
	s12 =	sadd.s32 s14, s13;
	s13 =	sadd.s32 s14, s16  }
0x12: {  	v0 =	vimm.f32 $0.0e+00;
	s14 =	sadd.s32 s14, s17;
	s16 =	simm.s32 $0x3;
	s17 =	simm.s32 $0x4F00  }
.LBB2_1:
0x13: {  	[tilespmem:s3], [sflag:$0x3] =	stream.linear.gather [hbm4b:s4+s3], $0x4F00, $0x38;
	[tilespmem:$0x1A600] =	vst v63  }
0x14: {  	_ =	swait.ge [sflag:s16], $0x4F00  }
0x15: {  	[sflag:s16] =	ssyncset.done $0x0  }
0x16: {  	[sflag:s16] =	ssyncadd.s32 $0xFFFFB100  }
0x17: {  	[tilespmem:s17], [sflag:$0x3] =	stream.linear.gather [hbm4b:s5+s3], $0x4F00, $0x38;
	[tilespmem:$0x1A600] =	vst v63  }
0x18: {  	_ =	swait.ge [sflag:s16], $0x4F00  }
0x19: {  	[sflag:s16] =	ssyncset.done $0x0  }
0x1a: {  	s29 =	simm.s32 $0x100;
	s28 =	simm.s32 $0x0;
	[sflag:s16] =	ssyncadd.s32 $0xFFFFB100  }
.LBB2_2:
0x1b: {  	p0 =	sne.s32 s29, $0x9F00;
	[tilespmem:s28+$0xDE30] =	vst v0;
	s30 =	smov.u32 s29;
	s29 =	sadd.s32 $0x100, s29  }
.Ltmp0:
0x1c: {  	[tilespmem:s28+$0xDE20] =	vst v0;
	(pc) =	sbr.rel @p0 .LBB2_2-.Ltmp0, $3  }
0x1d: {  	[tilespmem:s28+$0xDE00] =	vst v0  }
0x1e: {  	[tilespmem:s28+$0xDE10] =	vst v0;
	_ =	sdelay $0x1  }
0x1f: {  	s28 =	sshra.s32 s30, $0x2  }
0x20: {  	[tilespmem:s28+$0xDE30] =	vst v0  }
0x21: {  	[tilespmem:s28+$0xDE20] =	vst v0  }
0x22: {  	[tilespmem:s28+$0xDE00] =	vst v0  }
0x23: {  	[tilespmem:s28+$0xDE10] =	vst v0  }
0x24: {  	[spmem:s6] =	stream.linear.scatter [tilespmem:s18], [sflag:$0x3], $0x2800, $0x38;
	[tilespmem:$0x1A600] =	vst v63  }
0x25: {  	_ =	swait.ge [sflag:s16], $0x2800  }
0x26: {  	[sflag:s16] =	ssyncset.done $0x0  }
0x27: {  	[sflag:s16] =	ssyncadd.s32 $0xFFFFD800  }
0x28: {  	[spmem:s7] =	stream.linear.scatter [tilespmem:s18], [sflag:$0x3], $0x2800, $0x38;
	[tilespmem:$0x1A600] =	vst v63  }
0x29: {  	_ =	swait.ge [sflag:s16], $0x2800  }
0x2a: {  	[sflag:s16] =	ssyncset.done $0x0  }
0x2b: {  	[sflag:s16] =	ssyncadd.s32 $0xFFFFD800  }
0x2c: {  	[spmem:s8] =	stream.linear.scatter [tilespmem:s18], [sflag:$0x3], $0x2800, $0x38;
	[tilespmem:$0x1A600] =	vst v63  }
0x2d: {  	_ =	swait.ge [sflag:s16], $0x2800  }
0x2e: {  	[sflag:s16] =	ssyncset.done $0x0  }
0x2f: {  	[sflag:s16] =	ssyncadd.s32 $0xFFFFD800  }
0x30: {  	[spmem:s9] =	stream.linear.scatter [tilespmem:s18], [sflag:$0x3], $0x2800, $0x38;
	[tilespmem:$0x1A600] =	vst v63  }
0x31: {  	_ =	swait.ge [sflag:s16], $0x2800  }
0x32: {  	[sflag:s16] =	ssyncset.done $0x0  }
0x33: {  	[sflag:s16] =	ssyncadd.s32 $0xFFFFD800  }
0x34: {  	s28 =	simm.s32 $0x0;
	[bflag:$0x0] =	sbarrier.arrive $0xFFFF  }
0x35: {  	[tilespmem:s20], [sflag:$0x1] =	stream.indirect.gather [hbm4b:s10+s19], $0x40, s28, s19, $0xb8;
	[tilespmem:$0x1A600] =	vst v63  }
0x36: {  	_ = 	snop  }
0x37: {  	[tilespmem:s21], [sflag:$0x2] =	stream.indirect.gather [hbm4b:s10+s19], $0x40, s19, s19, $0xb8;
	[tilespmem:$0x1A600] =	vst v63  }
0x38: {  	_ =	swait.ge [sflag:s22], $0x2000  }
0x39: {  	[sflag:s22] =	ssyncset.done $0x0  }
0x3a: {  	s28 =	simm.s32 $0x4F00;
	[sflag:s22] =	ssyncadd.s32 $0xFFFFE000  }
0x3b: {  	[spmem:s2] =	stream.indirect.scatter.add.f32 [tilespmem:s20], [sflag:$0x3], $0x40, s28, s19, $0xb8;
	[tilespmem:$0x1A600] =	vst v63  }
0x3c: {  	_ =	swait.ge [sflag:s16], $0x2000  }
0x3d: {  	[sflag:s16] =	ssyncset.done $0x0  }
0x3e: {  	s28 =	simm.s32 $0x100;
	[sflag:s16] =	ssyncadd.s32 $0xFFFFE000  }
0x3f: {  	[tilespmem:s20], [sflag:$0x1] =	stream.indirect.gather [hbm4b:s10+s19], $0x40, s28, s19, $0xb8;
	[tilespmem:$0x1A600] =	vst v63  }
0x40: {  	_ =	swait.ge [sflag:s23], $0x2000  }
0x41: {  	[sflag:s23] =	ssyncset.done $0x0  }
0x42: {  	s28 =	simm.s32 $0x4F80;
	[sflag:s23] =	ssyncadd.s32 $0xFFFFE000  }
0x43: {  	[spmem:s2] =	stream.indirect.scatter.add.f32 [tilespmem:s21], [sflag:$0x3], $0x40, s28, s19, $0xb8;
	[tilespmem:$0x1A600] =	vst v63  }
0x44: {  	_ =	swait.ge [sflag:s16], $0x2000  }
0x45: {  	[sflag:s16] =	ssyncset.done $0x0  }
0x46: {  	s29 =	simm.s32 $0x180;
	s28 =	simm.s32 $0x400;
	[sflag:s16] =	ssyncadd.s32 $0xFFFFE000  }
.LBB2_4:
0x47: {  	[tilespmem:s21], [sflag:$0x2] =	stream.indirect.gather [hbm4b:s10+s19], $0x40, s29, s19, $0xb8;
	[tilespmem:$0x1A600] =	vst v63  }
0x48: {  	s29 =	smov.u32 s28  }
0x49: {  	p0 =	sne.s32 s28, $0x13400;
	s28 =	sadd.s32 $0x400, s28;
	_ =	swait.ge [sflag:s22], $0x2000  }
0x4a: {  	s29 =	sshra.s32 s29, $0x2;
	[sflag:s22] =	ssyncset.done $0x0  }
0x4b: {  	s30 =	sadd.s32 $0x4F00, s29;
	[sflag:s22] =	ssyncadd.s32 $0xFFFFE000  }
0x4c: {  	[spmem:s2] =	stream.indirect.scatter.add.f32 [tilespmem:s20], [sflag:$0x3], $0x40, s30, s19, $0xb8;
	[tilespmem:$0x1A600] =	vst v63  }
0x4d: {  	_ =	swait.ge [sflag:s16], $0x2000  }
0x4e: {  	[sflag:s16] =	ssyncset.done $0x0  }
0x4f: {  	s30 =	sadd.s32 $0x100, s29;
	[sflag:s16] =	ssyncadd.s32 $0xFFFFE000  }
0x50: {  	[tilespmem:s20], [sflag:$0x1] =	stream.indirect.gather [hbm4b:s10+s19], $0x40, s30, s19, $0xb8;
	[tilespmem:$0x1A600] =	vst v63  }
0x51: {  	_ =	swait.ge [sflag:s23], $0x2000  }
0x52: {  	[sflag:s23] =	ssyncset.done $0x0  }
.Ltmp1:
0x53: {  	s30 =	sadd.s32 $0x4F80, s29;
	[sflag:s23] =	ssyncadd.s32 $0xFFFFE000;
	(pc) =	sbr.rel @p0 .LBB2_4-.Ltmp1, $4  }
0x54: {  	[spmem:s2] =	stream.indirect.scatter.add.f32 [tilespmem:s21], [sflag:$0x3], $0x40, s30, s19, $0xb8;
	[tilespmem:$0x1A600] =	vst v63  }
0x55: {  	_ =	swait.ge [sflag:s16], $0x2000  }
0x56: {  	[sflag:s16] =	ssyncset.done $0x0  }
0x57: {  	s29 =	sadd.s32 $0x180, s29;
	[sflag:s16] =	ssyncadd.s32 $0xFFFFE000  }
0x58: {  	[tilespmem:s21], [sflag:$0x2] =	stream.indirect.gather [hbm4b:s10+s19], $0x40, s29, s19, $0xb8;
	[tilespmem:$0x1A600] =	vst v63  }
0x59: {  	_ =	swait.ge [sflag:s22], $0x2000  }
0x5a: {  	[sflag:s22] =	ssyncset.done $0x0  }
0x5b: {  	[sflag:s22] =	ssyncadd.s32 $0xFFFFE000  }
0x5c: {  	[spmem:s2] =	stream.indirect.scatter.add.f32 [tilespmem:s20], [sflag:$0x3], $0x40, s24, s19, $0xb8;
	[tilespmem:$0x1A600] =	vst v63  }
0x5d: {  	_ =	swait.ge [sflag:s16], $0x2000  }
0x5e: {  	[sflag:s16] =	ssyncset.done $0x0  }
0x5f: {  	[sflag:s16] =	ssyncadd.s32 $0xFFFFE000  }
0x60: {  	_ =	swait.ge [sflag:s23], $0x2000  }
0x61: {  	[sflag:s23] =	ssyncset.done $0x0  }
0x62: {  	[sflag:s23] =	ssyncadd.s32 $0xFFFFE000  }
0x63: {  	[spmem:s2] =	stream.indirect.scatter.add.f32 [tilespmem:s21], [sflag:$0x3], $0x40, s25, s19, $0xb8;
	[tilespmem:$0x1A600] =	vst v63  }
0x64: {  	_ =	swait.ge [sflag:s16], $0x2000  }
0x65: {  	[sflag:s16] =	ssyncset.done $0x0  }
0x66: {  	[sflag:s16] =	ssyncadd.s32 $0xFFFFE000  }
0x67: {  	[bflag:$0x0] =	sbarrier.arrive $0xFFFF  }
0x68: {  	[tilespmem:s18], [sflag:$0x3] =	stream.linear.gather [spmem:s6], $0x2800, $0x38;
	[tilespmem:$0x1A600] =	vst v63  }
0x69: {  	_ =	swait.ge [sflag:s16], $0x2800  }
0x6a: {  	[sflag:s16] =	ssyncset.done $0x0  }
0x6b: {  	[sflag:s16] =	ssyncadd.s32 $0xFFFFD800  }
0x6c: {  	[hbm4b:s11+s3] =	stream.linear.scatter [tilespmem:s18], [sflag:$0x3], $0x2800, $0x38;
	[tilespmem:$0x1A600] =	vst v63  }
0x6d: {  	_ =	swait.ge [sflag:s16], $0x2800  }
0x6e: {  	[sflag:s16] =	ssyncset.done $0x0  }
0x6f: {  	[sflag:s16] =	ssyncadd.s32 $0xFFFFD800  }
0x70: {  	[tilespmem:s18], [sflag:$0x3] =	stream.linear.gather [spmem:s7], $0x2800, $0x38;
	[tilespmem:$0x1A600] =	vst v63  }
0x71: {  	_ =	swait.ge [sflag:s16], $0x2800  }
0x72: {  	[sflag:s16] =	ssyncset.done $0x0  }
0x73: {  	[sflag:s16] =	ssyncadd.s32 $0xFFFFD800  }
0x74: {  	[hbm4b:s12+s3] =	stream.linear.scatter [tilespmem:s18], [sflag:$0x3], $0x2800, $0x38;
	[tilespmem:$0x1A600] =	vst v63  }
0x75: {  	_ =	swait.ge [sflag:s16], $0x2800  }
0x76: {  	[sflag:s16] =	ssyncset.done $0x0  }
0x77: {  	[sflag:s16] =	ssyncadd.s32 $0xFFFFD800  }
0x78: {  	[tilespmem:s18], [sflag:$0x3] =	stream.linear.gather [spmem:s8], $0x2800, $0x38;
	[tilespmem:$0x1A600] =	vst v63  }
0x79: {  	_ =	swait.ge [sflag:s16], $0x2800  }
0x7a: {  	[sflag:s16] =	ssyncset.done $0x0  }
0x7b: {  	[sflag:s16] =	ssyncadd.s32 $0xFFFFD800  }
0x7c: {  	[hbm4b:s13+s3] =	stream.linear.scatter [tilespmem:s18], [sflag:$0x3], $0x2800, $0x38;
	[tilespmem:$0x1A600] =	vst v63  }
0x7d: {  	_ =	swait.ge [sflag:s16], $0x2800  }
0x7e: {  	[sflag:s16] =	ssyncset.done $0x0  }
0x7f: {  	[sflag:s16] =	ssyncadd.s32 $0xFFFFD800  }
0x80: {  	[tilespmem:s18], [sflag:$0x3] =	stream.linear.gather [spmem:s9], $0x2800, $0x38;
	[tilespmem:$0x1A600] =	vst v63  }
0x81: {  	s26 =	sadd.s32 $0x1, s26;
	_ =	swait.ge [sflag:s16], $0x2800  }
0x82: {  	p0 =	sne.s32 s26, s15;
	[sflag:s16] =	ssyncset.done $0x0  }
.Ltmp2:
0x83: {  	[sflag:s16] =	ssyncadd.s32 $0xFFFFD800;
	(pc) =	sbr.rel @p0 .LBB2_1-.Ltmp2, $4  }
0x84: {  	[hbm4b:s14+s3] =	stream.linear.scatter [tilespmem:s18], [sflag:$0x3], $0x2800, $0x38;
	[tilespmem:$0x1A600] =	vst v63  }
0x85: {  	_ =	swait.ge [sflag:s16], $0x2800  }
0x86: {  	[sflag:s16] =	ssyncset.done $0x0  }
0x87: {  	[sflag:s16] =	ssyncadd.s32 $0xFFFFD800  }
0x88: {  	_ =	sfence.sel $0x180000  }
0x89: {  	[bflag:$0x0] =	sbarrier.arrive $0xFFFF  }
0x8a: {  	p0 =	sne.s32 s1, $0x0;
	_ =	strace $0x9000004A  }
0x8b: {  	s0 =	sadd.s32 @!p0 $0x100000, s0;
	[bflag:$0x2] =	sbarrier.arrive $0xFFFF  }
0x8c: {  	[sflag:s0] =	ssyncadd.tile.s32 @!p0 $0x1;
	_ =	shalt  }
.Lfunc_end2:
_tile_overlayer_lowered:
.L_overlay_start_2:
0x8d: {  	(tag) =	ssettag $0x2  }
0x8e: {  	s0 =	rddreg [dreg:$0x0];
	s2 =	stileid.u32  }
0x8f: {  	s1 =	rddreg [dreg:$0x1];
	p0 =	sne.s32 s2, $0x0  }
0x90: {  	s3 =	rddreg [dreg:$0x2];
	[bflag:$0x3] =	sbarrier.arrive $0xFFFF;
	s2 =	simm.s32 @!p0 $0x1C03  }
0x91: {  	[timem:s3], [sflag:s2] =	dma.local @!p0 [hbm:s0], s1  }
0x92: {  	s0 =	simm.s32 @!p0 $0x3  }
0x93: {  	_ =	swait.ge @!p0 [sflag:s0], s1  }
0x94: {  	s1 =	ssub.s32 @!p0 $0x0, s1;
	[sflag:s0] =	ssyncset.done @!p0 $0x0  }
0x95: {  	[sflag:s0] =	ssyncadd.s32 @!p0 s1  }
0x96: {  	[bflag:$0x3] =	sbarrier.arrive $0xFFFF  }
0x97: {  	_ =	shalt  }

// kernel: kernel.15.cloned.1.call-start
scs
__scs_entry_jumppad:
0x0: {  	(pc) =	sbr.rel $0x88, $3  }
0x1: {  	(tag) =	ssettag $0x0;
	lr =	simm.s32 $0x1  }
0x2: {  	[smem:$0x3F99] =	sst lr;
	_ =	strace $0xD0000000  }
0x3: {  	_ = 	snop  }
0x4: {  	_ = 	snop  }
0x5: {  	_ = 	snop  }
0x6: {  	_ = 	snop  }
0x7: {  	_ = 	snop  }
__scs_overlays_trampoline_lowered:
0x8: {  	[smem:$0x3FA8] =	sst s0  }
0x9: {  	[smem:$0x3FA9] =	sst s1  }
0xa: {  	[smem:$0x3FAA] =	sst s2  }
0xb: {  	[smem:$0x3FAB] =	sst s3  }
0xc: {  	[smem:$0x3FAC] =	sst s4  }
0xd: {  	[smem:$0x3FAD] =	sst s5  }
0xe: {  	[smem:$0x3FAE] =	sst s6  }
0xf: {  	[smem:$0x3FAF] =	sst s7  }
0x10: {  	[smem:$0x3FB0] =	sst s8  }
0x11: {  	[smem:$0x3FB1] =	sst s9;
	s0 =	simm.s32 @!p0 $0x0  }
0x12: {  	s1 =	sld [smem:$0x3F97];
	s0 =	simm.s32 @p0 $0x1  }
0x13: {  	[smem:$0x3FB2] =	sst s0;
	s0 =	simm.s32 @!p1 $0x0  }
0x14: {  	s2 =	sld [smem:$0x3F96];
	s0 =	simm.s32 @p1 $0x1  }
0x15: {  	[smem:$0x3FB3] =	sst s0;
	s0 =	simm.s32 @!p2 $0x0  }
0x16: {  	s3 =	sld [smem:$0x3FDB];
	s0 =	simm.s32 @p2 $0x1  }
0x17: {  	s4 =	simm.s32 $0x1BF5;
	[smem:$0x3FB5] =	sst s0  }
0x18: {  	s0 =	sld [smem:$0x3F98];
	_ =	swait.ge [sflag:s4], $0x0  }
0x19: {  	s7 =	sld [smem:$0x3F99]  }
0x1a: {  	s8 =	sadd.s32 $0xFFFFE003, lr  }
0x1b: {  	s9 =	sadd.s32 $0xFFFFFEF7, lr;
	s5 =	simm.s32 $0xFFFFFFFF;
	p2 =	slt.u32 s8, $0xFFFFF086  }
0x1c: {  	p1 =	slt.u32 s9, $0xF7A;
	s5 =	simm.s32 @!p2 $0x0  }
0x1d: {  	s5 =	simm.s32 @p1 $0x1;
	p0 =	seq.s32 s7, s2  }
0x1e: {  	s7 =	smul.u32 @!p0 $0xF7A, s2;
	p2 =	seq.s32 @!p0 s5, $0x0  }
0x1f: {  	s9 =	smul.u32 $0xF7A, s1;
	s8 =	simm.s32 @!p0 $0x1BF5;
	p2 =	por !p2, p0  }
0x20: {  	[sflag:s8] =	ssyncset.s32 @!p0 $0xFFFFF086;
	s6 =	sadd.s32 @!p0 s3, s7;
	s7 =	simm.s32 @!p0 $0x108  }
0x21: {  	s3 =	sadd.s32 s3, s9;
	s6 =	sadd.s32 @!p0 $0x88, s6;
	s7 =	simm.s32 @p2 $0x1082  }
0x22: {  	[simem:s7], [sflag:s8] =	dma.local @!p0 [hbm:s6], $0xF7A  }
0x23: {  	s9 =	sor.u32 $0xD0000000, s2;
	s6 =	simm.s32 $0x108;
	_ =	swait.ge @!p0 [sflag:s8], $0x0  }
0x24: {  	s3 =	sadd.s32 $0x88, s3;
	s6 =	simm.s32 @!p1 $0x1082;
	[sflag:s4] =	ssyncset.s32 $0xFFFFF086  }
0x25: {  	[simem:s6], [sflag:s4] =	dma.local [hbm:s3], $0xF7A  }
0x26: {  	[smem:$0x3F99] =	sst s1;
	(tag) =	ssettag s2;
	_ =	strace s9  }
0x27: {  	s1 =	sld [smem:$0x3FA9]  }
0x28: {  	s2 =	sld [smem:$0x3FAA]  }
0x29: {  	s4 =	sld [smem:$0x3FAC]  }
0x2a: {  	p0 =	seq.s32 s5, $0x0;
	s5 =	sld [smem:$0x3FAD]  }
0x2b: {  	s6 =	sld [smem:$0x3FAE]  }
0x2c: {  	s7 =	sld [smem:$0x3FAF]  }
0x2d: {  	s3 =	simm.s32 $0x108;
	s8 =	sld [smem:$0x3FB0]  }
0x2e: {  	s3 =	simm.s32 @!p0 $0x1082;
	s9 =	sld [smem:$0x3FB1]  }
0x2f: {  	lr =	sadd.s32 s0, s3;
	s0 =	sld [smem:$0x3FA8]  }
0x30: {  	s3 =	sld [smem:$0x3FAB]  }
0x31: {  	[smem:$0x3FB4] =	sst s10  }
0x32: {  	s10 =	sld [smem:$0x3FB2];
	_ =	sdelay $0x3  }
0x33: {  	p0 =	seq.s32 s10, $0x1;
	s10 =	sld [smem:$0x3FB4];
	_ =	sdelay $0x3  }
0x34: {  	[smem:$0x3FB4] =	sst s10  }
0x35: {  	s10 =	sld [smem:$0x3FB3];
	_ =	sdelay $0x3  }
0x36: {  	p1 =	seq.s32 s10, $0x1;
	s10 =	sld [smem:$0x3FB4];
	_ =	sdelay $0x3  }
0x37: {  	[smem:$0x3FB4] =	sst s10  }
0x38: {  	s10 =	sld [smem:$0x3FB5]  }
0x39: {  	_ = 	snop;
	(pc) =	sbr.ind lr, $3  }
0x3a: {  	_ = 	snop  }
0x3b: {  	_ = 	snop  }
0x3c: {  	p2 =	seq.s32 s10, $0x1;
	s10 =	sld [smem:$0x3FB4]  }
0x3d: {  	_ =	shalt  }
0x3e: {  	_ =	shalt  }
0x3f: {  	_ =	shalt  }
0x40: {  	_ =	shalt  }
0x41: {  	_ =	shalt  }
0x42: {  	_ =	shalt  }
0x43: {  	_ =	shalt  }
0x44: {  	_ =	shalt  }
0x45: {  	_ =	shalt  }
0x46: {  	_ =	shalt  }
0x47: {  	_ =	shalt  }
0x48: {  	_ =	shalt  }
0x49: {  	_ =	shalt  }
0x4a: {  	_ =	shalt  }
0x4b: {  	_ =	shalt  }
0x4c: {  	_ =	shalt  }
0x4d: {  	_ =	shalt  }
0x4e: {  	_ =	shalt  }
0x4f: {  	_ =	shalt  }
0x50: {  	_ =	shalt  }
0x51: {  	_ =	shalt  }
0x52: {  	_ =	shalt  }
0x53: {  	_ =	shalt  }
0x54: {  	_ =	shalt  }
0x55: {  	_ =	shalt  }
0x56: {  	_ =	shalt  }
0x57: {  	_ =	shalt  }
0x58: {  	_ =	shalt  }
0x59: {  	_ =	shalt  }
0x5a: {  	_ =	shalt  }
0x5b: {  	_ =	shalt  }
0x5c: {  	_ =	shalt  }
0x5d: {  	_ =	shalt  }
0x5e: {  	_ =	shalt  }
0x5f: {  	_ =	shalt  }
0x60: {  	_ =	shalt  }
0x61: {  	_ =	shalt  }
0x62: {  	_ =	shalt  }
0x63: {  	_ =	shalt  }
0x64: {  	_ =	shalt  }
0x65: {  	_ =	shalt  }
0x66: {  	_ =	shalt  }
0x67: {  	_ =	shalt  }
0x68: {  	_ =	shalt  }
0x69: {  	_ =	shalt  }
0x6a: {  	_ =	shalt  }
0x6b: {  	_ =	shalt  }
0x6c: {  	_ =	shalt  }
0x6d: {  	_ =	shalt  }
0x6e: {  	_ =	shalt  }
0x6f: {  	_ =	shalt  }
0x70: {  	_ =	shalt  }
0x71: {  	_ =	shalt  }
0x72: {  	_ =	shalt  }
0x73: {  	_ =	shalt  }
0x74: {  	_ =	shalt  }
0x75: {  	_ =	shalt  }
0x76: {  	_ =	shalt  }
0x77: {  	_ =	shalt  }
0x78: {  	_ =	shalt  }
0x79: {  	_ =	shalt  }
0x7a: {  	_ =	shalt  }
0x7b: {  	_ =	shalt  }
0x7c: {  	_ =	shalt  }
0x7d: {  	_ =	shalt  }
0x7e: {  	_ =	shalt  }
0x7f: {  	_ =	shalt  }
0x80: {  	_ =	shalt  }
0x81: {  	_ =	shalt  }
0x82: {  	_ =	shalt  }
0x83: {  	_ =	shalt  }
0x84: {  	_ =	shalt  }
0x85: {  	_ =	shalt  }
0x86: {  	_ =	shalt  }
0x87: {  	_ =	shalt  }
.Lfunc_end0:
.L_simem_size_0:
called_computation.2_lowered:
.L_overlay_start_0:
0x88: {  	s2 =	sld [smem:$0x3FD9]  }
0x89: {  	s3 =	sld [smem:$0x3FFE];
	_ =	sdelay $0x1  }
0x8a: {  	s1 =	srdreg.scid  }
0x8b: {  	s0 =	sand.u32 $0x1, s1  }
0x8c: {  	s16 =	sshll.u32 s0, $0xA;
	s2 =	sadd.s32 s3, s2  }
0x8d: {  	s2 =	sadd.s32 s2, s16  }
0x8e: {  	[smem:$0x3FC0] =	sst s2  }
0x8f: {  	_ = 	snop  }
0x90: {  	(tm) =	ssettm $0x1  }
0x91: {  	s17 =	sld [smem:$0x3FFB];
	_ =	sdelay $0x3  }
0x92: {  	_ =	strace s17  }
0x93: {  	s2 =	sld [smem:$0x3FFC];
	_ =	sdelay $0x3  }
0x94: {  	_ =	strace s2  }
0x95: {  	s2 =	sld [smem:$0x3FFD];
	_ =	sdelay $0x3  }
0x96: {  	_ =	strace s2  }
0x97: {  	_ =	strace $0x8FFFFFFF  }
0x98: {  	s18 =	sld [smem:$0x3FDB];
	_ =	sdelay $0x1  }
0x99: {  	s19 =	simm.s32 $_scs_section_size  }
0x9a: {  	s4 =	simm.s32 $_size__tile_overlayer_lowered;
	s5 =	simm.s32 $_tile_overlayer_lowered  }
0x9b: {  	s22 =	simm.s32 $0x1BFF;
	s21 =	sshll.u32 s5, $0x1;
	s2 =	sadd.s32 s19, s18  }
0x9c: {  	s6 =	simm.s32 $0x0;
	s20 =	sshll.u32 s4, $0x1;
	s4 =	sadd.s32 s21, s2  }
0x9d: {  	[timem:s6], [sflag:s22] =	dma.local [hbm:s4], s20  }
0x9e: {  	_ =	swait.ge [sflag:s22], s20  }
0x9f: {  	s3 =	ssub.s32 $0x0, s20;
	[sflag:s22] =	ssyncset.done $0x0  }
0xa0: {  	[sflag:s22] =	ssyncadd.s32 s3;
	_ =	sdelay $0x1  }
0xa1: {  	s23 =	simm.s32 $0x1B8B  }
0xa2: {  	_ =	swait.ge [sflag:s23], $0x1  }
0xa3: {  	[sflag:s23] =	ssyncset.done $0x0  }
0xa4: {  	s25 =	simm.s32 $0x1B8E;
	s24 =	sld [smem:$0x3FFE];
	[sflag:s23] =	ssyncadd.s32 $0xFFFFFFFF  }
0xa5: {  	s26 =	simm.s32 $execute0_lowered;
	[smem:$0x3FD2] =	sst s25  }
0xa6: {  	s4 =	sshll.u32 s26, $0x1;
	_ =	strace $0x8000004C;
	[dreg:$0x1] =	wrdreg $0xFFFFFFFF  }
0xa7: {  	s28 =	simm.s32 $_size_execute0_lowered;
	s2 =	sadd.s32 s2, s4;
	[dreg:$0x0] =	wrdreg $0x0  }
0xa8: {  	s4 =	sshll.u32 s28, $0x1;
	[dreg:$0x2] =	wrdreg s2  }
0xa9: {  	[dreg:$0x3] =	wrdreg s4  }
0xaa: {  	[dreg:$0x4] =	wrdreg $0xC0  }
0xab: {  	_ =	task [dreg:s6], $0x5FFFF  }
0xac: {  	[dreg:$0x1] =	wrdreg $0xFFFFFFFF  }
0xad: {  	[dreg:$0x0] =	wrdreg $0x60  }
0xae: {  	[dreg:$0x2] =	wrdreg s24  }
0xaf: {  	[dreg:$0x3] =	wrdreg $0x106000  }
0xb0: {  	[dreg:$0x4] =	wrdreg $0x9  }
0xb1: {  	_ =	task.clear_ibuf [dreg:s6], $0x5FFFF;
	_ =	strace $0x9000004C  }
0xb2: {  	s29 =	simm.s32 $0x9;
	_ =	strace $0x8000004E  }
0xb3: {  	_ =	swait.ge [sflag:s29], $0x1  }
0xb4: {  	[sflag:s29] =	ssyncadd.s32 $0xFFFFFFFF  }
0xb5: {  	_ =	strace $0x9000004E  }
0xb6: {  	_ =	sfence  }
0xb7: {  	s30 =	sld [smem:$0x0];
	_ =	sdelay $0x2  }
0xb8: {  	s31 =	sshll.u32 s1, $0xD;
	s1 =	sshrl.u32 s1, $0x2  }
0xb9: {  	s3 =	sand.u32 $0x4000, s31;
	s1 =	sadd.s32 s1, s30  }
0xba: {  	s0 =	sor.u32 s3, s0;
	s1 =	sshll.u32 s1, $0x11  }
0xbb: {  	s0 =	sor.u32 s1, s0  }
0xbc: {  	s0 =	sadd.s32 $0x8F2B, s0  }
0xbd: {  	[sflag:s0] =	ssyncadd.remote.s32 $0x1  }
0xbe: {  	_ =	sfence.sel $0xFFFF  }
0xbf: {  	[dreg:$0x0] =	wrdreg $0xFFFFFFFF;
	(pc) =	sbr.abs _section_cstart, $3  }
0xc0: {  	[dreg:$0x1] =	wrdreg $0xFFFFFFFF  }
0xc1: {  	_ =	task.clear_ibuf [dreg:s6], $0x2FFFF;
	_ =	strace $0x9FFFFFFF  }
0xc2: {  	(tm) =	ssettm $0x7FFFFFFF  }
0xc3: {  	_ =	shalt  }
tec
execute0_lowered:
.L_overlay_start_1:
0x0: {  	(tag) =	ssettag $0x1  }
0x1: {  	s0 =	srdreg.scid;
	s4 =	rddreg [dreg:$0x0]  }
0x2: {  	s2 =	rddreg [dreg:$0x1];
	s3 =	simm.s32 $0x0;
	s1 =	stileid.u32  }
0x3: {  	s18 =	simm.s32 $0xDE00;
	s19 =	simm.s32 $0x80;
	s20 =	simm.s32 $0x9E00  }
0x4: {  	s21 =	simm.s32 $0xBE00;
	s22 =	simm.s32 $0x1;
	s23 =	simm.s32 $0x2  }
0x5: {  	s24 =	simm.s32 $0x9D00;
	s25 =	simm.s32 $0x9D80;
	s26 =	simm.s32 $0x0  }
0x6: {  	s5 =	sand.u32 $0x1, s0;
	s0 =	rddreg [dreg:$0x2];
	s7 =	smul.u32 $0x9E0, s1  }
0x7: {  	[smem:$0x7FF] =	sst s3;
	s9 =	smul.u32 $0xA000, s1;
	s14 =	sadd.s32 $0xE8400, s4  }
0x8: {  	s12 =	smul.u32 $0xA0000, s5;
	_ =	strace $0x8000004D;
	s5 =	ssub.s32 $0x2, s5  }
0x9: {  	s30 =	sadd.s32 s7, s4;
	s31 =	sshrl.u32 s5, $0x1;
	s13 =	sadd.s32 $0x2800, s9  }
0xa: {  	s16 =	sadd.s32 $0x5000, s9;
	s17 =	sadd.s32 $0x7800, s9;
	s6 =	sshrl.u32 s12, $0x3  }
0xb: {  	s15 =	ssub.s32 s5, s31;
	s5 =	sadd.s32 $0x2800, s30;
	s7 =	sadd.s32 s13, s2  }
0xc: {  	s11 =	sadd.s32 s9, s12;
	s8 =	sadd.s32 s16, s2;
	s13 =	sadd.s32 s12, s13  }
0xd: {  	s16 =	sadd.s32 s12, s16;
	s12 =	sadd.s32 s12, s17;
	s10 =	sadd.s32 s6, s4  }
0xe: {  	s4 =	sadd.s32 $0x16600, s30;
	s6 =	sadd.s32 s9, s2;
	s11 =	sshrl.u32 s11, $0x3  }
0xf: {  	s9 =	sadd.s32 s17, s2;
	s13 =	sshrl.u32 s13, $0x3;
	s16 =	sshrl.u32 s16, $0x3  }
0x10: {  	s17 =	sshrl.u32 s12, $0x3;
	s15 =	smax.u32 s15, $0x1;
	s10 =	sadd.s32 $0xC0400, s10  }
0x11: {  	s11 =	sadd.s32 s14, s11;
	s12 =	sadd.s32 s14, s13;
	s13 =	sadd.s32 s14, s16  }
0x12: {  	v0 =	vimm.f32 $0.0e+00;
	s14 =	sadd.s32 s14, s17;
	s16 =	simm.s32 $0x3;
	s17 =	simm.s32 $0x4F00  }
.LBB2_1:
0x13: {  	[tilespmem:s3], [sflag:$0x3] =	stream.linear.gather [hbm4b:s4+s3], $0x4F00, $0x38;
	[tilespmem:$0x1A600] =	vst v63  }
0x14: {  	_ =	swait.ge [sflag:s16], $0x4F00  }
0x15: {  	[sflag:s16] =	ssyncset.done $0x0  }
0x16: {  	[sflag:s16] =	ssyncadd.s32 $0xFFFFB100  }
0x17: {  	[tilespmem:s17], [sflag:$0x3] =	stream.linear.gather [hbm4b:s5+s3], $0x4F00, $0x38;
	[tilespmem:$0x1A600] =	vst v63  }
0x18: {  	_ =	swait.ge [sflag:s16], $0x4F00  }
0x19: {  	[sflag:s16] =	ssyncset.done $0x0  }
0x1a: {  	s29 =	simm.s32 $0x100;
	s28 =	simm.s32 $0x0;
	[sflag:s16] =	ssyncadd.s32 $0xFFFFB100  }
.LBB2_2:
0x1b: {  	p0 =	sne.s32 s29, $0x9F00;
	[tilespmem:s28+$0xDE30] =	vst v0;
	s30 =	smov.u32 s29;
	s29 =	sadd.s32 $0x100, s29  }
.Ltmp0:
0x1c: {  	[tilespmem:s28+$0xDE20] =	vst v0;
	(pc) =	sbr.rel @p0 .LBB2_2-.Ltmp0, $3  }
0x1d: {  	[tilespmem:s28+$0xDE00] =	vst v0  }
0x1e: {  	[tilespmem:s28+$0xDE10] =	vst v0;
	_ =	sdelay $0x1  }
0x1f: {  	s28 =	sshra.s32 s30, $0x2  }
0x20: {  	[tilespmem:s28+$0xDE30] =	vst v0  }
0x21: {  	[tilespmem:s28+$0xDE20] =	vst v0  }
0x22: {  	[tilespmem:s28+$0xDE00] =	vst v0  }
0x23: {  	[tilespmem:s28+$0xDE10] =	vst v0  }
0x24: {  	[spmem:s6] =	stream.linear.scatter [tilespmem:s18], [sflag:$0x3], $0x2800, $0x38;
	[tilespmem:$0x1A600] =	vst v63  }
0x25: {  	_ =	swait.ge [sflag:s16], $0x2800  }
0x26: {  	[sflag:s16] =	ssyncset.done $0x0  }
0x27: {  	[sflag:s16] =	ssyncadd.s32 $0xFFFFD800  }
0x28: {  	[spmem:s7] =	stream.linear.scatter [tilespmem:s18], [sflag:$0x3], $0x2800, $0x38;
	[tilespmem:$0x1A600] =	vst v63  }
0x29: {  	_ =	swait.ge [sflag:s16], $0x2800  }
0x2a: {  	[sflag:s16] =	ssyncset.done $0x0  }
0x2b: {  	[sflag:s16] =	ssyncadd.s32 $0xFFFFD800  }
0x2c: {  	[spmem:s8] =	stream.linear.scatter [tilespmem:s18], [sflag:$0x3], $0x2800, $0x38;
	[tilespmem:$0x1A600] =	vst v63  }
0x2d: {  	_ =	swait.ge [sflag:s16], $0x2800  }
0x2e: {  	[sflag:s16] =	ssyncset.done $0x0  }
0x2f: {  	[sflag:s16] =	ssyncadd.s32 $0xFFFFD800  }
0x30: {  	[spmem:s9] =	stream.linear.scatter [tilespmem:s18], [sflag:$0x3], $0x2800, $0x38;
	[tilespmem:$0x1A600] =	vst v63  }
0x31: {  	_ =	swait.ge [sflag:s16], $0x2800  }
0x32: {  	[sflag:s16] =	ssyncset.done $0x0  }
0x33: {  	[sflag:s16] =	ssyncadd.s32 $0xFFFFD800  }
0x34: {  	s28 =	simm.s32 $0x0;
	[bflag:$0x0] =	sbarrier.arrive $0xFFFF  }
0x35: {  	[tilespmem:s20], [sflag:$0x1] =	stream.indirect.gather [hbm4b:s10+s19], $0x40, s28, s19, $0xb8;
	[tilespmem:$0x1A600] =	vst v63  }
0x36: {  	_ = 	snop  }
0x37: {  	[tilespmem:s21], [sflag:$0x2] =	stream.indirect.gather [hbm4b:s10+s19], $0x40, s19, s19, $0xb8;
	[tilespmem:$0x1A600] =	vst v63  }
0x38: {  	_ =	swait.ge [sflag:s22], $0x2000  }
0x39: {  	[sflag:s22] =	ssyncset.done $0x0  }
0x3a: {  	s28 =	simm.s32 $0x4F00;
	[sflag:s22] =	ssyncadd.s32 $0xFFFFE000  }
0x3b: {  	[spmem:s2] =	stream.indirect.scatter.add.f32 [tilespmem:s20], [sflag:$0x3], $0x40, s28, s19, $0xb8;
	[tilespmem:$0x1A600] =	vst v63  }
0x3c: {  	_ =	swait.ge [sflag:s16], $0x2000  }
0x3d: {  	[sflag:s16] =	ssyncset.done $0x0  }
0x3e: {  	s28 =	simm.s32 $0x100;
	[sflag:s16] =	ssyncadd.s32 $0xFFFFE000  }
0x3f: {  	[tilespmem:s20], [sflag:$0x1] =	stream.indirect.gather [hbm4b:s10+s19], $0x40, s28, s19, $0xb8;
	[tilespmem:$0x1A600] =	vst v63  }
0x40: {  	_ =	swait.ge [sflag:s23], $0x2000  }
0x41: {  	[sflag:s23] =	ssyncset.done $0x0  }
0x42: {  	s28 =	simm.s32 $0x4F80;
	[sflag:s23] =	ssyncadd.s32 $0xFFFFE000  }
0x43: {  	[spmem:s2] =	stream.indirect.scatter.add.f32 [tilespmem:s21], [sflag:$0x3], $0x40, s28, s19, $0xb8;
	[tilespmem:$0x1A600] =	vst v63  }
0x44: {  	_ =	swait.ge [sflag:s16], $0x2000  }
0x45: {  	[sflag:s16] =	ssyncset.done $0x0  }
0x46: {  	s29 =	simm.s32 $0x180;
	s28 =	simm.s32 $0x400;
	[sflag:s16] =	ssyncadd.s32 $0xFFFFE000  }
.LBB2_4:
0x47: {  	[tilespmem:s21], [sflag:$0x2] =	stream.indirect.gather [hbm4b:s10+s19], $0x40, s29, s19, $0xb8;
	[tilespmem:$0x1A600] =	vst v63  }
0x48: {  	s29 =	smov.u32 s28  }
0x49: {  	p0 =	sne.s32 s28, $0x13400;
	s28 =	sadd.s32 $0x400, s28;
	_ =	swait.ge [sflag:s22], $0x2000  }
0x4a: {  	s29 =	sshra.s32 s29, $0x2;
	[sflag:s22] =	ssyncset.done $0x0  }
0x4b: {  	s30 =	sadd.s32 $0x4F00, s29;
	[sflag:s22] =	ssyncadd.s32 $0xFFFFE000  }
0x4c: {  	[spmem:s2] =	stream.indirect.scatter.add.f32 [tilespmem:s20], [sflag:$0x3], $0x40, s30, s19, $0xb8;
	[tilespmem:$0x1A600] =	vst v63  }
0x4d: {  	_ =	swait.ge [sflag:s16], $0x2000  }
0x4e: {  	[sflag:s16] =	ssyncset.done $0x0  }
0x4f: {  	s30 =	sadd.s32 $0x100, s29;
	[sflag:s16] =	ssyncadd.s32 $0xFFFFE000  }
0x50: {  	[tilespmem:s20], [sflag:$0x1] =	stream.indirect.gather [hbm4b:s10+s19], $0x40, s30, s19, $0xb8;
	[tilespmem:$0x1A600] =	vst v63  }
0x51: {  	_ =	swait.ge [sflag:s23], $0x2000  }
0x52: {  	[sflag:s23] =	ssyncset.done $0x0  }
.Ltmp1:
0x53: {  	s30 =	sadd.s32 $0x4F80, s29;
	[sflag:s23] =	ssyncadd.s32 $0xFFFFE000;
	(pc) =	sbr.rel @p0 .LBB2_4-.Ltmp1, $4  }
0x54: {  	[spmem:s2] =	stream.indirect.scatter.add.f32 [tilespmem:s21], [sflag:$0x3], $0x40, s30, s19, $0xb8;
	[tilespmem:$0x1A600] =	vst v63  }
0x55: {  	_ =	swait.ge [sflag:s16], $0x2000  }
0x56: {  	[sflag:s16] =	ssyncset.done $0x0  }
0x57: {  	s29 =	sadd.s32 $0x180, s29;
	[sflag:s16] =	ssyncadd.s32 $0xFFFFE000  }
0x58: {  	[tilespmem:s21], [sflag:$0x2] =	stream.indirect.gather [hbm4b:s10+s19], $0x40, s29, s19, $0xb8;
	[tilespmem:$0x1A600] =	vst v63  }
0x59: {  	_ =	swait.ge [sflag:s22], $0x2000  }
0x5a: {  	[sflag:s22] =	ssyncset.done $0x0  }
0x5b: {  	[sflag:s22] =	ssyncadd.s32 $0xFFFFE000  }
0x5c: {  	[spmem:s2] =	stream.indirect.scatter.add.f32 [tilespmem:s20], [sflag:$0x3], $0x40, s24, s19, $0xb8;
	[tilespmem:$0x1A600] =	vst v63  }
0x5d: {  	_ =	swait.ge [sflag:s16], $0x2000  }
0x5e: {  	[sflag:s16] =	ssyncset.done $0x0  }
0x5f: {  	[sflag:s16] =	ssyncadd.s32 $0xFFFFE000  }
0x60: {  	_ =	swait.ge [sflag:s23], $0x2000  }
0x61: {  	[sflag:s23] =	ssyncset.done $0x0  }
0x62: {  	[sflag:s23] =	ssyncadd.s32 $0xFFFFE000  }
0x63: {  	[spmem:s2] =	stream.indirect.scatter.add.f32 [tilespmem:s21], [sflag:$0x3], $0x40, s25, s19, $0xb8;
	[tilespmem:$0x1A600] =	vst v63  }
0x64: {  	_ =	swait.ge [sflag:s16], $0x2000  }
0x65: {  	[sflag:s16] =	ssyncset.done $0x0  }
0x66: {  	[sflag:s16] =	ssyncadd.s32 $0xFFFFE000  }
0x67: {  	[bflag:$0x0] =	sbarrier.arrive $0xFFFF  }
0x68: {  	[tilespmem:s18], [sflag:$0x3] =	stream.linear.gather [spmem:s6], $0x2800, $0x38;
	[tilespmem:$0x1A600] =	vst v63  }
0x69: {  	_ =	swait.ge [sflag:s16], $0x2800  }
0x6a: {  	[sflag:s16] =	ssyncset.done $0x0  }
0x6b: {  	[sflag:s16] =	ssyncadd.s32 $0xFFFFD800  }
0x6c: {  	[hbm4b:s11+s3] =	stream.linear.scatter [tilespmem:s18], [sflag:$0x3], $0x2800, $0x38;
	[tilespmem:$0x1A600] =	vst v63  }
0x6d: {  	_ =	swait.ge [sflag:s16], $0x2800  }
0x6e: {  	[sflag:s16] =	ssyncset.done $0x0  }
0x6f: {  	[sflag:s16] =	ssyncadd.s32 $0xFFFFD800  }
0x70: {  	[tilespmem:s18], [sflag:$0x3] =	stream.linear.gather [spmem:s7], $0x2800, $0x38;
	[tilespmem:$0x1A600] =	vst v63  }
0x71: {  	_ =	swait.ge [sflag:s16], $0x2800  }
0x72: {  	[sflag:s16] =	ssyncset.done $0x0  }
0x73: {  	[sflag:s16] =	ssyncadd.s32 $0xFFFFD800  }
0x74: {  	[hbm4b:s12+s3] =	stream.linear.scatter [tilespmem:s18], [sflag:$0x3], $0x2800, $0x38;
	[tilespmem:$0x1A600] =	vst v63  }
0x75: {  	_ =	swait.ge [sflag:s16], $0x2800  }
0x76: {  	[sflag:s16] =	ssyncset.done $0x0  }
0x77: {  	[sflag:s16] =	ssyncadd.s32 $0xFFFFD800  }
0x78: {  	[tilespmem:s18], [sflag:$0x3] =	stream.linear.gather [spmem:s8], $0x2800, $0x38;
	[tilespmem:$0x1A600] =	vst v63  }
0x79: {  	_ =	swait.ge [sflag:s16], $0x2800  }
0x7a: {  	[sflag:s16] =	ssyncset.done $0x0  }
0x7b: {  	[sflag:s16] =	ssyncadd.s32 $0xFFFFD800  }
0x7c: {  	[hbm4b:s13+s3] =	stream.linear.scatter [tilespmem:s18], [sflag:$0x3], $0x2800, $0x38;
	[tilespmem:$0x1A600] =	vst v63  }
0x7d: {  	_ =	swait.ge [sflag:s16], $0x2800  }
0x7e: {  	[sflag:s16] =	ssyncset.done $0x0  }
0x7f: {  	[sflag:s16] =	ssyncadd.s32 $0xFFFFD800  }
0x80: {  	[tilespmem:s18], [sflag:$0x3] =	stream.linear.gather [spmem:s9], $0x2800, $0x38;
	[tilespmem:$0x1A600] =	vst v63  }
0x81: {  	s26 =	sadd.s32 $0x1, s26;
	_ =	swait.ge [sflag:s16], $0x2800  }
0x82: {  	p0 =	sne.s32 s26, s15;
	[sflag:s16] =	ssyncset.done $0x0  }
.Ltmp2:
0x83: {  	[sflag:s16] =	ssyncadd.s32 $0xFFFFD800;
	(pc) =	sbr.rel @p0 .LBB2_1-.Ltmp2, $4  }
0x84: {  	[hbm4b:s14+s3] =	stream.linear.scatter [tilespmem:s18], [sflag:$0x3], $0x2800, $0x38;
	[tilespmem:$0x1A600] =	vst v63  }
0x85: {  	_ =	swait.ge [sflag:s16], $0x2800  }
0x86: {  	[sflag:s16] =	ssyncset.done $0x0  }
0x87: {  	[sflag:s16] =	ssyncadd.s32 $0xFFFFD800  }
0x88: {  	_ =	sfence.sel $0x180000  }
0x89: {  	[bflag:$0x0] =	sbarrier.arrive $0xFFFF  }
0x8a: {  	p0 =	sne.s32 s1, $0x0;
	_ =	strace $0x9000004D  }
0x8b: {  	s0 =	sadd.s32 @!p0 $0x100000, s0;
	[bflag:$0x2] =	sbarrier.arrive $0xFFFF  }
0x8c: {  	[sflag:s0] =	ssyncadd.tile.s32 @!p0 $0x1;
	_ =	shalt  }
.Lfunc_end2:
_tile_overlayer_lowered:
.L_overlay_start_2:
0x8d: {  	(tag) =	ssettag $0x2  }
0x8e: {  	s0 =	rddreg [dreg:$0x0];
	s2 =	stileid.u32  }
0x8f: {  	s1 =	rddreg [dreg:$0x1];
	p0 =	sne.s32 s2, $0x0  }
0x90: {  	s3 =	rddreg [dreg:$0x2];
	[bflag:$0x3] =	sbarrier.arrive $0xFFFF;
	s2 =	simm.s32 @!p0 $0x1C03  }
0x91: {  	[timem:s3], [sflag:s2] =	dma.local @!p0 [hbm:s0], s1  }
0x92: {  	s0 =	simm.s32 @!p0 $0x3  }
0x93: {  	_ =	swait.ge @!p0 [sflag:s0], s1  }
0x94: {  	s1 =	ssub.s32 @!p0 $0x0, s1;
	[sflag:s0] =	ssyncset.done @!p0 $0x0  }
0x95: {  	[sflag:s0] =	ssyncadd.s32 @!p0 s1  }
0x96: {  	[bflag:$0x3] =	sbarrier.arrive $0xFFFF  }
0x97: {  	_ =	shalt  }

// kernel: kernel.9.cloned.1.call-start
scs
__scs_entry_jumppad:
0x0: {  	(pc) =	sbr.rel $0x88, $3  }
0x1: {  	(tag) =	ssettag $0x0;
	lr =	simm.s32 $0x1  }
0x2: {  	[smem:$0x3F99] =	sst lr;
	_ =	strace $0xD0000000  }
0x3: {  	_ = 	snop  }
0x4: {  	_ = 	snop  }
0x5: {  	_ = 	snop  }
0x6: {  	_ = 	snop  }
0x7: {  	_ = 	snop  }
__scs_overlays_trampoline_lowered:
0x8: {  	[smem:$0x3FA8] =	sst s0  }
0x9: {  	[smem:$0x3FA9] =	sst s1  }
0xa: {  	[smem:$0x3FAA] =	sst s2  }
0xb: {  	[smem:$0x3FAB] =	sst s3  }
0xc: {  	[smem:$0x3FAC] =	sst s4  }
0xd: {  	[smem:$0x3FAD] =	sst s5  }
0xe: {  	[smem:$0x3FAE] =	sst s6  }
0xf: {  	[smem:$0x3FAF] =	sst s7  }
0x10: {  	[smem:$0x3FB0] =	sst s8  }
0x11: {  	[smem:$0x3FB1] =	sst s9;
	s0 =	simm.s32 @!p0 $0x0  }
0x12: {  	s1 =	sld [smem:$0x3F97];
	s0 =	simm.s32 @p0 $0x1  }
0x13: {  	[smem:$0x3FB2] =	sst s0;
	s0 =	simm.s32 @!p1 $0x0  }
0x14: {  	s2 =	sld [smem:$0x3F96];
	s0 =	simm.s32 @p1 $0x1  }
0x15: {  	[smem:$0x3FB3] =	sst s0;
	s0 =	simm.s32 @!p2 $0x0  }
0x16: {  	s3 =	sld [smem:$0x3FDB];
	s0 =	simm.s32 @p2 $0x1  }
0x17: {  	s4 =	simm.s32 $0x1BF5;
	[smem:$0x3FB5] =	sst s0  }
0x18: {  	s0 =	sld [smem:$0x3F98];
	_ =	swait.ge [sflag:s4], $0x0  }
0x19: {  	s7 =	sld [smem:$0x3F99]  }
0x1a: {  	s8 =	sadd.s32 $0xFFFFE003, lr  }
0x1b: {  	s9 =	sadd.s32 $0xFFFFFEF7, lr;
	s5 =	simm.s32 $0xFFFFFFFF;
	p2 =	slt.u32 s8, $0xFFFFF086  }
0x1c: {  	p1 =	slt.u32 s9, $0xF7A;
	s5 =	simm.s32 @!p2 $0x0  }
0x1d: {  	s5 =	simm.s32 @p1 $0x1;
	p0 =	seq.s32 s7, s2  }
0x1e: {  	s7 =	smul.u32 @!p0 $0xF7A, s2;
	p2 =	seq.s32 @!p0 s5, $0x0  }
0x1f: {  	s9 =	smul.u32 $0xF7A, s1;
	s8 =	simm.s32 @!p0 $0x1BF5;
	p2 =	por !p2, p0  }
0x20: {  	[sflag:s8] =	ssyncset.s32 @!p0 $0xFFFFF086;
	s6 =	sadd.s32 @!p0 s3, s7;
	s7 =	simm.s32 @!p0 $0x108  }
0x21: {  	s3 =	sadd.s32 s3, s9;
	s6 =	sadd.s32 @!p0 $0x88, s6;
	s7 =	simm.s32 @p2 $0x1082  }
0x22: {  	[simem:s7], [sflag:s8] =	dma.local @!p0 [hbm:s6], $0xF7A  }
0x23: {  	s9 =	sor.u32 $0xD0000000, s2;
	s6 =	simm.s32 $0x108;
	_ =	swait.ge @!p0 [sflag:s8], $0x0  }
0x24: {  	s3 =	sadd.s32 $0x88, s3;
	s6 =	simm.s32 @!p1 $0x1082;
	[sflag:s4] =	ssyncset.s32 $0xFFFFF086  }
0x25: {  	[simem:s6], [sflag:s4] =	dma.local [hbm:s3], $0xF7A  }
0x26: {  	[smem:$0x3F99] =	sst s1;
	(tag) =	ssettag s2;
	_ =	strace s9  }
0x27: {  	s1 =	sld [smem:$0x3FA9]  }
0x28: {  	s2 =	sld [smem:$0x3FAA]  }
0x29: {  	s4 =	sld [smem:$0x3FAC]  }
0x2a: {  	p0 =	seq.s32 s5, $0x0;
	s5 =	sld [smem:$0x3FAD]  }
0x2b: {  	s6 =	sld [smem:$0x3FAE]  }
0x2c: {  	s7 =	sld [smem:$0x3FAF]  }
0x2d: {  	s3 =	simm.s32 $0x108;
	s8 =	sld [smem:$0x3FB0]  }
0x2e: {  	s3 =	simm.s32 @!p0 $0x1082;
	s9 =	sld [smem:$0x3FB1]  }
0x2f: {  	lr =	sadd.s32 s0, s3;
	s0 =	sld [smem:$0x3FA8]  }
0x30: {  	s3 =	sld [smem:$0x3FAB]  }
0x31: {  	[smem:$0x3FB4] =	sst s10  }
0x32: {  	s10 =	sld [smem:$0x3FB2];
	_ =	sdelay $0x3  }
0x33: {  	p0 =	seq.s32 s10, $0x1;
	s10 =	sld [smem:$0x3FB4];
	_ =	sdelay $0x3  }
0x34: {  	[smem:$0x3FB4] =	sst s10  }
0x35: {  	s10 =	sld [smem:$0x3FB3];
	_ =	sdelay $0x3  }
0x36: {  	p1 =	seq.s32 s10, $0x1;
	s10 =	sld [smem:$0x3FB4];
	_ =	sdelay $0x3  }
0x37: {  	[smem:$0x3FB4] =	sst s10  }
0x38: {  	s10 =	sld [smem:$0x3FB5]  }
0x39: {  	_ = 	snop;
	(pc) =	sbr.ind lr, $3  }
0x3a: {  	_ = 	snop  }
0x3b: {  	_ = 	snop  }
0x3c: {  	p2 =	seq.s32 s10, $0x1;
	s10 =	sld [smem:$0x3FB4]  }
0x3d: {  	_ =	shalt  }
0x3e: {  	_ =	shalt  }
0x3f: {  	_ =	shalt  }
0x40: {  	_ =	shalt  }
0x41: {  	_ =	shalt  }
0x42: {  	_ =	shalt  }
0x43: {  	_ =	shalt  }
0x44: {  	_ =	shalt  }
0x45: {  	_ =	shalt  }
0x46: {  	_ =	shalt  }
0x47: {  	_ =	shalt  }
0x48: {  	_ =	shalt  }
0x49: {  	_ =	shalt  }
0x4a: {  	_ =	shalt  }
0x4b: {  	_ =	shalt  }
0x4c: {  	_ =	shalt  }
0x4d: {  	_ =	shalt  }
0x4e: {  	_ =	shalt  }
0x4f: {  	_ =	shalt  }
0x50: {  	_ =	shalt  }
0x51: {  	_ =	shalt  }
0x52: {  	_ =	shalt  }
0x53: {  	_ =	shalt  }
0x54: {  	_ =	shalt  }
0x55: {  	_ =	shalt  }
0x56: {  	_ =	shalt  }
0x57: {  	_ =	shalt  }
0x58: {  	_ =	shalt  }
0x59: {  	_ =	shalt  }
0x5a: {  	_ =	shalt  }
0x5b: {  	_ =	shalt  }
0x5c: {  	_ =	shalt  }
0x5d: {  	_ =	shalt  }
0x5e: {  	_ =	shalt  }
0x5f: {  	_ =	shalt  }
0x60: {  	_ =	shalt  }
0x61: {  	_ =	shalt  }
0x62: {  	_ =	shalt  }
0x63: {  	_ =	shalt  }
0x64: {  	_ =	shalt  }
0x65: {  	_ =	shalt  }
0x66: {  	_ =	shalt  }
0x67: {  	_ =	shalt  }
0x68: {  	_ =	shalt  }
0x69: {  	_ =	shalt  }
0x6a: {  	_ =	shalt  }
0x6b: {  	_ =	shalt  }
0x6c: {  	_ =	shalt  }
0x6d: {  	_ =	shalt  }
0x6e: {  	_ =	shalt  }
0x6f: {  	_ =	shalt  }
0x70: {  	_ =	shalt  }
0x71: {  	_ =	shalt  }
0x72: {  	_ =	shalt  }
0x73: {  	_ =	shalt  }
0x74: {  	_ =	shalt  }
0x75: {  	_ =	shalt  }
0x76: {  	_ =	shalt  }
0x77: {  	_ =	shalt  }
0x78: {  	_ =	shalt  }
0x79: {  	_ =	shalt  }
0x7a: {  	_ =	shalt  }
0x7b: {  	_ =	shalt  }
0x7c: {  	_ =	shalt  }
0x7d: {  	_ =	shalt  }
0x7e: {  	_ =	shalt  }
0x7f: {  	_ =	shalt  }
0x80: {  	_ =	shalt  }
0x81: {  	_ =	shalt  }
0x82: {  	_ =	shalt  }
0x83: {  	_ =	shalt  }
0x84: {  	_ =	shalt  }
0x85: {  	_ =	shalt  }
0x86: {  	_ =	shalt  }
0x87: {  	_ =	shalt  }
.Lfunc_end0:
.L_simem_size_0:
called_computation_lowered:
.L_overlay_start_0:
0x88: {  	s2 =	sld [smem:$0x3FD9]  }
0x89: {  	s3 =	sld [smem:$0x3FFE];
	_ =	sdelay $0x1  }
0x8a: {  	s1 =	srdreg.scid  }
0x8b: {  	s0 =	sand.u32 $0x1, s1  }
0x8c: {  	s16 =	sshll.u32 s0, $0xA;
	s2 =	sadd.s32 s3, s2  }
0x8d: {  	s2 =	sadd.s32 s2, s16  }
0x8e: {  	[smem:$0x3FC0] =	sst s2  }
0x8f: {  	_ = 	snop  }
0x90: {  	(tm) =	ssettm $0x1  }
0x91: {  	s17 =	sld [smem:$0x3FFB];
	_ =	sdelay $0x3  }
0x92: {  	_ =	strace s17  }
0x93: {  	s2 =	sld [smem:$0x3FFC];
	_ =	sdelay $0x3  }
0x94: {  	_ =	strace s2  }
0x95: {  	s2 =	sld [smem:$0x3FFD];
	_ =	sdelay $0x3  }
0x96: {  	_ =	strace s2  }
0x97: {  	_ =	strace $0x8FFFFFFF  }
0x98: {  	s18 =	sld [smem:$0x3FDB];
	_ =	sdelay $0x1  }
0x99: {  	s19 =	simm.s32 $_scs_section_size  }
0x9a: {  	s4 =	simm.s32 $_size__tile_overlayer_lowered;
	s5 =	simm.s32 $_tile_overlayer_lowered  }
0x9b: {  	s22 =	simm.s32 $0x1BFF;
	s21 =	sshll.u32 s5, $0x1;
	s2 =	sadd.s32 s19, s18  }
0x9c: {  	s6 =	simm.s32 $0x0;
	s20 =	sshll.u32 s4, $0x1;
	s4 =	sadd.s32 s21, s2  }
0x9d: {  	[timem:s6], [sflag:s22] =	dma.local [hbm:s4], s20  }
0x9e: {  	_ =	swait.ge [sflag:s22], s20  }
0x9f: {  	s3 =	ssub.s32 $0x0, s20;
	[sflag:s22] =	ssyncset.done $0x0  }
0xa0: {  	[sflag:s22] =	ssyncadd.s32 s3;
	_ =	sdelay $0x1  }
0xa1: {  	s23 =	simm.s32 $0x1B8B  }
0xa2: {  	_ =	swait.ge [sflag:s23], $0x1  }
0xa3: {  	[sflag:s23] =	ssyncset.done $0x0  }
0xa4: {  	s25 =	simm.s32 $0x1B8E;
	s24 =	sld [smem:$0x3FFE];
	[sflag:s23] =	ssyncadd.s32 $0xFFFFFFFF  }
0xa5: {  	s26 =	simm.s32 $execute0_lowered;
	[smem:$0x3FD2] =	sst s25  }
0xa6: {  	s4 =	sshll.u32 s26, $0x1;
	_ =	strace $0x80000046;
	[dreg:$0x1] =	wrdreg $0xFFFFFFFF  }
0xa7: {  	s28 =	simm.s32 $_size_execute0_lowered;
	s2 =	sadd.s32 s2, s4;
	[dreg:$0x0] =	wrdreg $0x0  }
0xa8: {  	s4 =	sshll.u32 s28, $0x1;
	[dreg:$0x2] =	wrdreg s2  }
0xa9: {  	[dreg:$0x3] =	wrdreg s4  }
0xaa: {  	[dreg:$0x4] =	wrdreg $0xC0  }
0xab: {  	_ =	task [dreg:s6], $0x5FFFF  }
0xac: {  	[dreg:$0x1] =	wrdreg $0xFFFFFFFF  }
0xad: {  	[dreg:$0x0] =	wrdreg $0x60  }
0xae: {  	[dreg:$0x2] =	wrdreg s24  }
0xaf: {  	[dreg:$0x3] =	wrdreg $0x43800  }
0xb0: {  	[dreg:$0x4] =	wrdreg $0x9  }
0xb1: {  	_ =	task.clear_ibuf [dreg:s6], $0x5FFFF;
	_ =	strace $0x90000046  }
0xb2: {  	s29 =	simm.s32 $0x9;
	_ =	strace $0x80000048  }
0xb3: {  	_ =	swait.ge [sflag:s29], $0x1  }
0xb4: {  	[sflag:s29] =	ssyncadd.s32 $0xFFFFFFFF  }
0xb5: {  	_ =	strace $0x90000048  }
0xb6: {  	_ =	sfence  }
0xb7: {  	s30 =	sld [smem:$0x0];
	_ =	sdelay $0x2  }
0xb8: {  	s31 =	sshll.u32 s1, $0xD;
	s1 =	sshrl.u32 s1, $0x2  }
0xb9: {  	s3 =	sand.u32 $0x4000, s31;
	s1 =	sadd.s32 s1, s30  }
0xba: {  	s0 =	sor.u32 s3, s0;
	s1 =	sshll.u32 s1, $0x11  }
0xbb: {  	s0 =	sor.u32 s1, s0  }
0xbc: {  	s0 =	sadd.s32 $0x8F2B, s0  }
0xbd: {  	[sflag:s0] =	ssyncadd.remote.s32 $0x1  }
0xbe: {  	_ =	sfence.sel $0xFFFF  }
0xbf: {  	[dreg:$0x0] =	wrdreg $0xFFFFFFFF;
	(pc) =	sbr.abs _section_cstart, $3  }
0xc0: {  	[dreg:$0x1] =	wrdreg $0xFFFFFFFF  }
0xc1: {  	_ =	task.clear_ibuf [dreg:s6], $0x2FFFF;
	_ =	strace $0x9FFFFFFF  }
0xc2: {  	(tm) =	ssettm $0x7FFFFFFF  }
0xc3: {  	_ =	shalt  }
tec
execute0_lowered:
.L_overlay_start_1:
0x0: {  	(tag) =	ssettag $0x1  }
0x1: {  	s4 =	rddreg [dreg:$0x0];
	s1 =	srdreg.scid  }
0x2: {  	s0 =	stileid.u32;
	s2 =	rddreg [dreg:$0x1];
	s3 =	simm.s32 $0x0  }
0x3: {  	s12 =	simm.s32 $0x80;
	s13 =	simm.s32 $0x2780;
	s14 =	simm.s32 $0x0  }
0x4: {  	s5 =	sand.u32 $0x1, s1;
	s6 =	sshll.u32 s0, $0x1;
	s1 =	rddreg [dreg:$0x2]  }
0x5: {  	[smem:$0x7FF] =	sst s3;
	s8 =	smul.u32 $0x2800, s0;
	s10 =	sadd.s32 $0xC600, s4  }
0x6: {  	s6 =	sor.u32 s5, s6;
	s7 =	ssub.s32 $0x2, s5;
	s5 =	smul.u32 $0x28000, s5  }
0x7: {  	_ =	strace $0x80000047;
	s6 =	smul.u32 $0x4F0, s6;
	s9 =	sshrl.u32 s7, $0x1  }
0x8: {  	s29 =	sadd.s32 $0x1400, s8;
	s9 =	ssub.s32 s7, s9;
	s30 =	sadd.s32 s8, s5  }
0x9: {  	s11 =	sadd.s32 s5, s29;
	s5 =	sadd.s32 s8, s2;
	s6 =	sadd.s32 s6, s4  }
0xa: {  	s31 =	sshrl.u32 s30, $0x3;
	s11 =	sshrl.u32 s11, $0x3;
	s9 =	smax.u32 s9, $0x1  }
0xb: {  	s4 =	sadd.s32 $0x2800, s6;
	s6 =	sadd.s32 s29, s2;
	s7 =	sadd.s32 s10, s31  }
0xc: {  	v0 =	vimm.f32 $1.000000000e+00;
	v1 =	vimm.f32 $0.0e+00;
	s8 =	sadd.s32 s10, s11;
	s10 =	simm.s32 $0x1;
	s11 =	simm.s32 $0x2F80  }
.LBB2_1:
0xd: {  	[tilespmem:s3], [sflag:$0x1] =	stream.linear.gather [hbm4b:s4+s3], $0x2780, $0x38;
	[tilespmem:$0x6B80] =	vst v63  }
0xe: {  	_ =	swait.ge [sflag:s10], $0x2780  }
0xf: {  	[sflag:s10] =	ssyncset.done $0x0  }
0x10: {  	s15 =	simm.s32 $0x0;
	[sflag:s10] =	ssyncadd.s32 $0xFFFFD880  }
.LBB2_2:
0x11: {  	p0 =	sne.s32 s15, $0x1FC0  }
.Ltmp0:
0x12: {  	_ = 	snop;
	(pc) =	sbr.rel @p0 .LBB2_2-.Ltmp0, $3  }
0x13: {  	_ =	sdelay $0x1  }
0x14: {  	s16 =	sshra.s32 s15, $0x2  }
0x15: {  	s15 =	sadd.s32 $0x40, s15;
	[tilespmem:s16+$0x2780] =	vst v0  }
0x16: {  	s15 =	simm.s32 $0x40;
	s16 =	simm.s32 $0x0  }
.LBB2_4:
0x17: {  	p0 =	sne.s32 s15, $0x4FC0;
	[tilespmem:s16+$0x2F80] =	vst v1;
	s16 =	smov.u32 s15;
	s15 =	sadd.s32 $0x40, s15  }
.Ltmp1:
0x18: {  	(pc) =	sbr.rel @p0 .LBB2_4-.Ltmp1, $2  }
0x19: {  	_ =	sdelay $0x2  }
0x1a: {  	s16 =	sshra.s32 s16, $0x2  }
0x1b: {  	[tilespmem:s16+$0x2F80] =	vst v1  }
0x1c: {  	[spmem:s5] =	stream.linear.scatter [tilespmem:s11], [sflag:$0x1], $0x1400, $0x38;
	[tilespmem:$0x6B80] =	vst v63  }
0x1d: {  	_ =	swait.ge [sflag:s10], $0x1400  }
0x1e: {  	[sflag:s10] =	ssyncset.done $0x0  }
0x1f: {  	[sflag:s10] =	ssyncadd.s32 $0xFFFFEC00  }
0x20: {  	[spmem:s6] =	stream.linear.scatter [tilespmem:s11], [sflag:$0x1], $0x1400, $0x38;
	[tilespmem:$0x6B80] =	vst v63  }
0x21: {  	_ =	swait.ge [sflag:s10], $0x1400  }
0x22: {  	[sflag:s10] =	ssyncset.done $0x0  }
0x23: {  	[sflag:s10] =	ssyncadd.s32 $0xFFFFEC00  }
0x24: {  	s15 =	simm.s32 $0x0;
	[bflag:$0x0] =	sbarrier.arrive $0xFFFF  }
0x25: {  	[spmem:s2] =	stream.indirect.scatter.add.f32 [tilespmem:s13], [sflag:$0x1], $0x10, s15, s12, $0xb8;
	[tilespmem:$0x6B80] =	vst v63  }
0x26: {  	_ =	swait.ge [sflag:s10], $0x800  }
0x27: {  	s15 =	simm.s32 $0x200;
	[sflag:s10] =	ssyncset.done $0x0  }
.LBB2_6:
0x28: {  	s16 =	sshra.s32 s15, $0x2;
	[sflag:s10] =	ssyncadd.s32 $0xFFFFF800;
	p0 =	sne.s32 s15, $0x9C00  }
0x29: {  	[spmem:s2] =	stream.indirect.scatter.add.f32 [tilespmem:s13], [sflag:$0x1], $0x10, s16, s12, $0xb8;
	[tilespmem:$0x6B80] =	vst v63  }
.Ltmp2:
0x2a: {  	_ = 	snop;
	(pc) =	sbr.rel @p0 .LBB2_6-.Ltmp2, $4  }
0x2b: {  	_ = 	snop  }
0x2c: {  	s15 =	sadd.s32 $0x200, s15  }
0x2d: {  	_ =	swait.ge [sflag:s10], $0x800  }
0x2e: {  	[sflag:s10] =	ssyncset.done $0x0  }
0x2f: {  	[sflag:s10] =	ssyncadd.s32 $0xFFFFF800  }
0x30: {  	[bflag:$0x0] =	sbarrier.arrive $0xFFFF  }
0x31: {  	[tilespmem:s11], [sflag:$0x1] =	stream.linear.gather [spmem:s5], $0x1400, $0x38;
	[tilespmem:$0x6B80] =	vst v63  }
0x32: {  	_ =	swait.ge [sflag:s10], $0x1400  }
0x33: {  	[sflag:s10] =	ssyncset.done $0x0  }
0x34: {  	[sflag:s10] =	ssyncadd.s32 $0xFFFFEC00  }
0x35: {  	[hbm4b:s7+s3] =	stream.linear.scatter [tilespmem:s11], [sflag:$0x1], $0x1400, $0x38;
	[tilespmem:$0x6B80] =	vst v63  }
0x36: {  	_ =	swait.ge [sflag:s10], $0x1400  }
0x37: {  	[sflag:s10] =	ssyncset.done $0x0  }
0x38: {  	[sflag:s10] =	ssyncadd.s32 $0xFFFFEC00  }
0x39: {  	[tilespmem:s11], [sflag:$0x1] =	stream.linear.gather [spmem:s6], $0x1400, $0x38;
	[tilespmem:$0x6B80] =	vst v63  }
0x3a: {  	s14 =	sadd.s32 $0x1, s14;
	_ =	swait.ge [sflag:s10], $0x1400  }
0x3b: {  	p0 =	sne.s32 s14, s9;
	[sflag:s10] =	ssyncset.done $0x0  }
.Ltmp3:
0x3c: {  	[sflag:s10] =	ssyncadd.s32 $0xFFFFEC00;
	(pc) =	sbr.rel @p0 .LBB2_1-.Ltmp3, $4  }
0x3d: {  	[hbm4b:s8+s3] =	stream.linear.scatter [tilespmem:s11], [sflag:$0x1], $0x1400, $0x38;
	[tilespmem:$0x6B80] =	vst v63  }
0x3e: {  	_ =	swait.ge [sflag:s10], $0x1400  }
0x3f: {  	[sflag:s10] =	ssyncset.done $0x0  }
0x40: {  	[sflag:s10] =	ssyncadd.s32 $0xFFFFEC00  }
0x41: {  	_ =	sfence.sel $0x180000  }
0x42: {  	[bflag:$0x0] =	sbarrier.arrive $0xFFFF  }
0x43: {  	p0 =	sne.s32 s0, $0x0;
	_ =	strace $0x90000047  }
0x44: {  	s0 =	sadd.s32 @!p0 $0x100000, s1;
	[bflag:$0x2] =	sbarrier.arrive $0xFFFF  }
0x45: {  	[sflag:s0] =	ssyncadd.tile.s32 @!p0 $0x1;
	_ =	shalt  }
.Lfunc_end2:
_tile_overlayer_lowered:
.L_overlay_start_2:
0x46: {  	(tag) =	ssettag $0x2  }
0x47: {  	s0 =	rddreg [dreg:$0x0];
	s2 =	stileid.u32  }
0x48: {  	s1 =	rddreg [dreg:$0x1];
	p0 =	sne.s32 s2, $0x0  }
0x49: {  	s3 =	rddreg [dreg:$0x2];
	[bflag:$0x3] =	sbarrier.arrive $0xFFFF;
	s2 =	simm.s32 @!p0 $0x1C01  }
0x4a: {  	[timem:s3], [sflag:s2] =	dma.local @!p0 [hbm:s0], s1  }
0x4b: {  	s0 =	simm.s32 @!p0 $0x1  }
0x4c: {  	_ =	swait.ge @!p0 [sflag:s0], s1  }
0x4d: {  	s1 =	ssub.s32 @!p0 $0x0, s1;
	[sflag:s0] =	ssyncset.done @!p0 $0x0  }
0x4e: {  	[sflag:s0] =	ssyncadd.s32 @!p0 s1  }
0x4f: {  	[bflag:$0x3] =	sbarrier.arrive $0xFFFF  }
0x50: {  	_ =	shalt  }

</sc_bundles>
